<compile_context>
chip_gen: v7x
topology: tpu7x:2x2x1
jax: 0.10.2.dev20260603
libtpu: 0.0.44.dev20260713+nightly
codegen_flags: <defaults>
</compile_context>

<pallas_src>
import functools

import jax
import jax.numpy as jnp
from jax import lax
from jax.experimental import pallas as pl
from jax.experimental.pallas import tpu as pltpu
from jax.experimental.pallas import tpu_sc as plsc

N_NODES = 10000
N_RELP1 = 5
D = 128
DH = D // 2
S = 10

_info = plsc.get_sparse_core_info()
NC, NS, L = _info.num_cores, _info.num_subcores, _info.num_lanes
NC_USED = NC
NW = NC_USED * NS

K0 = 6
PAD_B = 10240
B_PER_W = PAD_B // NW
CH = 80
N_CHUNKS = B_PER_W // CH


def _tc_body(w_ref, emb_ref, out_ref):
    t = lax.dot_general(
        emb_ref[...], w_ref[0],
        (((1,), (1,)), ((), ())),
        preferred_element_type=jnp.float32,
    )
    out_ref[0] = (t * 20.0).astype(jnp.bfloat16)


def _make_table(emb_table, relation_weights):
    return pl.pallas_call(
        _tc_body,
        grid=(N_RELP1,),
        in_specs=[
            pl.BlockSpec((1, D, D), lambda r: (r, 0, 0)),
            pl.BlockSpec((N_NODES, D), lambda r: (0, 0)),
        ],
        out_specs=pl.BlockSpec((1, N_NODES, D), lambda r: (r, 0, 0)),
        out_shape=jax.ShapeDtypeStruct((N_RELP1, N_NODES, D), jnp.bfloat16),
    )(relation_weights, emb_table)


_sc_mesh = plsc.VectorSubcoreMesh(core_axis_name="c", subcore_axis_name="s", num_cores=NC_USED)


def _tree_sum(vals):
    while len(vals) > 1:
        nxt = [vals[i] + vals[i + 1] for i in range(0, len(vals) - 1, 2)]
        if len(vals) % 2:
            nxt.append(vals[-1])
        vals = nxt
    return vals[0]


@functools.partial(
    pl.kernel,
    mesh=_sc_mesh,
    out_type=jax.ShapeDtypeStruct((PAD_B, D), jnp.bfloat16),
    scratch_types=[
        pltpu.VMEM((6 * CH * S,), jnp.int32),
        pltpu.VMEM((CH * S, D), jnp.bfloat16),
        pltpu.VMEM((CH * S, D), jnp.bfloat16),
        pltpu.VMEM((CH, D), jnp.bfloat16),
        pltpu.SemaphoreType.DMA,
        pltpu.SemaphoreType.DMA,
    ],
    compiler_params=pltpu.CompilerParams(use_tc_tiling_on_sc=False),
)
def _sc_gather_sum(table_hbm, idx_hbm, out_hbm, idx_v, rows_a, rows_b, outc_v, sem_a, sem_b):
    c_idx = lax.axis_index("c")
    sid = lax.axis_index("s")
    base_chunk = sid * (2 * N_CHUNKS) + jnp.where(c_idx == 0, 0, K0)
    my_chunks = jnp.where(c_idx == 0, K0, 2 * N_CHUNKS - K0)
    MAXC = max(K0, 2 * N_CHUNKS - K0)
    pltpu.sync_copy(
        idx_hbm.at[pl.ds(base_chunk * CH * S, MAXC * CH * S)], idx_v
    )

    bufs = [(rows_a, sem_a), (rows_b, sem_b)]

    def gather_args(j):
        rows, sem = bufs[j % 2]
        return table_hbm.at[idx_v.at[pl.ds(j * CH * S, CH * S)]], rows, sem

    def fire(j):
        @pl.when(j < my_chunks)
        def _():
            pltpu.async_copy(*gather_args(j))

    def wait(j):
        @pl.when(j < my_chunks)
        def _():
            pltpu.make_async_copy(*gather_args(j)).wait()

    fire(0)
    for j in range(MAXC):
        wait(j)
        if j + 1 < MAXC:
            fire(j + 1)

        @pl.when(j < my_chunks)
        def _(j=j):
            rows_v = bufs[j % 2][0]

            def node_body(n, carry2):
                for g in range(D // (2 * L)):
                    sl = pl.ds(g * 2 * L, 2 * L)
                    vals = [rows_v[n * S + s2, sl] for s2 in range(S)]
                    acc = _tree_sum(vals)
                    outc_v[n, sl] = jnp.maximum(acc, jnp.bfloat16(0.0))
                return carry2

            lax.fori_loop(0, CH, node_body, 0)
            pltpu.sync_copy(
                outc_v, out_hbm.at[pl.ds((base_chunk + j) * CH, CH), :]
            )


def kernel(nodes, emb_table, relation_weights, sampled_neighbors, sampled_relations):
    B, s = sampled_neighbors.shape
    idx = (
        sampled_relations.astype(jnp.int32) * N_NODES
        + sampled_neighbors.astype(jnp.int32)
    ).reshape(-1)
    idx = jnp.pad(idx, (0, PAD_B * S - B * S))
    table = _make_table(emb_table, relation_weights).reshape(N_RELP1 * N_NODES, D)
    out = _sc_gather_sum(table, idx)
    return out[:B].astype(jnp.float32)

# --- scband reference (transcript-rebuilt; emitter-appended) ---
"""Pipeline reference for scband-loop-relational-graph-convolution-77386720740027 (READ-ONLY COPY).

The authoritative reference and input builder live on the scoring server;
editing this copy changes nothing except your own understanding.
"""

import jax, jax.numpy as jnp
import numpy as np

NUM_NODES = 10000
NUM_REL = 4
D_IN = 128
D_OUT = 128
NUM_SAMPLE = 10
NUM_EDGES = 320000


def setup_inputs(seed: int = 0) -> dict:
    rng = np.random.default_rng(0)
    heads = rng.integers(0, NUM_NODES, NUM_EDGES)
    tails = rng.integers(0, NUM_NODES, NUM_EDGES)
    rels = rng.integers(0, NUM_REL, NUM_EDGES)
    triples = np.stack([heads, tails, rels], axis=1)
    self_triples = np.stack([np.arange(NUM_NODES), np.arange(NUM_NODES), np.full(NUM_NODES, NUM_REL)], axis=1)
    all_triples = np.concatenate([triples, self_triples]).astype(np.int64)
    order = np.argsort(all_triples[:, 0], kind='stable')
    sorted_t = all_triples[order]
    counts = np.bincount(sorted_t[:, 0], minlength=NUM_NODES)
    offsets = np.concatenate([[0], np.cumsum(counts)])
    # sample NUM_SAMPLE edges per node (every node has >=1 edge via self-loop)
    idx = offsets[:-1][:, None] + rng.integers(0, counts[:, None], size=(NUM_NODES, NUM_SAMPLE))
    sampled_neighbors = sorted_t[idx, 1]
    sampled_relations = sorted_t[idx, 2]

    key = jax.random.key(seed)
    k1, k2 = jax.random.split(key)
    emb_table = jax.random.normal(k1, (NUM_NODES, D_IN), dtype=jnp.float32)
    limit = float(np.sqrt(6.0 / (D_IN + D_OUT)))
    relation_weights = jax.random.uniform(k2, (NUM_REL + 1, D_OUT, D_IN), dtype=jnp.float32, minval=-limit, maxval=limit)
    nodes = jnp.arange(NUM_NODES, dtype=jnp.int64)
    return {
        'nodes': nodes,
        'emb_table': emb_table,
        'relation_weights': relation_weights,
        'sampled_neighbors': jnp.asarray(sampled_neighbors, dtype=jnp.int64),
        'sampled_relations': jnp.asarray(sampled_relations, dtype=jnp.int64),
    }


def reference(nodes, emb_table, relation_weights, sampled_neighbors, sampled_relations):
    B, S = sampled_neighbors.shape
    # in_features_func: embedding lookup (SparseCore gather)
    neighbor_embeddings = jnp.take(emb_table, sampled_neighbors.reshape(-1), axis=0)
    neighbor_embeddings = neighbor_embeddings.reshape(B, S, -1)
    output_embeddings = None
    for relation in range(NUM_REL + 1):
        mask = (sampled_relations == relation).astype(jnp.float32)[..., None]
        aggregated = (mask * neighbor_embeddings).mean(axis=1)
        term = aggregated @ relation_weights[relation].T
        output_embeddings = term if output_embeddings is None else output_embeddings + term
    return jax.nn.relu(output_embeddings / (NUM_REL + 1) * 1000.0)

if __name__ == "__main__":
    import jax
    _d = setup_inputs()
    print(jax.jit(kernel)(*tuple(_d.values())))

</pallas_src>

<mosaic_0001>
#map = affine_map<(d0, d1) -> (0, 0)>
#map1 = affine_map<(d0, d1) -> (0)>
module attributes {stable_mosaic.version = 14 : i64} {
  func.func @_sc_gather_sum(%arg0: i32, %arg1: i32, %arg2: memref<50000x128xbf16, #tpu.memory_space<hbm>>, %arg3: memref<102400xi32, #tpu.memory_space<hbm>>, %arg4: memref<10240x128xbf16, #tpu.memory_space<hbm>>, %arg5: memref<4800xi32, #tpu.memory_space<vmem>>, %arg6: memref<800x128xbf16, #tpu.memory_space<vmem>>, %arg7: memref<800x128xbf16, #tpu.memory_space<vmem>>, %arg8: memref<80x128xbf16, #tpu.memory_space<vmem>>, %arg9: memref<!tpu.dma_semaphore, #tpu.memory_space<semaphore_mem>>, %arg10: memref<!tpu.dma_semaphore, #tpu.memory_space<semaphore_mem>>) attributes {dimension_semantics = [#tpu.dimension_semantics<core_parallel>, #tpu.dimension_semantics<subcore_parallel>], iteration_bounds = array<i64: 2, 16>, scalar_prefetch = 0 : i64, scratch_operands = 6 : i64, tpu.core_type = #tpu.core_type<sc_vector_subcore>, window_params = [{transform_indices = #map}, {transform_indices = #map1}, {transform_indices = #map}]} {
    %mul3A = arith.constant 8 : i32
    %mul3A_0 = arith.muli %arg1, %mul3A : i32
    %eq3A = arith.constant 0 : i32
    %eq3A_1 = arith.cmpi eq, %arg0, %eq3A : i32
    %jit3A = arith.constant 0 : i32
    %jit3A_2 = arith.constant 6 : i32
    %select_n3A = arith.select %eq3A_1, %jit3A, %jit3A_2 : i32
    %add3A = arith.addi %mul3A_0, %select_n3A : i32
    %eq3A_3 = arith.constant 0 : i32
    %eq3A_4 = arith.cmpi eq, %arg0, %eq3A_3 : i32
    %jit3A_5 = arith.constant 6 : i32
    %jit3A_6 = arith.constant 2 : i32
    %select_n3A_7 = arith.select %eq3A_4, %jit3A_5, %jit3A_6 : i32
    %mul3A_8 = arith.constant 80 : i32
    %mul3A_9 = arith.muli %add3A, %mul3A_8 : i32
    %mul3A_10 = arith.constant 10 : i32
    %mul3A_11 = arith.muli %mul3A_9, %mul3A_10 : i32
    "tpu.region"() ({
      %run_scoped3A = tpu.sem_alloc : memref<!tpu.dma_semaphore, #tpu.memory_space<semaphore_mem>>
      %dma_start3A = tpu.memref_slice %arg3[%mul3A_11] : memref<102400xi32, #tpu.memory_space<hbm>> -> memref<4800xi32, #tpu.memory_space<hbm>>
      %dma_start3A_99 = tpu.memref_slice %arg3[%mul3A_11] : memref<102400xi32, #tpu.memory_space<hbm>> -> memref<4800xi32, #tpu.memory_space<hbm>>
      tpu.enqueue_dma source(%dma_start3A_99 : memref<4800xi32, #tpu.memory_space<hbm>>) target(%arg5 : memref<4800xi32, #tpu.memory_space<vmem>>) target_semaphore(%run_scoped3A : memref<!tpu.dma_semaphore, #tpu.memory_space<semaphore_mem>>)
      %dma_wait3A = tpu.memref_slice %arg3[%mul3A_11] : memref<102400xi32, #tpu.memory_space<hbm>> -> memref<4800xi32, #tpu.memory_space<hbm>>
      %dma_wait3A_100 = tpu.memref_slice %arg3[%mul3A_11] : memref<102400xi32, #tpu.memory_space<hbm>> -> memref<4800xi32, #tpu.memory_space<hbm>>
      tpu.wait_dma2 semaphore(%run_scoped3A : memref<!tpu.dma_semaphore, #tpu.memory_space<semaphore_mem>>) src(%dma_wait3A_100 : memref<4800xi32, #tpu.memory_space<hbm>>) dst(%arg5 : memref<4800xi32, #tpu.memory_space<vmem>>)
      tpu.yield
    }) : () -> ()
    %gt3A = arith.constant 0 : i32
    %gt3A_12 = arith.cmpi sgt, %select_n3A_7, %gt3A : i32
    %convert_element_type3A = arith.extui %gt3A_12 : i1 to i32
    %cond3A = arith.constant 0 : i32
    %cond3A_13 = arith.cmpi ne, %convert_element_type3A, %cond3A : i32
    scf.if %cond3A_13 {
      %dma_start3A = arith.constant 0 : i32
      %dma_start3A_99 = tpu.memref_slice %arg5[%dma_start3A] : memref<4800xi32, #tpu.memory_space<vmem>> -> memref<800xi32, #tpu.memory_space<vmem>>
      %dma_start3A_100 = arith.constant 0 : i32
      %dma_start3A_101 = arith.constant 0 : i32
      %dma_start3A_102 = tpu.memref_slice %arg2[%dma_start3A_100, %dma_start3A_101] : memref<50000x128xbf16, #tpu.memory_space<hbm>> -> memref<50000x128xbf16, #tpu.memory_space<hbm>>
      tpu.enqueue_indirect_dma source(%dma_start3A_102 : memref<50000x128xbf16, #tpu.memory_space<hbm>>) target(%arg6 : memref<800x128xbf16, #tpu.memory_space<vmem>>) offsets(%dma_start3A_99 : memref<800xi32, #tpu.memory_space<vmem>>) semaphore(%arg9 : memref<!tpu.dma_semaphore, #tpu.memory_space<semaphore_mem>>)
    } else {
    }
    %gt3A_14 = arith.constant 0 : i32
    %gt3A_15 = arith.cmpi sgt, %select_n3A_7, %gt3A_14 : i32
    %convert_element_type3A_16 = arith.extui %gt3A_15 : i1 to i32
    %cond3A_17 = arith.constant 0 : i32
    %cond3A_18 = arith.cmpi ne, %convert_element_type3A_16, %cond3A_17 : i32
    scf.if %cond3A_18 {
      %dma_wait3A = arith.constant 0 : i32
      %dma_wait3A_99 = tpu.memref_slice %arg5[%dma_wait3A] : memref<4800xi32, #tpu.memory_space<vmem>> -> memref<800xi32, #tpu.memory_space<vmem>>
      %dma_wait3A_100 = arith.constant 0 : i32
      %dma_wait3A_101 = arith.constant 0 : i32
      %dma_wait3A_102 = tpu.memref_slice %arg2[%dma_wait3A_100, %dma_wait3A_101] : memref<50000x128xbf16, #tpu.memory_space<hbm>> -> memref<50000x128xbf16, #tpu.memory_space<hbm>>
      tpu.wait_indirect_dma semaphore(%arg9 : memref<!tpu.dma_semaphore, #tpu.memory_space<semaphore_mem>>) src(%dma_wait3A_102 : memref<50000x128xbf16, #tpu.memory_space<hbm>>) dst(%arg6 : memref<800x128xbf16, #tpu.memory_space<vmem>>)
    } else {
    }
    %gt3A_19 = arith.constant 1 : i32
    %gt3A_20 = arith.cmpi sgt, %select_n3A_7, %gt3A_19 : i32
    %convert_element_type3A_21 = arith.extui %gt3A_20 : i1 to i32
    %cond3A_22 = arith.constant 0 : i32
    %cond3A_23 = arith.cmpi ne, %convert_element_type3A_21, %cond3A_22 : i32
    scf.if %cond3A_23 {
      %dma_start3A = arith.constant 800 : i32
      %dma_start3A_99 = tpu.memref_slice %arg5[%dma_start3A] : memref<4800xi32, #tpu.memory_space<vmem>> -> memref<800xi32, #tpu.memory_space<vmem>>
      %dma_start3A_100 = arith.constant 0 : i32
      %dma_start3A_101 = arith.constant 0 : i32
      %dma_start3A_102 = tpu.memref_slice %arg2[%dma_start3A_100, %dma_start3A_101] : memref<50000x128xbf16, #tpu.memory_space<hbm>> -> memref<50000x128xbf16, #tpu.memory_space<hbm>>
      tpu.enqueue_indirect_dma source(%dma_start3A_102 : memref<50000x128xbf16, #tpu.memory_space<hbm>>) target(%arg7 : memref<800x128xbf16, #tpu.memory_space<vmem>>) offsets(%dma_start3A_99 : memref<800xi32, #tpu.memory_space<vmem>>) semaphore(%arg10 : memref<!tpu.dma_semaphore, #tpu.memory_space<semaphore_mem>>)
    } else {
    }
    %gt3A_24 = arith.constant 0 : i32
    %gt3A_25 = arith.cmpi sgt, %select_n3A_7, %gt3A_24 : i32
    %convert_element_type3A_26 = arith.extui %gt3A_25 : i1 to i32
    %cond3A_27 = arith.constant 0 : i32
    %cond3A_28 = arith.cmpi ne, %convert_element_type3A_26, %cond3A_27 : i32
    scf.if %cond3A_28 {
      %scan3A = arith.constant 0 : i32
      %scan3A_99 = arith.constant 0 : i32
      %scan3A_100 = arith.constant 80 : i32
      %scan3A_101 = arith.addi %scan3A_99, %scan3A_100 : i32
      %scan3A_102 = arith.constant 1 : i32
      scf.for %scan3A_108 = %scan3A_99 to %scan3A_101 step %scan3A_102  : i32 {
        %mul3A_109 = arith.constant 10 : i32
        %mul3A_110 = arith.muli %scan3A_108, %mul3A_109 : i32
        %add3A_111 = arith.constant 0 : i32
        %add3A_112 = arith.addi %mul3A_110, %add3A_111 : i32
        %get3A = arith.index_cast %add3A_112 : i32 to index
        %get3A_113 = arith.constant 0 : index
        %get3A_114 = tpu.vector_load %arg6[%get3A, %get3A_113] {strides = array<i32>} : memref<800x128xbf16, #tpu.memory_space<vmem>>, vector<1x32xbf16>,
        %get3A_115 = vector.shape_cast %get3A_114 : vector<1x32xbf16> to vector<32xbf16>
        %mul3A_116 = arith.constant 10 : i32
        %mul3A_117 = arith.muli %scan3A_108, %mul3A_116 : i32
        %add3A_118 = arith.constant 1 : i32
        %add3A_119 = arith.addi %mul3A_117, %add3A_118 : i32
        %get3A_120 = arith.index_cast %add3A_119 : i32 to index
        %get3A_121 = arith.constant 0 : index
        %get3A_122 = tpu.vector_load %arg6[%get3A_120, %get3A_121] {strides = array<i32>} : memref<800x128xbf16, #tpu.memory_space<vmem>>, vector<1x32xbf16>,
        %get3A_123 = vector.shape_cast %get3A_122 : vector<1x32xbf16> to vector<32xbf16>
        %mul3A_124 = arith.constant 10 : i32
        %mul3A_125 = arith.muli %scan3A_108, %mul3A_124 : i32
        %add3A_126 = arith.constant 2 : i32
        %add3A_127 = arith.addi %mul3A_125, %add3A_126 : i32
        %get3A_128 = arith.index_cast %add3A_127 : i32 to index
        %get3A_129 = arith.constant 0 : index
        %get3A_130 = tpu.vector_load %arg6[%get3A_128, %get3A_129] {strides = array<i32>} : memref<800x128xbf16, #tpu.memory_space<vmem>>, vector<1x32xbf16>,
        %get3A_131 = vector.shape_cast %get3A_130 : vector<1x32xbf16> to vector<32xbf16>
        %mul3A_132 = arith.constant 10 : i32
        %mul3A_133 = arith.muli %scan3A_108, %mul3A_132 : i32
        %add3A_134 = arith.constant 3 : i32
        %add3A_135 = arith.addi %mul3A_133, %add3A_134 : i32
        %get3A_136 = arith.index_cast %add3A_135 : i32 to index
        %get3A_137 = arith.constant 0 : index
        %get3A_138 = tpu.vector_load %arg6[%get3A_136, %get3A_137] {strides = array<i32>} : memref<800x128xbf16, #tpu.memory_space<vmem>>, vector<1x32xbf16>,
        %get3A_139 = vector.shape_cast %get3A_138 : vector<1x32xbf16> to vector<32xbf16>
        %mul3A_140 = arith.constant 10 : i32
        %mul3A_141 = arith.muli %scan3A_108, %mul3A_140 : i32
        %add3A_142 = arith.constant 4 : i32
        %add3A_143 = arith.addi %mul3A_141, %add3A_142 : i32
        %get3A_144 = arith.index_cast %add3A_143 : i32 to index
        %get3A_145 = arith.constant 0 : index
        %get3A_146 = tpu.vector_load %arg6[%get3A_144, %get3A_145] {strides = array<i32>} : memref<800x128xbf16, #tpu.memory_space<vmem>>, vector<1x32xbf16>,
        %get3A_147 = vector.shape_cast %get3A_146 : vector<1x32xbf16> to vector<32xbf16>
        %mul3A_148 = arith.constant 10 : i32
        %mul3A_149 = arith.muli %scan3A_108, %mul3A_148 : i32
        %add3A_150 = arith.constant 5 : i32
        %add3A_151 = arith.addi %mul3A_149, %add3A_150 : i32
        %get3A_152 = arith.index_cast %add3A_151 : i32 to index
        %get3A_153 = arith.constant 0 : index
        %get3A_154 = tpu.vector_load %arg6[%get3A_152, %get3A_153] {strides = array<i32>} : memref<800x128xbf16, #tpu.memory_space<vmem>>, vector<1x32xbf16>,
        %get3A_155 = vector.shape_cast %get3A_154 : vector<1x32xbf16> to vector<32xbf16>
        %mul3A_156 = arith.constant 10 : i32
        %mul3A_157 = arith.muli %scan3A_108, %mul3A_156 : i32
        %add3A_158 = arith.constant 6 : i32
        %add3A_159 = arith.addi %mul3A_157, %add3A_158 : i32
        %get3A_160 = arith.index_cast %add3A_159 : i32 to index
        %get3A_161 = arith.constant 0 : index
        %get3A_162 = tpu.vector_load %arg6[%get3A_160, %get3A_161] {strides = array<i32>} : memref<800x128xbf16, #tpu.memory_space<vmem>>, vector<1x32xbf16>,
        %get3A_163 = vector.shape_cast %get3A_162 : vector<1x32xbf16> to vector<32xbf16>
        %mul3A_164 = arith.constant 10 : i32
        %mul3A_165 = arith.muli %scan3A_108, %mul3A_164 : i32
        %add3A_166 = arith.constant 7 : i32
        %add3A_167 = arith.addi %mul3A_165, %add3A_166 : i32
        %get3A_168 = arith.index_cast %add3A_167 : i32 to index
        %get3A_169 = arith.constant 0 : index
        %get3A_170 = tpu.vector_load %arg6[%get3A_168, %get3A_169] {strides = array<i32>} : memref<800x128xbf16, #tpu.memory_space<vmem>>, vector<1x32xbf16>,
        %get3A_171 = vector.shape_cast %get3A_170 : vector<1x32xbf16> to vector<32xbf16>
        %mul3A_172 = arith.constant 10 : i32
        %mul3A_173 = arith.muli %scan3A_108, %mul3A_172 : i32
        %add3A_174 = arith.constant 8 : i32
        %add3A_175 = arith.addi %mul3A_173, %add3A_174 : i32
        %get3A_176 = arith.index_cast %add3A_175 : i32 to index
        %get3A_177 = arith.constant 0 : index
        %get3A_178 = tpu.vector_load %arg6[%get3A_176, %get3A_177] {strides = array<i32>} : memref<800x128xbf16, #tpu.memory_space<vmem>>, vector<1x32xbf16>,
        %get3A_179 = vector.shape_cast %get3A_178 : vector<1x32xbf16> to vector<32xbf16>
        %mul3A_180 = arith.constant 10 : i32
        %mul3A_181 = arith.muli %scan3A_108, %mul3A_180 : i32
        %add3A_182 = arith.constant 9 : i32
        %add3A_183 = arith.addi %mul3A_181, %add3A_182 : i32
        %get3A_184 = arith.index_cast %add3A_183 : i32 to index
        %get3A_185 = arith.constant 0 : index
        %get3A_186 = tpu.vector_load %arg6[%get3A_184, %get3A_185] {strides = array<i32>} : memref<800x128xbf16, #tpu.memory_space<vmem>>, vector<1x32xbf16>,
        %get3A_187 = vector.shape_cast %get3A_186 : vector<1x32xbf16> to vector<32xbf16>
        %add3A_188 = arith.addf %get3A_115, %get3A_123 : vector<32xbf16>
        %add3A_189 = arith.addf %get3A_131, %get3A_139 : vector<32xbf16>
        %add3A_190 = arith.addf %get3A_147, %get3A_155 : vector<32xbf16>
        %add3A_191 = arith.addf %get3A_163, %get3A_171 : vector<32xbf16>
        %add3A_192 = arith.addf %get3A_179, %get3A_187 : vector<32xbf16>
        %add3A_193 = arith.addf %add3A_188, %add3A_189 : vector<32xbf16>
        %add3A_194 = arith.addf %add3A_190, %add3A_191 : vector<32xbf16>
        %add3A_195 = arith.addf %add3A_193, %add3A_194 : vector<32xbf16>
        %add3A_196 = arith.addf %add3A_195, %add3A_192 : vector<32xbf16>
        %max3A = arith.constant 0.000000e+00 : bf16
        %max3A_197 = vector.broadcast %max3A : bf16 to vector<32xbf16>
        %max3A_198 = arith.maximumf %add3A_196, %max3A_197 : vector<32xbf16>
        %swap3A = arith.index_cast %scan3A_108 : i32 to index
        %swap3A_199 = arith.constant 0 : index
        %swap3A_200 = tpu.vector_load %arg8[%swap3A, %swap3A_199] {strides = array<i32>} : memref<80x128xbf16, #tpu.memory_space<vmem>>, vector<1x32xbf16>,
        %swap3A_201 = vector.shape_cast %swap3A_200 : vector<1x32xbf16> to vector<32xbf16>
        %swap3A_202 = vector.shape_cast %max3A_198 : vector<32xbf16> to vector<1x32xbf16>
        tpu.vector_store %arg8[%swap3A, %swap3A_199], %swap3A_202 {strides = array<i32>} : memref<80x128xbf16, #tpu.memory_space<vmem>>, vector<1x32xbf16>,
        %mul3A_203 = arith.constant 10 : i32
        %mul3A_204 = arith.muli %scan3A_108, %mul3A_203 : i32
        %add3A_205 = arith.constant 0 : i32
        %add3A_206 = arith.addi %mul3A_204, %add3A_205 : i32
        %get3A_207 = arith.index_cast %add3A_206 : i32 to index
        %get3A_208 = arith.constant 32 : index
        %get3A_209 = tpu.vector_load %arg6[%get3A_207, %get3A_208] {strides = array<i32>} : memref<800x128xbf16, #tpu.memory_space<vmem>>, vector<1x32xbf16>,
        %get3A_210 = vector.shape_cast %get3A_209 : vector<1x32xbf16> to vector<32xbf16>
        %mul3A_211 = arith.constant 10 : i32
        %mul3A_212 = arith.muli %scan3A_108, %mul3A_211 : i32
        %add3A_213 = arith.constant 1 : i32
        %add3A_214 = arith.addi %mul3A_212, %add3A_213 : i32
        %get3A_215 = arith.index_cast %add3A_214 : i32 to index
        %get3A_216 = arith.constant 32 : index
        %get3A_217 = tpu.vector_load %arg6[%get3A_215, %get3A_216] {strides = array<i32>} : memref<800x128xbf16, #tpu.memory_space<vmem>>, vector<1x32xbf16>,
        %get3A_218 = vector.shape_cast %get3A_217 : vector<1x32xbf16> to vector<32xbf16>
        %mul3A_219 = arith.constant 10 : i32
        %mul3A_220 = arith.muli %scan3A_108, %mul3A_219 : i32
        %add3A_221 = arith.constant 2 : i32
        %add3A_222 = arith.addi %mul3A_220, %add3A_221 : i32
        %get3A_223 = arith.index_cast %add3A_222 : i32 to index
        %get3A_224 = arith.constant 32 : index
        %get3A_225 = tpu.vector_load %arg6[%get3A_223, %get3A_224] {strides = array<i32>} : memref<800x128xbf16, #tpu.memory_space<vmem>>, vector<1x32xbf16>,
        %get3A_226 = vector.shape_cast %get3A_225 : vector<1x32xbf16> to vector<32xbf16>
        %mul3A_227 = arith.constant 10 : i32
        %mul3A_228 = arith.muli %scan3A_108, %mul3A_227 : i32
        %add3A_229 = arith.constant 3 : i32
        %add3A_230 = arith.addi %mul3A_228, %add3A_229 : i32
        %get3A_231 = arith.index_cast %add3A_230 : i32 to index
        %get3A_232 = arith.constant 32 : index
        %get3A_233 = tpu.vector_load %arg6[%get3A_231, %get3A_232] {strides = array<i32>} : memref<800x128xbf16, #tpu.memory_space<vmem>>, vector<1x32xbf16>,
        %get3A_234 = vector.shape_cast %get3A_233 : vector<1x32xbf16> to vector<32xbf16>
        %mul3A_235 = arith.constant 10 : i32
        %mul3A_236 = arith.muli %scan3A_108, %mul3A_235 : i32
        %add3A_237 = arith.constant 4 : i32
        %add3A_238 = arith.addi %mul3A_236, %add3A_237 : i32
        %get3A_239 = arith.index_cast %add3A_238 : i32 to index
        %get3A_240 = arith.constant 32 : index
        %get3A_241 = tpu.vector_load %arg6[%get3A_239, %get3A_240] {strides = array<i32>} : memref<800x128xbf16, #tpu.memory_space<vmem>>, vector<1x32xbf16>,
        %get3A_242 = vector.shape_cast %get3A_241 : vector<1x32xbf16> to vector<32xbf16>
        %mul3A_243 = arith.constant 10 : i32
        %mul3A_244 = arith.muli %scan3A_108, %mul3A_243 : i32
        %add3A_245 = arith.constant 5 : i32
        %add3A_246 = arith.addi %mul3A_244, %add3A_245 : i32
        %get3A_247 = arith.index_cast %add3A_246 : i32 to index
        %get3A_248 = arith.constant 32 : index
        %get3A_249 = tpu.vector_load %arg6[%get3A_247, %get3A_248] {strides = array<i32>} : memref<800x128xbf16, #tpu.memory_space<vmem>>, vector<1x32xbf16>,
        %get3A_250 = vector.shape_cast %get3A_249 : vector<1x32xbf16> to vector<32xbf16>
        %mul3A_251 = arith.constant 10 : i32
        %mul3A_252 = arith.muli %scan3A_108, %mul3A_251 : i32
        %add3A_253 = arith.constant 6 : i32
        %add3A_254 = arith.addi %mul3A_252, %add3A_253 : i32
        %get3A_255 = arith.index_cast %add3A_254 : i32 to index
        %get3A_256 = arith.constant 32 : index
        %get3A_257 = tpu.vector_load %arg6[%get3A_255, %get3A_256] {strides = array<i32>} : memref<800x128xbf16, #tpu.memory_space<vmem>>, vector<1x32xbf16>,
        %get3A_258 = vector.shape_cast %get3A_257 : vector<1x32xbf16> to vector<32xbf16>
        %mul3A_259 = arith.constant 10 : i32
        %mul3A_260 = arith.muli %scan3A_108, %mul3A_259 : i32
        %add3A_261 = arith.constant 7 : i32
        %add3A_262 = arith.addi %mul3A_260, %add3A_261 : i32
        %get3A_263 = arith.index_cast %add3A_262 : i32 to index
        %get3A_264 = arith.constant 32 : index
        %get3A_265 = tpu.vector_load %arg6[%get3A_263, %get3A_264] {strides = array<i32>} : memref<800x128xbf16, #tpu.memory_space<vmem>>, vector<1x32xbf16>,
        %get3A_266 = vector.shape_cast %get3A_265 : vector<1x32xbf16> to vector<32xbf16>
        %mul3A_267 = arith.constant 10 : i32
        %mul3A_268 = arith.muli %scan3A_108, %mul3A_267 : i32
        %add3A_269 = arith.constant 8 : i32
        %add3A_270 = arith.addi %mul3A_268, %add3A_269 : i32
        %get3A_271 = arith.index_cast %add3A_270 : i32 to index
        %get3A_272 = arith.constant 32 : index
        %get3A_273 = tpu.vector_load %arg6[%get3A_271, %get3A_272] {strides = array<i32>} : memref<800x128xbf16, #tpu.memory_space<vmem>>, vector<1x32xbf16>,
        %get3A_274 = vector.shape_cast %get3A_273 : vector<1x32xbf16> to vector<32xbf16>
        %mul3A_275 = arith.constant 10 : i32
        %mul3A_276 = arith.muli %scan3A_108, %mul3A_275 : i32
        %add3A_277 = arith.constant 9 : i32
        %add3A_278 = arith.addi %mul3A_276, %add3A_277 : i32
        %get3A_279 = arith.index_cast %add3A_278 : i32 to index
        %get3A_280 = arith.constant 32 : index
        %get3A_281 = tpu.vector_load %arg6[%get3A_279, %get3A_280] {strides = array<i32>} : memref<800x128xbf16, #tpu.memory_space<vmem>>, vector<1x32xbf16>,
        %get3A_282 = vector.shape_cast %get3A_281 : vector<1x32xbf16> to vector<32xbf16>
        %add3A_283 = arith.addf %get3A_210, %get3A_218 : vector<32xbf16>
        %add3A_284 = arith.addf %get3A_226, %get3A_234 : vector<32xbf16>
        %add3A_285 = arith.addf %get3A_242, %get3A_250 : vector<32xbf16>
        %add3A_286 = arith.addf %get3A_258, %get3A_266 : vector<32xbf16>
        %add3A_287 = arith.addf %get3A_274, %get3A_282 : vector<32xbf16>
        %add3A_288 = arith.addf %add3A_283, %add3A_284 : vector<32xbf16>
        %add3A_289 = arith.addf %add3A_285, %add3A_286 : vector<32xbf16>
        %add3A_290 = arith.addf %add3A_288, %add3A_289 : vector<32xbf16>
        %add3A_291 = arith.addf %add3A_290, %add3A_287 : vector<32xbf16>
        %max3A_292 = arith.constant 0.000000e+00 : bf16
        %max3A_293 = vector.broadcast %max3A_292 : bf16 to vector<32xbf16>
        %max3A_294 = arith.maximumf %add3A_291, %max3A_293 : vector<32xbf16>
        %swap3A_295 = arith.index_cast %scan3A_108 : i32 to index
        %swap3A_296 = arith.constant 32 : index
        %swap3A_297 = tpu.vector_load %arg8[%swap3A_295, %swap3A_296] {strides = array<i32>} : memref<80x128xbf16, #tpu.memory_space<vmem>>, vector<1x32xbf16>,
        %swap3A_298 = vector.shape_cast %swap3A_297 : vector<1x32xbf16> to vector<32xbf16>
        %swap3A_299 = vector.shape_cast %max3A_294 : vector<32xbf16> to vector<1x32xbf16>
        tpu.vector_store %arg8[%swap3A_295, %swap3A_296], %swap3A_299 {strides = array<i32>} : memref<80x128xbf16, #tpu.memory_space<vmem>>, vector<1x32xbf16>,
        %mul3A_300 = arith.constant 10 : i32
        %mul3A_301 = arith.muli %scan3A_108, %mul3A_300 : i32
        %add3A_302 = arith.constant 0 : i32
        %add3A_303 = arith.addi %mul3A_301, %add3A_302 : i32
        %get3A_304 = arith.index_cast %add3A_303 : i32 to index
        %get3A_305 = arith.constant 64 : index
        %get3A_306 = tpu.vector_load %arg6[%get3A_304, %get3A_305] {strides = array<i32>} : memref<800x128xbf16, #tpu.memory_space<vmem>>, vector<1x32xbf16>,
        %get3A_307 = vector.shape_cast %get3A_306 : vector<1x32xbf16> to vector<32xbf16>
        %mul3A_308 = arith.constant 10 : i32
        %mul3A_309 = arith.muli %scan3A_108, %mul3A_308 : i32
        %add3A_310 = arith.constant 1 : i32
        %add3A_311 = arith.addi %mul3A_309, %add3A_310 : i32
        %get3A_312 = arith.index_cast %add3A_311 : i32 to index
        %get3A_313 = arith.constant 64 : index
        %get3A_314 = tpu.vector_load %arg6[%get3A_312, %get3A_313] {strides = array<i32>} : memref<800x128xbf16, #tpu.memory_space<vmem>>, vector<1x32xbf16>,
        %get3A_315 = vector.shape_cast %get3A_314 : vector<1x32xbf16> to vector<32xbf16>
        %mul3A_316 = arith.constant 10 : i32
        %mul3A_317 = arith.muli %scan3A_108, %mul3A_316 : i32
        %add3A_318 = arith.constant 2 : i32
        %add3A_319 = arith.addi %mul3A_317, %add3A_318 : i32
        %get3A_320 = arith.index_cast %add3A_319 : i32 to index
        %get3A_321 = arith.constant 64 : index
        %get3A_322 = tpu.vector_load %arg6[%get3A_320, %get3A_321] {strides = array<i32>} : memref<800x128xbf16, #tpu.memory_space<vmem>>, vector<1x32xbf16>,
        %get3A_323 = vector.shape_cast %get3A_322 : vector<1x32xbf16> to vector<32xbf16>
        %mul3A_324 = arith.constant 10 : i32
        %mul3A_325 = arith.muli %scan3A_108, %mul3A_324 : i32
        %add3A_326 = arith.constant 3 : i32
        %add3A_327 = arith.addi %mul3A_325, %add3A_326 : i32
        %get3A_328 = arith.index_cast %add3A_327 : i32 to index
        %get3A_329 = arith.constant 64 : index
        %get3A_330 = tpu.vector_load %arg6[%get3A_328, %get3A_329] {strides = array<i32>} : memref<800x128xbf16, #tpu.memory_space<vmem>>, vector<1x32xbf16>,
        %get3A_331 = vector.shape_cast %get3A_330 : vector<1x32xbf16> to vector<32xbf16>
        %mul3A_332 = arith.constant 10 : i32
        %mul3A_333 = arith.muli %scan3A_108, %mul3A_332 : i32
        %add3A_334 = arith.constant 4 : i32
        %add3A_335 = arith.addi %mul3A_333, %add3A_334 : i32
        %get3A_336 = arith.index_cast %add3A_335 : i32 to index
        %get3A_337 = arith.constant 64 : index
        %get3A_338 = tpu.vector_load %arg6[%get3A_336, %get3A_337] {strides = array<i32>} : memref<800x128xbf16, #tpu.memory_space<vmem>>, vector<1x32xbf16>,
        %get3A_339 = vector.shape_cast %get3A_338 : vector<1x32xbf16> to vector<32xbf16>
        %mul3A_340 = arith.constant 10 : i32
        %mul3A_341 = arith.muli %scan3A_108, %mul3A_340 : i32
        %add3A_342 = arith.constant 5 : i32
        %add3A_343 = arith.addi %mul3A_341, %add3A_342 : i32
        %get3A_344 = arith.index_cast %add3A_343 : i32 to index
        %get3A_345 = arith.constant 64 : index
        %get3A_346 = tpu.vector_load %arg6[%get3A_344, %get3A_345] {strides = array<i32>} : memref<800x128xbf16, #tpu.memory_space<vmem>>, vector<1x32xbf16>,
        %get3A_347 = vector.shape_cast %get3A_346 : vector<1x32xbf16> to vector<32xbf16>
        %mul3A_348 = arith.constant 10 : i32
        %mul3A_349 = arith.muli %scan3A_108, %mul3A_348 : i32
        %add3A_350 = arith.constant 6 : i32
        %add3A_351 = arith.addi %mul3A_349, %add3A_350 : i32
        %get3A_352 = arith.index_cast %add3A_351 : i32 to index
        %get3A_353 = arith.constant 64 : index
        %get3A_354 = tpu.vector_load %arg6[%get3A_352, %get3A_353] {strides = array<i32>} : memref<800x128xbf16, #tpu.memory_space<vmem>>, vector<1x32xbf16>,
        %get3A_355 = vector.shape_cast %get3A_354 : vector<1x32xbf16> to vector<32xbf16>
        %mul3A_356 = arith.constant 10 : i32
        %mul3A_357 = arith.muli %scan3A_108, %mul3A_356 : i32
        %add3A_358 = arith.constant 7 : i32
        %add3A_359 = arith.addi %mul3A_357, %add3A_358 : i32
        %get3A_360 = arith.index_cast %add3A_359 : i32 to index
        %get3A_361 = arith.constant 64 : index
        %get3A_362 = tpu.vector_load %arg6[%get3A_360, %get3A_361] {strides = array<i32>} : memref<800x128xbf16, #tpu.memory_space<vmem>>, vector<1x32xbf16>,
        %get3A_363 = vector.shape_cast %get3A_362 : vector<1x32xbf16> to vector<32xbf16>
        %mul3A_364 = arith.constant 10 : i32
        %mul3A_365 = arith.muli %scan3A_108, %mul3A_364 : i32
        %add3A_366 = arith.constant 8 : i32
        %add3A_367 = arith.addi %mul3A_365, %add3A_366 : i32
        %get3A_368 = arith.index_cast %add3A_367 : i32 to index
        %get3A_369 = arith.constant 64 : index
        %get3A_370 = tpu.vector_load %arg6[%get3A_368, %get3A_369] {strides = array<i32>} : memref<800x128xbf16, #tpu.memory_space<vmem>>, vector<1x32xbf16>,
        %get3A_371 = vector.shape_cast %get3A_370 : vector<1x32xbf16> to vector<32xbf16>
        %mul3A_372 = arith.constant 10 : i32
        %mul3A_373 = arith.muli %scan3A_108, %mul3A_372 : i32
        %add3A_374 = arith.constant 9 : i32
        %add3A_375 = arith.addi %mul3A_373, %add3A_374 : i32
        %get3A_376 = arith.index_cast %add3A_375 : i32 to index
        %get3A_377 = arith.constant 64 : index
        %get3A_378 = tpu.vector_load %arg6[%get3A_376, %get3A_377] {strides = array<i32>} : memref<800x128xbf16, #tpu.memory_space<vmem>>, vector<1x32xbf16>,
        %get3A_379 = vector.shape_cast %get3A_378 : vector<1x32xbf16> to vector<32xbf16>
        %add3A_380 = arith.addf %get3A_307, %get3A_315 : vector<32xbf16>
        %add3A_381 = arith.addf %get3A_323, %get3A_331 : vector<32xbf16>
        %add3A_382 = arith.addf %get3A_339, %get3A_347 : vector<32xbf16>
        %add3A_383 = arith.addf %get3A_355, %get3A_363 : vector<32xbf16>
        %add3A_384 = arith.addf %get3A_371, %get3A_379 : vector<32xbf16>
        %add3A_385 = arith.addf %add3A_380, %add3A_381 : vector<32xbf16>
        %add3A_386 = arith.addf %add3A_382, %add3A_383 : vector<32xbf16>
        %add3A_387 = arith.addf %add3A_385, %add3A_386 : vector<32xbf16>
        %add3A_388 = arith.addf %add3A_387, %add3A_384 : vector<32xbf16>
        %max3A_389 = arith.constant 0.000000e+00 : bf16
        %max3A_390 = vector.broadcast %max3A_389 : bf16 to vector<32xbf16>
        %max3A_391 = arith.maximumf %add3A_388, %max3A_390 : vector<32xbf16>
        %swap3A_392 = arith.index_cast %scan3A_108 : i32 to index
        %swap3A_393 = arith.constant 64 : index
        %swap3A_394 = tpu.vector_load %arg8[%swap3A_392, %swap3A_393] {strides = array<i32>} : memref<80x128xbf16, #tpu.memory_space<vmem>>, vector<1x32xbf16>,
        %swap3A_395 = vector.shape_cast %swap3A_394 : vector<1x32xbf16> to vector<32xbf16>
        %swap3A_396 = vector.shape_cast %max3A_391 : vector<32xbf16> to vector<1x32xbf16>
        tpu.vector_store %arg8[%swap3A_392, %swap3A_393], %swap3A_396 {strides = array<i32>} : memref<80x128xbf16, #tpu.memory_space<vmem>>, vector<1x32xbf16>,
        %mul3A_397 = arith.constant 10 : i32
        %mul3A_398 = arith.muli %scan3A_108, %mul3A_397 : i32
        %add3A_399 = arith.constant 0 : i32
        %add3A_400 = arith.addi %mul3A_398, %add3A_399 : i32
        %get3A_401 = arith.index_cast %add3A_400 : i32 to index
        %get3A_402 = arith.constant 96 : index
        %get3A_403 = tpu.vector_load %arg6[%get3A_401, %get3A_402] {strides = array<i32>} : memref<800x128xbf16, #tpu.memory_space<vmem>>, vector<1x32xbf16>,
        %get3A_404 = vector.shape_cast %get3A_403 : vector<1x32xbf16> to vector<32xbf16>
        %mul3A_405 = arith.constant 10 : i32
        %mul3A_406 = arith.muli %scan3A_108, %mul3A_405 : i32
        %add3A_407 = arith.constant 1 : i32
        %add3A_408 = arith.addi %mul3A_406, %add3A_407 : i32
        %get3A_409 = arith.index_cast %add3A_408 : i32 to index
        %get3A_410 = arith.constant 96 : index
        %get3A_411 = tpu.vector_load %arg6[%get3A_409, %get3A_410] {strides = array<i32>} : memref<800x128xbf16, #tpu.memory_space<vmem>>, vector<1x32xbf16>,
        %get3A_412 = vector.shape_cast %get3A_411 : vector<1x32xbf16> to vector<32xbf16>
        %mul3A_413 = arith.constant 10 : i32
        %mul3A_414 = arith.muli %scan3A_108, %mul3A_413 : i32
        %add3A_415 = arith.constant 2 : i32
        %add3A_416 = arith.addi %mul3A_414, %add3A_415 : i32
        %get3A_417 = arith.index_cast %add3A_416 : i32 to index
        %get3A_418 = arith.constant 96 : index
        %get3A_419 = tpu.vector_load %arg6[%get3A_417, %get3A_418] {strides = array<i32>} : memref<800x128xbf16, #tpu.memory_space<vmem>>, vector<1x32xbf16>,
        %get3A_420 = vector.shape_cast %get3A_419 : vector<1x32xbf16> to vector<32xbf16>
        %mul3A_421 = arith.constant 10 : i32
        %mul3A_422 = arith.muli %scan3A_108, %mul3A_421 : i32
        %add3A_423 = arith.constant 3 : i32
        %add3A_424 = arith.addi %mul3A_422, %add3A_423 : i32
        %get3A_425 = arith.index_cast %add3A_424 : i32 to index
        %get3A_426 = arith.constant 96 : index
        %get3A_427 = tpu.vector_load %arg6[%get3A_425, %get3A_426] {strides = array<i32>} : memref<800x128xbf16, #tpu.memory_space<vmem>>, vector<1x32xbf16>,
        %get3A_428 = vector.shape_cast %get3A_427 : vector<1x32xbf16> to vector<32xbf16>
        %mul3A_429 = arith.constant 10 : i32
        %mul3A_430 = arith.muli %scan3A_108, %mul3A_429 : i32
        %add3A_431 = arith.constant 4 : i32
        %add3A_432 = arith.addi %mul3A_430, %add3A_431 : i32
        %get3A_433 = arith.index_cast %add3A_432 : i32 to index
        %get3A_434 = arith.constant 96 : index
        %get3A_435 = tpu.vector_load %arg6[%get3A_433, %get3A_434] {strides = array<i32>} : memref<800x128xbf16, #tpu.memory_space<vmem>>, vector<1x32xbf16>,
        %get3A_436 = vector.shape_cast %get3A_435 : vector<1x32xbf16> to vector<32xbf16>
        %mul3A_437 = arith.constant 10 : i32
        %mul3A_438 = arith.muli %scan3A_108, %mul3A_437 : i32
        %add3A_439 = arith.constant 5 : i32
        %add3A_440 = arith.addi %mul3A_438, %add3A_439 : i32
        %get3A_441 = arith.index_cast %add3A_440 : i32 to index
        %get3A_442 = arith.constant 96 : index
        %get3A_443 = tpu.vector_load %arg6[%get3A_441, %get3A_442] {strides = array<i32>} : memref<800x128xbf16, #tpu.memory_space<vmem>>, vector<1x32xbf16>,
        %get3A_444 = vector.shape_cast %get3A_443 : vector<1x32xbf16> to vector<32xbf16>
        %mul3A_445 = arith.constant 10 : i32
        %mul3A_446 = arith.muli %scan3A_108, %mul3A_445 : i32
        %add3A_447 = arith.constant 6 : i32
        %add3A_448 = arith.addi %mul3A_446, %add3A_447 : i32
        %get3A_449 = arith.index_cast %add3A_448 : i32 to index
        %get3A_450 = arith.constant 96 : index
        %get3A_451 = tpu.vector_load %arg6[%get3A_449, %get3A_450] {strides = array<i32>} : memref<800x128xbf16, #tpu.memory_space<vmem>>, vector<1x32xbf16>,
        %get3A_452 = vector.shape_cast %get3A_451 : vector<1x32xbf16> to vector<32xbf16>
        %mul3A_453 = arith.constant 10 : i32
        %mul3A_454 = arith.muli %scan3A_108, %mul3A_453 : i32
        %add3A_455 = arith.constant 7 : i32
        %add3A_456 = arith.addi %mul3A_454, %add3A_455 : i32
        %get3A_457 = arith.index_cast %add3A_456 : i32 to index
        %get3A_458 = arith.constant 96 : index
        %get3A_459 = tpu.vector_load %arg6[%get3A_457, %get3A_458] {strides = array<i32>} : memref<800x128xbf16, #tpu.memory_space<vmem>>, vector<1x32xbf16>,
        %get3A_460 = vector.shape_cast %get3A_459 : vector<1x32xbf16> to vector<32xbf16>
        %mul3A_461 = arith.constant 10 : i32
        %mul3A_462 = arith.muli %scan3A_108, %mul3A_461 : i32
        %add3A_463 = arith.constant 8 : i32
        %add3A_464 = arith.addi %mul3A_462, %add3A_463 : i32
        %get3A_465 = arith.index_cast %add3A_464 : i32 to index
        %get3A_466 = arith.constant 96 : index
        %get3A_467 = tpu.vector_load %arg6[%get3A_465, %get3A_466] {strides = array<i32>} : memref<800x128xbf16, #tpu.memory_space<vmem>>, vector<1x32xbf16>,
        %get3A_468 = vector.shape_cast %get3A_467 : vector<1x32xbf16> to vector<32xbf16>
        %mul3A_469 = arith.constant 10 : i32
        %mul3A_470 = arith.muli %scan3A_108, %mul3A_469 : i32
        %add3A_471 = arith.constant 9 : i32
        %add3A_472 = arith.addi %mul3A_470, %add3A_471 : i32
        %get3A_473 = arith.index_cast %add3A_472 : i32 to index
        %get3A_474 = arith.constant 96 : index
        %get3A_475 = tpu.vector_load %arg6[%get3A_473, %get3A_474] {strides = array<i32>} : memref<800x128xbf16, #tpu.memory_space<vmem>>, vector<1x32xbf16>,
        %get3A_476 = vector.shape_cast %get3A_475 : vector<1x32xbf16> to vector<32xbf16>
        %add3A_477 = arith.addf %get3A_404, %get3A_412 : vector<32xbf16>
        %add3A_478 = arith.addf %get3A_420, %get3A_428 : vector<32xbf16>
        %add3A_479 = arith.addf %get3A_436, %get3A_444 : vector<32xbf16>
        %add3A_480 = arith.addf %get3A_452, %get3A_460 : vector<32xbf16>
        %add3A_481 = arith.addf %get3A_468, %get3A_476 : vector<32xbf16>
        %add3A_482 = arith.addf %add3A_477, %add3A_478 : vector<32xbf16>
        %add3A_483 = arith.addf %add3A_479, %add3A_480 : vector<32xbf16>
        %add3A_484 = arith.addf %add3A_482, %add3A_483 : vector<32xbf16>
        %add3A_485 = arith.addf %add3A_484, %add3A_481 : vector<32xbf16>
        %max3A_486 = arith.constant 0.000000e+00 : bf16
        %max3A_487 = vector.broadcast %max3A_486 : bf16 to vector<32xbf16>
        %max3A_488 = arith.maximumf %add3A_485, %max3A_487 : vector<32xbf16>
        %swap3A_489 = arith.index_cast %scan3A_108 : i32 to index
        %swap3A_490 = arith.constant 96 : index
        %swap3A_491 = tpu.vector_load %arg8[%swap3A_489, %swap3A_490] {strides = array<i32>} : memref<80x128xbf16, #tpu.memory_space<vmem>>, vector<1x32xbf16>,
        %swap3A_492 = vector.shape_cast %swap3A_491 : vector<1x32xbf16> to vector<32xbf16>
        %swap3A_493 = vector.shape_cast %max3A_488 : vector<32xbf16> to vector<1x32xbf16>
        tpu.vector_store %arg8[%swap3A_489, %swap3A_490], %swap3A_493 {strides = array<i32>} : memref<80x128xbf16, #tpu.memory_space<vmem>>, vector<1x32xbf16>,
      }
      %scan3A_103 = arith.constant 80 : i32
      %add3A_104 = arith.constant 0 : i32
      %add3A_105 = arith.addi %add3A, %add3A_104 : i32
      %mul3A_106 = arith.constant 80 : i32
      %mul3A_107 = arith.muli %add3A_105, %mul3A_106 : i32
      "tpu.region"() ({
        %run_scoped3A = tpu.sem_alloc : memref<!tpu.dma_semaphore, #tpu.memory_space<semaphore_mem>>
        %dma_start3A = arith.constant 0 : i32
        %dma_start3A_108 = tpu.memref_slice %arg4[%mul3A_107, %dma_start3A] : memref<10240x128xbf16, #tpu.memory_space<hbm>> -> memref<80x128xbf16, #tpu.memory_space<hbm>>
        %dma_start3A_109 = arith.constant 0 : i32
        %dma_start3A_110 = tpu.memref_slice %arg4[%mul3A_107, %dma_start3A_109] : memref<10240x128xbf16, #tpu.memory_space<hbm>> -> memref<80x128xbf16, #tpu.memory_space<hbm>>
        tpu.enqueue_dma source(%arg8 : memref<80x128xbf16, #tpu.memory_space<vmem>>) target(%dma_start3A_110 : memref<80x128xbf16, #tpu.memory_space<hbm>>) target_semaphore(%run_scoped3A : memref<!tpu.dma_semaphore, #tpu.memory_space<semaphore_mem>>)
        %dma_wait3A = arith.constant 0 : i32
        %dma_wait3A_111 = tpu.memref_slice %arg4[%mul3A_107, %dma_wait3A] : memref<10240x128xbf16, #tpu.memory_space<hbm>> -> memref<80x128xbf16, #tpu.memory_space<hbm>>
        %dma_wait3A_112 = arith.constant 0 : i32
        %dma_wait3A_113 = tpu.memref_slice %arg4[%mul3A_107, %dma_wait3A_112] : memref<10240x128xbf16, #tpu.memory_space<hbm>> -> memref<80x128xbf16, #tpu.memory_space<hbm>>
        tpu.wait_dma2 semaphore(%run_scoped3A : memref<!tpu.dma_semaphore, #tpu.memory_space<semaphore_mem>>) src(%arg8 : memref<80x128xbf16, #tpu.memory_space<vmem>>) dst(%dma_wait3A_113 : memref<80x128xbf16, #tpu.memory_space<hbm>>)
        tpu.yield
      }) : () -> ()
    } else {
    }
    %gt3A_29 = arith.constant 1 : i32
    %gt3A_30 = arith.cmpi sgt, %select_n3A_7, %gt3A_29 : i32
    %convert_element_type3A_31 = arith.extui %gt3A_30 : i1 to i32
    %cond3A_32 = arith.constant 0 : i32
    %cond3A_33 = arith.cmpi ne, %convert_element_type3A_31, %cond3A_32 : i32
    scf.if %cond3A_33 {
      %dma_wait3A = arith.constant 800 : i32
      %dma_wait3A_99 = tpu.memref_slice %arg5[%dma_wait3A] : memref<4800xi32, #tpu.memory_space<vmem>> -> memref<800xi32, #tpu.memory_space<vmem>>
      %dma_wait3A_100 = arith.constant 0 : i32
      %dma_wait3A_101 = arith.constant 0 : i32
      %dma_wait3A_102 = tpu.memref_slice %arg2[%dma_wait3A_100, %dma_wait3A_101] : memref<50000x128xbf16, #tpu.memory_space<hbm>> -> memref<50000x128xbf16, #tpu.memory_space<hbm>>
      tpu.wait_indirect_dma semaphore(%arg10 : memref<!tpu.dma_semaphore, #tpu.memory_space<semaphore_mem>>) src(%dma_wait3A_102 : memref<50000x128xbf16, #tpu.memory_space<hbm>>) dst(%arg7 : memref<800x128xbf16, #tpu.memory_space<vmem>>)
    } else {
    }
    %gt3A_34 = arith.constant 2 : i32
    %gt3A_35 = arith.cmpi sgt, %select_n3A_7, %gt3A_34 : i32
    %convert_element_type3A_36 = arith.extui %gt3A_35 : i1 to i32
    %cond3A_37 = arith.constant 0 : i32
    %cond3A_38 = arith.cmpi ne, %convert_element_type3A_36, %cond3A_37 : i32
    scf.if %cond3A_38 {
      %dma_start3A = arith.constant 1600 : i32
      %dma_start3A_99 = tpu.memref_slice %arg5[%dma_start3A] : memref<4800xi32, #tpu.memory_space<vmem>> -> memref<800xi32, #tpu.memory_space<vmem>>
      %dma_start3A_100 = arith.constant 0 : i32
      %dma_start3A_101 = arith.constant 0 : i32
      %dma_start3A_102 = tpu.memref_slice %arg2[%dma_start3A_100, %dma_start3A_101] : memref<50000x128xbf16, #tpu.memory_space<hbm>> -> memref<50000x128xbf16, #tpu.memory_space<hbm>>
      tpu.enqueue_indirect_dma source(%dma_start3A_102 : memref<50000x128xbf16, #tpu.memory_space<hbm>>) target(%arg6 : memref<800x128xbf16, #tpu.memory_space<vmem>>) offsets(%dma_start3A_99 : memref<800xi32, #tpu.memory_space<vmem>>) semaphore(%arg9 : memref<!tpu.dma_semaphore, #tpu.memory_space<semaphore_mem>>)
    } else {
    }
    %gt3A_39 = arith.constant 1 : i32
    %gt3A_40 = arith.cmpi sgt, %select_n3A_7, %gt3A_39 : i32
    %convert_element_type3A_41 = arith.extui %gt3A_40 : i1 to i32
    %cond3A_42 = arith.constant 0 : i32
    %cond3A_43 = arith.cmpi ne, %convert_element_type3A_41, %cond3A_42 : i32
    scf.if %cond3A_43 {
      %scan3A = arith.constant 0 : i32
      %scan3A_99 = arith.constant 0 : i32
      %scan3A_100 = arith.constant 80 : i32
      %scan3A_101 = arith.addi %scan3A_99, %scan3A_100 : i32
      %scan3A_102 = arith.constant 1 : i32
      scf.for %scan3A_108 = %scan3A_99 to %scan3A_101 step %scan3A_102  : i32 {
        %mul3A_109 = arith.constant 10 : i32
        %mul3A_110 = arith.muli %scan3A_108, %mul3A_109 : i32
        %add3A_111 = arith.constant 0 : i32
        %add3A_112 = arith.addi %mul3A_110, %add3A_111 : i32
        %get3A = arith.index_cast %add3A_112 : i32 to index
        %get3A_113 = arith.constant 0 : index
        %get3A_114 = tpu.vector_load %arg7[%get3A, %get3A_113] {strides = array<i32>} : memref<800x128xbf16, #tpu.memory_space<vmem>>, vector<1x32xbf16>,
        %get3A_115 = vector.shape_cast %get3A_114 : vector<1x32xbf16> to vector<32xbf16>
        %mul3A_116 = arith.constant 10 : i32
        %mul3A_117 = arith.muli %scan3A_108, %mul3A_116 : i32
        %add3A_118 = arith.constant 1 : i32
        %add3A_119 = arith.addi %mul3A_117, %add3A_118 : i32
        %get3A_120 = arith.index_cast %add3A_119 : i32 to index
        %get3A_121 = arith.constant 0 : index
        %get3A_122 = tpu.vector_load %arg7[%get3A_120, %get3A_121] {strides = array<i32>} : memref<800x128xbf16, #tpu.memory_space<vmem>>, vector<1x32xbf16>,
        %get3A_123 = vector.shape_cast %get3A_122 : vector<1x32xbf16> to vector<32xbf16>
        %mul3A_124 = arith.constant 10 : i32
        %mul3A_125 = arith.muli %scan3A_108, %mul3A_124 : i32
        %add3A_126 = arith.constant 2 : i32
        %add3A_127 = arith.addi %mul3A_125, %add3A_126 : i32
        %get3A_128 = arith.index_cast %add3A_127 : i32 to index
        %get3A_129 = arith.constant 0 : index
        %get3A_130 = tpu.vector_load %arg7[%get3A_128, %get3A_129] {strides = array<i32>} : memref<800x128xbf16, #tpu.memory_space<vmem>>, vector<1x32xbf16>,
        %get3A_131 = vector.shape_cast %get3A_130 : vector<1x32xbf16> to vector<32xbf16>
        %mul3A_132 = arith.constant 10 : i32
        %mul3A_133 = arith.muli %scan3A_108, %mul3A_132 : i32
        %add3A_134 = arith.constant 3 : i32
        %add3A_135 = arith.addi %mul3A_133, %add3A_134 : i32
        %get3A_136 = arith.index_cast %add3A_135 : i32 to index
        %get3A_137 = arith.constant 0 : index
        %get3A_138 = tpu.vector_load %arg7[%get3A_136, %get3A_137] {strides = array<i32>} : memref<800x128xbf16, #tpu.memory_space<vmem>>, vector<1x32xbf16>,
        %get3A_139 = vector.shape_cast %get3A_138 : vector<1x32xbf16> to vector<32xbf16>
        %mul3A_140 = arith.constant 10 : i32
        %mul3A_141 = arith.muli %scan3A_108, %mul3A_140 : i32
        %add3A_142 = arith.constant 4 : i32
        %add3A_143 = arith.addi %mul3A_141, %add3A_142 : i32
        %get3A_144 = arith.index_cast %add3A_143 : i32 to index
        %get3A_145 = arith.constant 0 : index
        %get3A_146 = tpu.vector_load %arg7[%get3A_144, %get3A_145] {strides = array<i32>} : memref<800x128xbf16, #tpu.memory_space<vmem>>, vector<1x32xbf16>,
        %get3A_147 = vector.shape_cast %get3A_146 : vector<1x32xbf16> to vector<32xbf16>
        %mul3A_148 = arith.constant 10 : i32
        %mul3A_149 = arith.muli %scan3A_108, %mul3A_148 : i32
        %add3A_150 = arith.constant 5 : i32
        %add3A_151 = arith.addi %mul3A_149, %add3A_150 : i32
        %get3A_152 = arith.index_cast %add3A_151 : i32 to index
        %get3A_153 = arith.constant 0 : index
        %get3A_154 = tpu.vector_load %arg7[%get3A_152, %get3A_153] {strides = array<i32>} : memref<800x128xbf16, #tpu.memory_space<vmem>>, vector<1x32xbf16>,
        %get3A_155 = vector.shape_cast %get3A_154 : vector<1x32xbf16> to vector<32xbf16>
        %mul3A_156 = arith.constant 10 : i32
        %mul3A_157 = arith.muli %scan3A_108, %mul3A_156 : i32
        %add3A_158 = arith.constant 6 : i32
        %add3A_159 = arith.addi %mul3A_157, %add3A_158 : i32
        %get3A_160 = arith.index_cast %add3A_159 : i32 to index
        %get3A_161 = arith.constant 0 : index
        %get3A_162 = tpu.vector_load %arg7[%get3A_160, %get3A_161] {strides = array<i32>} : memref<800x128xbf16, #tpu.memory_space<vmem>>, vector<1x32xbf16>,
        %get3A_163 = vector.shape_cast %get3A_162 : vector<1x32xbf16> to vector<32xbf16>
        %mul3A_164 = arith.constant 10 : i32
        %mul3A_165 = arith.muli %scan3A_108, %mul3A_164 : i32
        %add3A_166 = arith.constant 7 : i32
        %add3A_167 = arith.addi %mul3A_165, %add3A_166 : i32
        %get3A_168 = arith.index_cast %add3A_167 : i32 to index
        %get3A_169 = arith.constant 0 : index
        %get3A_170 = tpu.vector_load %arg7[%get3A_168, %get3A_169] {strides = array<i32>} : memref<800x128xbf16, #tpu.memory_space<vmem>>, vector<1x32xbf16>,
        %get3A_171 = vector.shape_cast %get3A_170 : vector<1x32xbf16> to vector<32xbf16>
        %mul3A_172 = arith.constant 10 : i32
        %mul3A_173 = arith.muli %scan3A_108, %mul3A_172 : i32
        %add3A_174 = arith.constant 8 : i32
        %add3A_175 = arith.addi %mul3A_173, %add3A_174 : i32
        %get3A_176 = arith.index_cast %add3A_175 : i32 to index
        %get3A_177 = arith.constant 0 : index
        %get3A_178 = tpu.vector_load %arg7[%get3A_176, %get3A_177] {strides = array<i32>} : memref<800x128xbf16, #tpu.memory_space<vmem>>, vector<1x32xbf16>,
        %get3A_179 = vector.shape_cast %get3A_178 : vector<1x32xbf16> to vector<32xbf16>
        %mul3A_180 = arith.constant 10 : i32
        %mul3A_181 = arith.muli %scan3A_108, %mul3A_180 : i32
        %add3A_182 = arith.constant 9 : i32
        %add3A_183 = arith.addi %mul3A_181, %add3A_182 : i32
        %get3A_184 = arith.index_cast %add3A_183 : i32 to index
        %get3A_185 = arith.constant 0 : index
        %get3A_186 = tpu.vector_load %arg7[%get3A_184, %get3A_185] {strides = array<i32>} : memref<800x128xbf16, #tpu.memory_space<vmem>>, vector<1x32xbf16>,
        %get3A_187 = vector.shape_cast %get3A_186 : vector<1x32xbf16> to vector<32xbf16>
        %add3A_188 = arith.addf %get3A_115, %get3A_123 : vector<32xbf16>
        %add3A_189 = arith.addf %get3A_131, %get3A_139 : vector<32xbf16>
        %add3A_190 = arith.addf %get3A_147, %get3A_155 : vector<32xbf16>
        %add3A_191 = arith.addf %get3A_163, %get3A_171 : vector<32xbf16>
        %add3A_192 = arith.addf %get3A_179, %get3A_187 : vector<32xbf16>
        %add3A_193 = arith.addf %add3A_188, %add3A_189 : vector<32xbf16>
        %add3A_194 = arith.addf %add3A_190, %add3A_191 : vector<32xbf16>
        %add3A_195 = arith.addf %add3A_193, %add3A_194 : vector<32xbf16>
        %add3A_196 = arith.addf %add3A_195, %add3A_192 : vector<32xbf16>
        %max3A = arith.constant 0.000000e+00 : bf16
        %max3A_197 = vector.broadcast %max3A : bf16 to vector<32xbf16>
        %max3A_198 = arith.maximumf %add3A_196, %max3A_197 : vector<32xbf16>
        %swap3A = arith.index_cast %scan3A_108 : i32 to index
        %swap3A_199 = arith.constant 0 : index
        %swap3A_200 = tpu.vector_load %arg8[%swap3A, %swap3A_199] {strides = array<i32>} : memref<80x128xbf16, #tpu.memory_space<vmem>>, vector<1x32xbf16>,
        %swap3A_201 = vector.shape_cast %swap3A_200 : vector<1x32xbf16> to vector<32xbf16>
        %swap3A_202 = vector.shape_cast %max3A_198 : vector<32xbf16> to vector<1x32xbf16>
        tpu.vector_store %arg8[%swap3A, %swap3A_199], %swap3A_202 {strides = array<i32>} : memref<80x128xbf16, #tpu.memory_space<vmem>>, vector<1x32xbf16>,
        %mul3A_203 = arith.constant 10 : i32
        %mul3A_204 = arith.muli %scan3A_108, %mul3A_203 : i32
        %add3A_205 = arith.constant 0 : i32
        %add3A_206 = arith.addi %mul3A_204, %add3A_205 : i32
        %get3A_207 = arith.index_cast %add3A_206 : i32 to index
        %get3A_208 = arith.constant 32 : index
        %get3A_209 = tpu.vector_load %arg7[%get3A_207, %get3A_208] {strides = array<i32>} : memref<800x128xbf16, #tpu.memory_space<vmem>>, vector<1x32xbf16>,
        %get3A_210 = vector.shape_cast %get3A_209 : vector<1x32xbf16> to vector<32xbf16>
        %mul3A_211 = arith.constant 10 : i32
        %mul3A_212 = arith.muli %scan3A_108, %mul3A_211 : i32
        %add3A_213 = arith.constant 1 : i32
        %add3A_214 = arith.addi %mul3A_212, %add3A_213 : i32
        %get3A_215 = arith.index_cast %add3A_214 : i32 to index
        %get3A_216 = arith.constant 32 : index
        %get3A_217 = tpu.vector_load %arg7[%get3A_215, %get3A_216] {strides = array<i32>} : memref<800x128xbf16, #tpu.memory_space<vmem>>, vector<1x32xbf16>,
        %get3A_218 = vector.shape_cast %get3A_217 : vector<1x32xbf16> to vector<32xbf16>
        %mul3A_219 = arith.constant 10 : i32
        %mul3A_220 = arith.muli %scan3A_108, %mul3A_219 : i32
        %add3A_221 = arith.constant 2 : i32
        %add3A_222 = arith.addi %mul3A_220, %add3A_221 : i32
        %get3A_223 = arith.index_cast %add3A_222 : i32 to index
        %get3A_224 = arith.constant 32 : index
        %get3A_225 = tpu.vector_load %arg7[%get3A_223, %get3A_224] {strides = array<i32>} : memref<800x128xbf16, #tpu.memory_space<vmem>>, vector<1x32xbf16>,
        %get3A_226 = vector.shape_cast %get3A_225 : vector<1x32xbf16> to vector<32xbf16>
        %mul3A_227 = arith.constant 10 : i32
        %mul3A_228 = arith.muli %scan3A_108, %mul3A_227 : i32
        %add3A_229 = arith.constant 3 : i32
        %add3A_230 = arith.addi %mul3A_228, %add3A_229 : i32
        %get3A_231 = arith.index_cast %add3A_230 : i32 to index
        %get3A_232 = arith.constant 32 : index
        %get3A_233 = tpu.vector_load %arg7[%get3A_231, %get3A_232] {strides = array<i32>} : memref<800x128xbf16, #tpu.memory_space<vmem>>, vector<1x32xbf16>,
        %get3A_234 = vector.shape_cast %get3A_233 : vector<1x32xbf16> to vector<32xbf16>
        %mul3A_235 = arith.constant 10 : i32
        %mul3A_236 = arith.muli %scan3A_108, %mul3A_235 : i32
        %add3A_237 = arith.constant 4 : i32
        %add3A_238 = arith.addi %mul3A_236, %add3A_237 : i32
        %get3A_239 = arith.index_cast %add3A_238 : i32 to index
        %get3A_240 = arith.constant 32 : index
        %get3A_241 = tpu.vector_load %arg7[%get3A_239, %get3A_240] {strides = array<i32>} : memref<800x128xbf16, #tpu.memory_space<vmem>>, vector<1x32xbf16>,
        %get3A_242 = vector.shape_cast %get3A_241 : vector<1x32xbf16> to vector<32xbf16>
        %mul3A_243 = arith.constant 10 : i32
        %mul3A_244 = arith.muli %scan3A_108, %mul3A_243 : i32
        %add3A_245 = arith.constant 5 : i32
        %add3A_246 = arith.addi %mul3A_244, %add3A_245 : i32
        %get3A_247 = arith.index_cast %add3A_246 : i32 to index
        %get3A_248 = arith.constant 32 : index
        %get3A_249 = tpu.vector_load %arg7[%get3A_247, %get3A_248] {strides = array<i32>} : memref<800x128xbf16, #tpu.memory_space<vmem>>, vector<1x32xbf16>,
        %get3A_250 = vector.shape_cast %get3A_249 : vector<1x32xbf16> to vector<32xbf16>
        %mul3A_251 = arith.constant 10 : i32
        %mul3A_252 = arith.muli %scan3A_108, %mul3A_251 : i32
        %add3A_253 = arith.constant 6 : i32
        %add3A_254 = arith.addi %mul3A_252, %add3A_253 : i32
        %get3A_255 = arith.index_cast %add3A_254 : i32 to index
        %get3A_256 = arith.constant 32 : index
        %get3A_257 = tpu.vector_load %arg7[%get3A_255, %get3A_256] {strides = array<i32>} : memref<800x128xbf16, #tpu.memory_space<vmem>>, vector<1x32xbf16>,
        %get3A_258 = vector.shape_cast %get3A_257 : vector<1x32xbf16> to vector<32xbf16>
        %mul3A_259 = arith.constant 10 : i32
        %mul3A_260 = arith.muli %scan3A_108, %mul3A_259 : i32
        %add3A_261 = arith.constant 7 : i32
        %add3A_262 = arith.addi %mul3A_260, %add3A_261 : i32
        %get3A_263 = arith.index_cast %add3A_262 : i32 to index
        %get3A_264 = arith.constant 32 : index
        %get3A_265 = tpu.vector_load %arg7[%get3A_263, %get3A_264] {strides = array<i32>} : memref<800x128xbf16, #tpu.memory_space<vmem>>, vector<1x32xbf16>,
        %get3A_266 = vector.shape_cast %get3A_265 : vector<1x32xbf16> to vector<32xbf16>
        %mul3A_267 = arith.constant 10 : i32
        %mul3A_268 = arith.muli %scan3A_108, %mul3A_267 : i32
        %add3A_269 = arith.constant 8 : i32
        %add3A_270 = arith.addi %mul3A_268, %add3A_269 : i32
        %get3A_271 = arith.index_cast %add3A_270 : i32 to index
        %get3A_272 = arith.constant 32 : index
        %get3A_273 = tpu.vector_load %arg7[%get3A_271, %get3A_272] {strides = array<i32>} : memref<800x128xbf16, #tpu.memory_space<vmem>>, vector<1x32xbf16>,
        %get3A_274 = vector.shape_cast %get3A_273 : vector<1x32xbf16> to vector<32xbf16>
        %mul3A_275 = arith.constant 10 : i32
        %mul3A_276 = arith.muli %scan3A_108, %mul3A_275 : i32
        %add3A_277 = arith.constant 9 : i32
        %add3A_278 = arith.addi %mul3A_276, %add3A_277 : i32
        %get3A_279 = arith.index_cast %add3A_278 : i32 to index
        %get3A_280 = arith.constant 32 : index
        %get3A_281 = tpu.vector_load %arg7[%get3A_279, %get3A_280] {strides = array<i32>} : memref<800x128xbf16, #tpu.memory_space<vmem>>, vector<1x32xbf16>,
        %get3A_282 = vector.shape_cast %get3A_281 : vector<1x32xbf16> to vector<32xbf16>
        %add3A_283 = arith.addf %get3A_210, %get3A_218 : vector<32xbf16>
        %add3A_284 = arith.addf %get3A_226, %get3A_234 : vector<32xbf16>
        %add3A_285 = arith.addf %get3A_242, %get3A_250 : vector<32xbf16>
        %add3A_286 = arith.addf %get3A_258, %get3A_266 : vector<32xbf16>
        %add3A_287 = arith.addf %get3A_274, %get3A_282 : vector<32xbf16>
        %add3A_288 = arith.addf %add3A_283, %add3A_284 : vector<32xbf16>
        %add3A_289 = arith.addf %add3A_285, %add3A_286 : vector<32xbf16>
        %add3A_290 = arith.addf %add3A_288, %add3A_289 : vector<32xbf16>
        %add3A_291 = arith.addf %add3A_290, %add3A_287 : vector<32xbf16>
        %max3A_292 = arith.constant 0.000000e+00 : bf16
        %max3A_293 = vector.broadcast %max3A_292 : bf16 to vector<32xbf16>
        %max3A_294 = arith.maximumf %add3A_291, %max3A_293 : vector<32xbf16>
        %swap3A_295 = arith.index_cast %scan3A_108 : i32 to index
        %swap3A_296 = arith.constant 32 : index
        %swap3A_297 = tpu.vector_load %arg8[%swap3A_295, %swap3A_296] {strides = array<i32>} : memref<80x128xbf16, #tpu.memory_space<vmem>>, vector<1x32xbf16>,
        %swap3A_298 = vector.shape_cast %swap3A_297 : vector<1x32xbf16> to vector<32xbf16>
        %swap3A_299 = vector.shape_cast %max3A_294 : vector<32xbf16> to vector<1x32xbf16>
        tpu.vector_store %arg8[%swap3A_295, %swap3A_296], %swap3A_299 {strides = array<i32>} : memref<80x128xbf16, #tpu.memory_space<vmem>>, vector<1x32xbf16>,
        %mul3A_300 = arith.constant 10 : i32
        %mul3A_301 = arith.muli %scan3A_108, %mul3A_300 : i32
        %add3A_302 = arith.constant 0 : i32
        %add3A_303 = arith.addi %mul3A_301, %add3A_302 : i32
        %get3A_304 = arith.index_cast %add3A_303 : i32 to index
        %get3A_305 = arith.constant 64 : index
        %get3A_306 = tpu.vector_load %arg7[%get3A_304, %get3A_305] {strides = array<i32>} : memref<800x128xbf16, #tpu.memory_space<vmem>>, vector<1x32xbf16>,
        %get3A_307 = vector.shape_cast %get3A_306 : vector<1x32xbf16> to vector<32xbf16>
        %mul3A_308 = arith.constant 10 : i32
        %mul3A_309 = arith.muli %scan3A_108, %mul3A_308 : i32
        %add3A_310 = arith.constant 1 : i32
        %add3A_311 = arith.addi %mul3A_309, %add3A_310 : i32
        %get3A_312 = arith.index_cast %add3A_311 : i32 to index
        %get3A_313 = arith.constant 64 : index
        %get3A_314 = tpu.vector_load %arg7[%get3A_312, %get3A_313] {strides = array<i32>} : memref<800x128xbf16, #tpu.memory_space<vmem>>, vector<1x32xbf16>,
        %get3A_315 = vector.shape_cast %get3A_314 : vector<1x32xbf16> to vector<32xbf16>
        %mul3A_316 = arith.constant 10 : i32
        %mul3A_317 = arith.muli %scan3A_108, %mul3A_316 : i32
        %add3A_318 = arith.constant 2 : i32
        %add3A_319 = arith.addi %mul3A_317, %add3A_318 : i32
        %get3A_320 = arith.index_cast %add3A_319 : i32 to index
        %get3A_321 = arith.constant 64 : index
        %get3A_322 = tpu.vector_load %arg7[%get3A_320, %get3A_321] {strides = array<i32>} : memref<800x128xbf16, #tpu.memory_space<vmem>>, vector<1x32xbf16>,
        %get3A_323 = vector.shape_cast %get3A_322 : vector<1x32xbf16> to vector<32xbf16>
        %mul3A_324 = arith.constant 10 : i32
        %mul3A_325 = arith.muli %scan3A_108, %mul3A_324 : i32
        %add3A_326 = arith.constant 3 : i32
        %add3A_327 = arith.addi %mul3A_325, %add3A_326 : i32
        %get3A_328 = arith.index_cast %add3A_327 : i32 to index
        %get3A_329 = arith.constant 64 : index
        %get3A_330 = tpu.vector_load %arg7[%get3A_328, %get3A_329] {strides = array<i32>} : memref<800x128xbf16, #tpu.memory_space<vmem>>, vector<1x32xbf16>,
        %get3A_331 = vector.shape_cast %get3A_330 : vector<1x32xbf16> to vector<32xbf16>
        %mul3A_332 = arith.constant 10 : i32
        %mul3A_333 = arith.muli %scan3A_108, %mul3A_332 : i32
        %add3A_334 = arith.constant 4 : i32
        %add3A_335 = arith.addi %mul3A_333, %add3A_334 : i32
        %get3A_336 = arith.index_cast %add3A_335 : i32 to index
        %get3A_337 = arith.constant 64 : index
        %get3A_338 = tpu.vector_load %arg7[%get3A_336, %get3A_337] {strides = array<i32>} : memref<800x128xbf16, #tpu.memory_space<vmem>>, vector<1x32xbf16>,
        %get3A_339 = vector.shape_cast %get3A_338 : vector<1x32xbf16> to vector<32xbf16>
        %mul3A_340 = arith.constant 10 : i32
        %mul3A_341 = arith.muli %scan3A_108, %mul3A_340 : i32
        %add3A_342 = arith.constant 5 : i32
        %add3A_343 = arith.addi %mul3A_341, %add3A_342 : i32
        %get3A_344 = arith.index_cast %add3A_343 : i32 to index
        %get3A_345 = arith.constant 64 : index
        %get3A_346 = tpu.vector_load %arg7[%get3A_344, %get3A_345] {strides = array<i32>} : memref<800x128xbf16, #tpu.memory_space<vmem>>, vector<1x32xbf16>,
        %get3A_347 = vector.shape_cast %get3A_346 : vector<1x32xbf16> to vector<32xbf16>
        %mul3A_348 = arith.constant 10 : i32
        %mul3A_349 = arith.muli %scan3A_108, %mul3A_348 : i32
        %add3A_350 = arith.constant 6 : i32
        %add3A_351 = arith.addi %mul3A_349, %add3A_350 : i32
        %get3A_352 = arith.index_cast %add3A_351 : i32 to index
        %get3A_353 = arith.constant 64 : index
        %get3A_354 = tpu.vector_load %arg7[%get3A_352, %get3A_353] {strides = array<i32>} : memref<800x128xbf16, #tpu.memory_space<vmem>>, vector<1x32xbf16>,
        %get3A_355 = vector.shape_cast %get3A_354 : vector<1x32xbf16> to vector<32xbf16>
        %mul3A_356 = arith.constant 10 : i32
        %mul3A_357 = arith.muli %scan3A_108, %mul3A_356 : i32
        %add3A_358 = arith.constant 7 : i32
        %add3A_359 = arith.addi %mul3A_357, %add3A_358 : i32
        %get3A_360 = arith.index_cast %add3A_359 : i32 to index
        %get3A_361 = arith.constant 64 : index
        %get3A_362 = tpu.vector_load %arg7[%get3A_360, %get3A_361] {strides = array<i32>} : memref<800x128xbf16, #tpu.memory_space<vmem>>, vector<1x32xbf16>,
        %get3A_363 = vector.shape_cast %get3A_362 : vector<1x32xbf16> to vector<32xbf16>
        %mul3A_364 = arith.constant 10 : i32
        %mul3A_365 = arith.muli %scan3A_108, %mul3A_364 : i32
        %add3A_366 = arith.constant 8 : i32
        %add3A_367 = arith.addi %mul3A_365, %add3A_366 : i32
        %get3A_368 = arith.index_cast %add3A_367 : i32 to index
        %get3A_369 = arith.constant 64 : index
        %get3A_370 = tpu.vector_load %arg7[%get3A_368, %get3A_369] {strides = array<i32>} : memref<800x128xbf16, #tpu.memory_space<vmem>>, vector<1x32xbf16>,
        %get3A_371 = vector.shape_cast %get3A_370 : vector<1x32xbf16> to vector<32xbf16>
        %mul3A_372 = arith.constant 10 : i32
        %mul3A_373 = arith.muli %scan3A_108, %mul3A_372 : i32
        %add3A_374 = arith.constant 9 : i32
        %add3A_375 = arith.addi %mul3A_373, %add3A_374 : i32
        %get3A_376 = arith.index_cast %add3A_375 : i32 to index
        %get3A_377 = arith.constant 64 : index
        %get3A_378 = tpu.vector_load %arg7[%get3A_376, %get3A_377] {strides = array<i32>} : memref<800x128xbf16, #tpu.memory_space<vmem>>, vector<1x32xbf16>,
        %get3A_379 = vector.shape_cast %get3A_378 : vector<1x32xbf16> to vector<32xbf16>
        %add3A_380 = arith.addf %get3A_307, %get3A_315 : vector<32xbf16>
        %add3A_381 = arith.addf %get3A_323, %get3A_331 : vector<32xbf16>
        %add3A_382 = arith.addf %get3A_339, %get3A_347 : vector<32xbf16>
        %add3A_383 = arith.addf %get3A_355, %get3A_363 : vector<32xbf16>
        %add3A_384 = arith.addf %get3A_371, %get3A_379 : vector<32xbf16>
        %add3A_385 = arith.addf %add3A_380, %add3A_381 : vector<32xbf16>
        %add3A_386 = arith.addf %add3A_382, %add3A_383 : vector<32xbf16>
        %add3A_387 = arith.addf %add3A_385, %add3A_386 : vector<32xbf16>
        %add3A_388 = arith.addf %add3A_387, %add3A_384 : vector<32xbf16>
        %max3A_389 = arith.constant 0.000000e+00 : bf16
        %max3A_390 = vector.broadcast %max3A_389 : bf16 to vector<32xbf16>
        %max3A_391 = arith.maximumf %add3A_388, %max3A_390 : vector<32xbf16>
        %swap3A_392 = arith.index_cast %scan3A_108 : i32 to index
        %swap3A_393 = arith.constant 64 : index
        %swap3A_394 = tpu.vector_load %arg8[%swap3A_392, %swap3A_393] {strides = array<i32>} : memref<80x128xbf16, #tpu.memory_space<vmem>>, vector<1x32xbf16>,
        %swap3A_395 = vector.shape_cast %swap3A_394 : vector<1x32xbf16> to vector<32xbf16>
        %swap3A_396 = vector.shape_cast %max3A_391 : vector<32xbf16> to vector<1x32xbf16>
        tpu.vector_store %arg8[%swap3A_392, %swap3A_393], %swap3A_396 {strides = array<i32>} : memref<80x128xbf16, #tpu.memory_space<vmem>>, vector<1x32xbf16>,
        %mul3A_397 = arith.constant 10 : i32
        %mul3A_398 = arith.muli %scan3A_108, %mul3A_397 : i32
        %add3A_399 = arith.constant 0 : i32
        %add3A_400 = arith.addi %mul3A_398, %add3A_399 : i32
        %get3A_401 = arith.index_cast %add3A_400 : i32 to index
        %get3A_402 = arith.constant 96 : index
        %get3A_403 = tpu.vector_load %arg7[%get3A_401, %get3A_402] {strides = array<i32>} : memref<800x128xbf16, #tpu.memory_space<vmem>>, vector<1x32xbf16>,
        %get3A_404 = vector.shape_cast %get3A_403 : vector<1x32xbf16> to vector<32xbf16>
        %mul3A_405 = arith.constant 10 : i32
        %mul3A_406 = arith.muli %scan3A_108, %mul3A_405 : i32
        %add3A_407 = arith.constant 1 : i32
        %add3A_408 = arith.addi %mul3A_406, %add3A_407 : i32
        %get3A_409 = arith.index_cast %add3A_408 : i32 to index
        %get3A_410 = arith.constant 96 : index
        %get3A_411 = tpu.vector_load %arg7[%get3A_409, %get3A_410] {strides = array<i32>} : memref<800x128xbf16, #tpu.memory_space<vmem>>, vector<1x32xbf16>,
        %get3A_412 = vector.shape_cast %get3A_411 : vector<1x32xbf16> to vector<32xbf16>
        %mul3A_413 = arith.constant 10 : i32
        %mul3A_414 = arith.muli %scan3A_108, %mul3A_413 : i32
        %add3A_415 = arith.constant 2 : i32
        %add3A_416 = arith.addi %mul3A_414, %add3A_415 : i32
        %get3A_417 = arith.index_cast %add3A_416 : i32 to index
        %get3A_418 = arith.constant 96 : index
        %get3A_419 = tpu.vector_load %arg7[%get3A_417, %get3A_418] {strides = array<i32>} : memref<800x128xbf16, #tpu.memory_space<vmem>>, vector<1x32xbf16>,
        %get3A_420 = vector.shape_cast %get3A_419 : vector<1x32xbf16> to vector<32xbf16>
        %mul3A_421 = arith.constant 10 : i32
        %mul3A_422 = arith.muli %scan3A_108, %mul3A_421 : i32
        %add3A_423 = arith.constant 3 : i32
        %add3A_424 = arith.addi %mul3A_422, %add3A_423 : i32
        %get3A_425 = arith.index_cast %add3A_424 : i32 to index
        %get3A_426 = arith.constant 96 : index
        %get3A_427 = tpu.vector_load %arg7[%get3A_425, %get3A_426] {strides = array<i32>} : memref<800x128xbf16, #tpu.memory_space<vmem>>, vector<1x32xbf16>,
        %get3A_428 = vector.shape_cast %get3A_427 : vector<1x32xbf16> to vector<32xbf16>
        %mul3A_429 = arith.constant 10 : i32
        %mul3A_430 = arith.muli %scan3A_108, %mul3A_429 : i32
        %add3A_431 = arith.constant 4 : i32
        %add3A_432 = arith.addi %mul3A_430, %add3A_431 : i32
        %get3A_433 = arith.index_cast %add3A_432 : i32 to index
        %get3A_434 = arith.constant 96 : index
        %get3A_435 = tpu.vector_load %arg7[%get3A_433, %get3A_434] {strides = array<i32>} : memref<800x128xbf16, #tpu.memory_space<vmem>>, vector<1x32xbf16>,
        %get3A_436 = vector.shape_cast %get3A_435 : vector<1x32xbf16> to vector<32xbf16>
        %mul3A_437 = arith.constant 10 : i32
        %mul3A_438 = arith.muli %scan3A_108, %mul3A_437 : i32
        %add3A_439 = arith.constant 5 : i32
        %add3A_440 = arith.addi %mul3A_438, %add3A_439 : i32
        %get3A_441 = arith.index_cast %add3A_440 : i32 to index
        %get3A_442 = arith.constant 96 : index
        %get3A_443 = tpu.vector_load %arg7[%get3A_441, %get3A_442] {strides = array<i32>} : memref<800x128xbf16, #tpu.memory_space<vmem>>, vector<1x32xbf16>,
        %get3A_444 = vector.shape_cast %get3A_443 : vector<1x32xbf16> to vector<32xbf16>
        %mul3A_445 = arith.constant 10 : i32
        %mul3A_446 = arith.muli %scan3A_108, %mul3A_445 : i32
        %add3A_447 = arith.constant 6 : i32
        %add3A_448 = arith.addi %mul3A_446, %add3A_447 : i32
        %get3A_449 = arith.index_cast %add3A_448 : i32 to index
        %get3A_450 = arith.constant 96 : index
        %get3A_451 = tpu.vector_load %arg7[%get3A_449, %get3A_450] {strides = array<i32>} : memref<800x128xbf16, #tpu.memory_space<vmem>>, vector<1x32xbf16>,
        %get3A_452 = vector.shape_cast %get3A_451 : vector<1x32xbf16> to vector<32xbf16>
        %mul3A_453 = arith.constant 10 : i32
        %mul3A_454 = arith.muli %scan3A_108, %mul3A_453 : i32
        %add3A_455 = arith.constant 7 : i32
        %add3A_456 = arith.addi %mul3A_454, %add3A_455 : i32
        %get3A_457 = arith.index_cast %add3A_456 : i32 to index
        %get3A_458 = arith.constant 96 : index
        %get3A_459 = tpu.vector_load %arg7[%get3A_457, %get3A_458] {strides = array<i32>} : memref<800x128xbf16, #tpu.memory_space<vmem>>, vector<1x32xbf16>,
        %get3A_460 = vector.shape_cast %get3A_459 : vector<1x32xbf16> to vector<32xbf16>
        %mul3A_461 = arith.constant 10 : i32
        %mul3A_462 = arith.muli %scan3A_108, %mul3A_461 : i32
        %add3A_463 = arith.constant 8 : i32
        %add3A_464 = arith.addi %mul3A_462, %add3A_463 : i32
        %get3A_465 = arith.index_cast %add3A_464 : i32 to index
        %get3A_466 = arith.constant 96 : index
        %get3A_467 = tpu.vector_load %arg7[%get3A_465, %get3A_466] {strides = array<i32>} : memref<800x128xbf16, #tpu.memory_space<vmem>>, vector<1x32xbf16>,
        %get3A_468 = vector.shape_cast %get3A_467 : vector<1x32xbf16> to vector<32xbf16>
        %mul3A_469 = arith.constant 10 : i32
        %mul3A_470 = arith.muli %scan3A_108, %mul3A_469 : i32
        %add3A_471 = arith.constant 9 : i32
        %add3A_472 = arith.addi %mul3A_470, %add3A_471 : i32
        %get3A_473 = arith.index_cast %add3A_472 : i32 to index
        %get3A_474 = arith.constant 96 : index
        %get3A_475 = tpu.vector_load %arg7[%get3A_473, %get3A_474] {strides = array<i32>} : memref<800x128xbf16, #tpu.memory_space<vmem>>, vector<1x32xbf16>,
        %get3A_476 = vector.shape_cast %get3A_475 : vector<1x32xbf16> to vector<32xbf16>
        %add3A_477 = arith.addf %get3A_404, %get3A_412 : vector<32xbf16>
        %add3A_478 = arith.addf %get3A_420, %get3A_428 : vector<32xbf16>
        %add3A_479 = arith.addf %get3A_436, %get3A_444 : vector<32xbf16>
        %add3A_480 = arith.addf %get3A_452, %get3A_460 : vector<32xbf16>
        %add3A_481 = arith.addf %get3A_468, %get3A_476 : vector<32xbf16>
        %add3A_482 = arith.addf %add3A_477, %add3A_478 : vector<32xbf16>
        %add3A_483 = arith.addf %add3A_479, %add3A_480 : vector<32xbf16>
        %add3A_484 = arith.addf %add3A_482, %add3A_483 : vector<32xbf16>
        %add3A_485 = arith.addf %add3A_484, %add3A_481 : vector<32xbf16>
        %max3A_486 = arith.constant 0.000000e+00 : bf16
        %max3A_487 = vector.broadcast %max3A_486 : bf16 to vector<32xbf16>
        %max3A_488 = arith.maximumf %add3A_485, %max3A_487 : vector<32xbf16>
        %swap3A_489 = arith.index_cast %scan3A_108 : i32 to index
        %swap3A_490 = arith.constant 96 : index
        %swap3A_491 = tpu.vector_load %arg8[%swap3A_489, %swap3A_490] {strides = array<i32>} : memref<80x128xbf16, #tpu.memory_space<vmem>>, vector<1x32xbf16>,
        %swap3A_492 = vector.shape_cast %swap3A_491 : vector<1x32xbf16> to vector<32xbf16>
        %swap3A_493 = vector.shape_cast %max3A_488 : vector<32xbf16> to vector<1x32xbf16>
        tpu.vector_store %arg8[%swap3A_489, %swap3A_490], %swap3A_493 {strides = array<i32>} : memref<80x128xbf16, #tpu.memory_space<vmem>>, vector<1x32xbf16>,
      }
      %scan3A_103 = arith.constant 80 : i32
      %add3A_104 = arith.constant 1 : i32
      %add3A_105 = arith.addi %add3A, %add3A_104 : i32
      %mul3A_106 = arith.constant 80 : i32
      %mul3A_107 = arith.muli %add3A_105, %mul3A_106 : i32
      "tpu.region"() ({
        %run_scoped3A = tpu.sem_alloc : memref<!tpu.dma_semaphore, #tpu.memory_space<semaphore_mem>>
        %dma_start3A = arith.constant 0 : i32
        %dma_start3A_108 = tpu.memref_slice %arg4[%mul3A_107, %dma_start3A] : memref<10240x128xbf16, #tpu.memory_space<hbm>> -> memref<80x128xbf16, #tpu.memory_space<hbm>>
        %dma_start3A_109 = arith.constant 0 : i32
        %dma_start3A_110 = tpu.memref_slice %arg4[%mul3A_107, %dma_start3A_109] : memref<10240x128xbf16, #tpu.memory_space<hbm>> -> memref<80x128xbf16, #tpu.memory_space<hbm>>
        tpu.enqueue_dma source(%arg8 : memref<80x128xbf16, #tpu.memory_space<vmem>>) target(%dma_start3A_110 : memref<80x128xbf16, #tpu.memory_space<hbm>>) target_semaphore(%run_scoped3A : memref<!tpu.dma_semaphore, #tpu.memory_space<semaphore_mem>>)
        %dma_wait3A = arith.constant 0 : i32
        %dma_wait3A_111 = tpu.memref_slice %arg4[%mul3A_107, %dma_wait3A] : memref<10240x128xbf16, #tpu.memory_space<hbm>> -> memref<80x128xbf16, #tpu.memory_space<hbm>>
        %dma_wait3A_112 = arith.constant 0 : i32
        %dma_wait3A_113 = tpu.memref_slice %arg4[%mul3A_107, %dma_wait3A_112] : memref<10240x128xbf16, #tpu.memory_space<hbm>> -> memref<80x128xbf16, #tpu.memory_space<hbm>>
        tpu.wait_dma2 semaphore(%run_scoped3A : memref<!tpu.dma_semaphore, #tpu.memory_space<semaphore_mem>>) src(%arg8 : memref<80x128xbf16, #tpu.memory_space<vmem>>) dst(%dma_wait3A_113 : memref<80x128xbf16, #tpu.memory_space<hbm>>)
        tpu.yield
      }) : () -> ()
    } else {
    }
    %gt3A_44 = arith.constant 2 : i32
    %gt3A_45 = arith.cmpi sgt, %select_n3A_7, %gt3A_44 : i32
    %convert_element_type3A_46 = arith.extui %gt3A_45 : i1 to i32
    %cond3A_47 = arith.constant 0 : i32
    %cond3A_48 = arith.cmpi ne, %convert_element_type3A_46, %cond3A_47 : i32
    scf.if %cond3A_48 {
      %dma_wait3A = arith.constant 1600 : i32
      %dma_wait3A_99 = tpu.memref_slice %arg5[%dma_wait3A] : memref<4800xi32, #tpu.memory_space<vmem>> -> memref<800xi32, #tpu.memory_space<vmem>>
      %dma_wait3A_100 = arith.constant 0 : i32
      %dma_wait3A_101 = arith.constant 0 : i32
      %dma_wait3A_102 = tpu.memref_slice %arg2[%dma_wait3A_100, %dma_wait3A_101] : memref<50000x128xbf16, #tpu.memory_space<hbm>> -> memref<50000x128xbf16, #tpu.memory_space<hbm>>
      tpu.wait_indirect_dma semaphore(%arg9 : memref<!tpu.dma_semaphore, #tpu.memory_space<semaphore_mem>>) src(%dma_wait3A_102 : memref<50000x128xbf16, #tpu.memory_space<hbm>>) dst(%arg6 : memref<800x128xbf16, #tpu.memory_space<vmem>>)
    } else {
    }
    %gt3A_49 = arith.constant 3 : i32
    %gt3A_50 = arith.cmpi sgt, %select_n3A_7, %gt3A_49 : i32
    %convert_element_type3A_51 = arith.extui %gt3A_50 : i1 to i32
    %cond3A_52 = arith.constant 0 : i32
    %cond3A_53 = arith.cmpi ne, %convert_element_type3A_51, %cond3A_52 : i32
    scf.if %cond3A_53 {
      %dma_start3A = arith.constant 2400 : i32
      %dma_start3A_99 = tpu.memref_slice %arg5[%dma_start3A] : memref<4800xi32, #tpu.memory_space<vmem>> -> memref<800xi32, #tpu.memory_space<vmem>>
      %dma_start3A_100 = arith.constant 0 : i32
      %dma_start3A_101 = arith.constant 0 : i32
      %dma_start3A_102 = tpu.memref_slice %arg2[%dma_start3A_100, %dma_start3A_101] : memref<50000x128xbf16, #tpu.memory_space<hbm>> -> memref<50000x128xbf16, #tpu.memory_space<hbm>>
      tpu.enqueue_indirect_dma source(%dma_start3A_102 : memref<50000x128xbf16, #tpu.memory_space<hbm>>) target(%arg7 : memref<800x128xbf16, #tpu.memory_space<vmem>>) offsets(%dma_start3A_99 : memref<800xi32, #tpu.memory_space<vmem>>) semaphore(%arg10 : memref<!tpu.dma_semaphore, #tpu.memory_space<semaphore_mem>>)
    } else {
    }
    %gt3A_54 = arith.constant 2 : i32
    %gt3A_55 = arith.cmpi sgt, %select_n3A_7, %gt3A_54 : i32
    %convert_element_type3A_56 = arith.extui %gt3A_55 : i1 to i32
    %cond3A_57 = arith.constant 0 : i32
    %cond3A_58 = arith.cmpi ne, %convert_element_type3A_56, %cond3A_57 : i32
    scf.if %cond3A_58 {
      %scan3A = arith.constant 0 : i32
      %scan3A_99 = arith.constant 0 : i32
      %scan3A_100 = arith.constant 80 : i32
      %scan3A_101 = arith.addi %scan3A_99, %scan3A_100 : i32
      %scan3A_102 = arith.constant 1 : i32
      scf.for %scan3A_108 = %scan3A_99 to %scan3A_101 step %scan3A_102  : i32 {
        %mul3A_109 = arith.constant 10 : i32
        %mul3A_110 = arith.muli %scan3A_108, %mul3A_109 : i32
        %add3A_111 = arith.constant 0 : i32
        %add3A_112 = arith.addi %mul3A_110, %add3A_111 : i32
        %get3A = arith.index_cast %add3A_112 : i32 to index
        %get3A_113 = arith.constant 0 : index
        %get3A_114 = tpu.vector_load %arg6[%get3A, %get3A_113] {strides = array<i32>} : memref<800x128xbf16, #tpu.memory_space<vmem>>, vector<1x32xbf16>,
        %get3A_115 = vector.shape_cast %get3A_114 : vector<1x32xbf16> to vector<32xbf16>
        %mul3A_116 = arith.constant 10 : i32
        %mul3A_117 = arith.muli %scan3A_108, %mul3A_116 : i32
        %add3A_118 = arith.constant 1 : i32
        %add3A_119 = arith.addi %mul3A_117, %add3A_118 : i32
        %get3A_120 = arith.index_cast %add3A_119 : i32 to index
        %get3A_121 = arith.constant 0 : index
        %get3A_122 = tpu.vector_load %arg6[%get3A_120, %get3A_121] {strides = array<i32>} : memref<800x128xbf16, #tpu.memory_space<vmem>>, vector<1x32xbf16>,
        %get3A_123 = vector.shape_cast %get3A_122 : vector<1x32xbf16> to vector<32xbf16>
        %mul3A_124 = arith.constant 10 : i32
        %mul3A_125 = arith.muli %scan3A_108, %mul3A_124 : i32
        %add3A_126 = arith.constant 2 : i32
        %add3A_127 = arith.addi %mul3A_125, %add3A_126 : i32
        %get3A_128 = arith.index_cast %add3A_127 : i32 to index
        %get3A_129 = arith.constant 0 : index
        %get3A_130 = tpu.vector_load %arg6[%get3A_128, %get3A_129] {strides = array<i32>} : memref<800x128xbf16, #tpu.memory_space<vmem>>, vector<1x32xbf16>,
        %get3A_131 = vector.shape_cast %get3A_130 : vector<1x32xbf16> to vector<32xbf16>
        %mul3A_132 = arith.constant 10 : i32
        %mul3A_133 = arith.muli %scan3A_108, %mul3A_132 : i32
        %add3A_134 = arith.constant 3 : i32
        %add3A_135 = arith.addi %mul3A_133, %add3A_134 : i32
        %get3A_136 = arith.index_cast %add3A_135 : i32 to index
        %get3A_137 = arith.constant 0 : index
        %get3A_138 = tpu.vector_load %arg6[%get3A_136, %get3A_137] {strides = array<i32>} : memref<800x128xbf16, #tpu.memory_space<vmem>>, vector<1x32xbf16>,
        %get3A_139 = vector.shape_cast %get3A_138 : vector<1x32xbf16> to vector<32xbf16>
        %mul3A_140 = arith.constant 10 : i32
        %mul3A_141 = arith.muli %scan3A_108, %mul3A_140 : i32
        %add3A_142 = arith.constant 4 : i32
        %add3A_143 = arith.addi %mul3A_141, %add3A_142 : i32
        %get3A_144 = arith.index_cast %add3A_143 : i32 to index
        %get3A_145 = arith.constant 0 : index
        %get3A_146 = tpu.vector_load %arg6[%get3A_144, %get3A_145] {strides = array<i32>} : memref<800x128xbf16, #tpu.memory_space<vmem>>, vector<1x32xbf16>,
        %get3A_147 = vector.shape_cast %get3A_146 : vector<1x32xbf16> to vector<32xbf16>
        %mul3A_148 = arith.constant 10 : i32
        %mul3A_149 = arith.muli %scan3A_108, %mul3A_148 : i32
        %add3A_150 = arith.constant 5 : i32
        %add3A_151 = arith.addi %mul3A_149, %add3A_150 : i32
        %get3A_152 = arith.index_cast %add3A_151 : i32 to index
        %get3A_153 = arith.constant 0 : index
        %get3A_154 = tpu.vector_load %arg6[%get3A_152, %get3A_153] {strides = array<i32>} : memref<800x128xbf16, #tpu.memory_space<vmem>>, vector<1x32xbf16>,
        %get3A_155 = vector.shape_cast %get3A_154 : vector<1x32xbf16> to vector<32xbf16>
        %mul3A_156 = arith.constant 10 : i32
        %mul3A_157 = arith.muli %scan3A_108, %mul3A_156 : i32
        %add3A_158 = arith.constant 6 : i32
        %add3A_159 = arith.addi %mul3A_157, %add3A_158 : i32
        %get3A_160 = arith.index_cast %add3A_159 : i32 to index
        %get3A_161 = arith.constant 0 : index
        %get3A_162 = tpu.vector_load %arg6[%get3A_160, %get3A_161] {strides = array<i32>} : memref<800x128xbf16, #tpu.memory_space<vmem>>, vector<1x32xbf16>,
        %get3A_163 = vector.shape_cast %get3A_162 : vector<1x32xbf16> to vector<32xbf16>
        %mul3A_164 = arith.constant 10 : i32
        %mul3A_165 = arith.muli %scan3A_108, %mul3A_164 : i32
        %add3A_166 = arith.constant 7 : i32
        %add3A_167 = arith.addi %mul3A_165, %add3A_166 : i32
        %get3A_168 = arith.index_cast %add3A_167 : i32 to index
        %get3A_169 = arith.constant 0 : index
        %get3A_170 = tpu.vector_load %arg6[%get3A_168, %get3A_169] {strides = array<i32>} : memref<800x128xbf16, #tpu.memory_space<vmem>>, vector<1x32xbf16>,
        %get3A_171 = vector.shape_cast %get3A_170 : vector<1x32xbf16> to vector<32xbf16>
        %mul3A_172 = arith.constant 10 : i32
        %mul3A_173 = arith.muli %scan3A_108, %mul3A_172 : i32
        %add3A_174 = arith.constant 8 : i32
        %add3A_175 = arith.addi %mul3A_173, %add3A_174 : i32
        %get3A_176 = arith.index_cast %add3A_175 : i32 to index
        %get3A_177 = arith.constant 0 : index
        %get3A_178 = tpu.vector_load %arg6[%get3A_176, %get3A_177] {strides = array<i32>} : memref<800x128xbf16, #tpu.memory_space<vmem>>, vector<1x32xbf16>,
        %get3A_179 = vector.shape_cast %get3A_178 : vector<1x32xbf16> to vector<32xbf16>
        %mul3A_180 = arith.constant 10 : i32
        %mul3A_181 = arith.muli %scan3A_108, %mul3A_180 : i32
        %add3A_182 = arith.constant 9 : i32
        %add3A_183 = arith.addi %mul3A_181, %add3A_182 : i32
        %get3A_184 = arith.index_cast %add3A_183 : i32 to index
        %get3A_185 = arith.constant 0 : index
        %get3A_186 = tpu.vector_load %arg6[%get3A_184, %get3A_185] {strides = array<i32>} : memref<800x128xbf16, #tpu.memory_space<vmem>>, vector<1x32xbf16>,
        %get3A_187 = vector.shape_cast %get3A_186 : vector<1x32xbf16> to vector<32xbf16>
        %add3A_188 = arith.addf %get3A_115, %get3A_123 : vector<32xbf16>
        %add3A_189 = arith.addf %get3A_131, %get3A_139 : vector<32xbf16>
        %add3A_190 = arith.addf %get3A_147, %get3A_155 : vector<32xbf16>
        %add3A_191 = arith.addf %get3A_163, %get3A_171 : vector<32xbf16>
        %add3A_192 = arith.addf %get3A_179, %get3A_187 : vector<32xbf16>
        %add3A_193 = arith.addf %add3A_188, %add3A_189 : vector<32xbf16>
        %add3A_194 = arith.addf %add3A_190, %add3A_191 : vector<32xbf16>
        %add3A_195 = arith.addf %add3A_193, %add3A_194 : vector<32xbf16>
        %add3A_196 = arith.addf %add3A_195, %add3A_192 : vector<32xbf16>
        %max3A = arith.constant 0.000000e+00 : bf16
        %max3A_197 = vector.broadcast %max3A : bf16 to vector<32xbf16>
        %max3A_198 = arith.maximumf %add3A_196, %max3A_197 : vector<32xbf16>
        %swap3A = arith.index_cast %scan3A_108 : i32 to index
        %swap3A_199 = arith.constant 0 : index
        %swap3A_200 = tpu.vector_load %arg8[%swap3A, %swap3A_199] {strides = array<i32>} : memref<80x128xbf16, #tpu.memory_space<vmem>>, vector<1x32xbf16>,
        %swap3A_201 = vector.shape_cast %swap3A_200 : vector<1x32xbf16> to vector<32xbf16>
        %swap3A_202 = vector.shape_cast %max3A_198 : vector<32xbf16> to vector<1x32xbf16>
        tpu.vector_store %arg8[%swap3A, %swap3A_199], %swap3A_202 {strides = array<i32>} : memref<80x128xbf16, #tpu.memory_space<vmem>>, vector<1x32xbf16>,
        %mul3A_203 = arith.constant 10 : i32
        %mul3A_204 = arith.muli %scan3A_108, %mul3A_203 : i32
        %add3A_205 = arith.constant 0 : i32
        %add3A_206 = arith.addi %mul3A_204, %add3A_205 : i32
        %get3A_207 = arith.index_cast %add3A_206 : i32 to index
        %get3A_208 = arith.constant 32 : index
        %get3A_209 = tpu.vector_load %arg6[%get3A_207, %get3A_208] {strides = array<i32>} : memref<800x128xbf16, #tpu.memory_space<vmem>>, vector<1x32xbf16>,
        %get3A_210 = vector.shape_cast %get3A_209 : vector<1x32xbf16> to vector<32xbf16>
        %mul3A_211 = arith.constant 10 : i32
        %mul3A_212 = arith.muli %scan3A_108, %mul3A_211 : i32
        %add3A_213 = arith.constant 1 : i32
        %add3A_214 = arith.addi %mul3A_212, %add3A_213 : i32
        %get3A_215 = arith.index_cast %add3A_214 : i32 to index
        %get3A_216 = arith.constant 32 : index
        %get3A_217 = tpu.vector_load %arg6[%get3A_215, %get3A_216] {strides = array<i32>} : memref<800x128xbf16, #tpu.memory_space<vmem>>, vector<1x32xbf16>,
        %get3A_218 = vector.shape_cast %get3A_217 : vector<1x32xbf16> to vector<32xbf16>
        %mul3A_219 = arith.constant 10 : i32
        %mul3A_220 = arith.muli %scan3A_108, %mul3A_219 : i32
        %add3A_221 = arith.constant 2 : i32
        %add3A_222 = arith.addi %mul3A_220, %add3A_221 : i32
        %get3A_223 = arith.index_cast %add3A_222 : i32 to index
        %get3A_224 = arith.constant 32 : index
        %get3A_225 = tpu.vector_load %arg6[%get3A_223, %get3A_224] {strides = array<i32>} : memref<800x128xbf16, #tpu.memory_space<vmem>>, vector<1x32xbf16>,
        %get3A_226 = vector.shape_cast %get3A_225 : vector<1x32xbf16> to vector<32xbf16>
        %mul3A_227 = arith.constant 10 : i32
        %mul3A_228 = arith.muli %scan3A_108, %mul3A_227 : i32
        %add3A_229 = arith.constant 3 : i32
        %add3A_230 = arith.addi %mul3A_228, %add3A_229 : i32
        %get3A_231 = arith.index_cast %add3A_230 : i32 to index
        %get3A_232 = arith.constant 32 : index
        %get3A_233 = tpu.vector_load %arg6[%get3A_231, %get3A_232] {strides = array<i32>} : memref<800x128xbf16, #tpu.memory_space<vmem>>, vector<1x32xbf16>,
        %get3A_234 = vector.shape_cast %get3A_233 : vector<1x32xbf16> to vector<32xbf16>
        %mul3A_235 = arith.constant 10 : i32
        %mul3A_236 = arith.muli %scan3A_108, %mul3A_235 : i32
        %add3A_237 = arith.constant 4 : i32
        %add3A_238 = arith.addi %mul3A_236, %add3A_237 : i32
        %get3A_239 = arith.index_cast %add3A_238 : i32 to index
        %get3A_240 = arith.constant 32 : index
        %get3A_241 = tpu.vector_load %arg6[%get3A_239, %get3A_240] {strides = array<i32>} : memref<800x128xbf16, #tpu.memory_space<vmem>>, vector<1x32xbf16>,
        %get3A_242 = vector.shape_cast %get3A_241 : vector<1x32xbf16> to vector<32xbf16>
        %mul3A_243 = arith.constant 10 : i32
        %mul3A_244 = arith.muli %scan3A_108, %mul3A_243 : i32
        %add3A_245 = arith.constant 5 : i32
        %add3A_246 = arith.addi %mul3A_244, %add3A_245 : i32
        %get3A_247 = arith.index_cast %add3A_246 : i32 to index
        %get3A_248 = arith.constant 32 : index
        %get3A_249 = tpu.vector_load %arg6[%get3A_247, %get3A_248] {strides = array<i32>} : memref<800x128xbf16, #tpu.memory_space<vmem>>, vector<1x32xbf16>,
        %get3A_250 = vector.shape_cast %get3A_249 : vector<1x32xbf16> to vector<32xbf16>
        %mul3A_251 = arith.constant 10 : i32
        %mul3A_252 = arith.muli %scan3A_108, %mul3A_251 : i32
        %add3A_253 = arith.constant 6 : i32
        %add3A_254 = arith.addi %mul3A_252, %add3A_253 : i32
        %get3A_255 = arith.index_cast %add3A_254 : i32 to index
        %get3A_256 = arith.constant 32 : index
        %get3A_257 = tpu.vector_load %arg6[%get3A_255, %get3A_256] {strides = array<i32>} : memref<800x128xbf16, #tpu.memory_space<vmem>>, vector<1x32xbf16>,
        %get3A_258 = vector.shape_cast %get3A_257 : vector<1x32xbf16> to vector<32xbf16>
        %mul3A_259 = arith.constant 10 : i32
        %mul3A_260 = arith.muli %scan3A_108, %mul3A_259 : i32
        %add3A_261 = arith.constant 7 : i32
        %add3A_262 = arith.addi %mul3A_260, %add3A_261 : i32
        %get3A_263 = arith.index_cast %add3A_262 : i32 to index
        %get3A_264 = arith.constant 32 : index
        %get3A_265 = tpu.vector_load %arg6[%get3A_263, %get3A_264] {strides = array<i32>} : memref<800x128xbf16, #tpu.memory_space<vmem>>, vector<1x32xbf16>,
        %get3A_266 = vector.shape_cast %get3A_265 : vector<1x32xbf16> to vector<32xbf16>
        %mul3A_267 = arith.constant 10 : i32
        %mul3A_268 = arith.muli %scan3A_108, %mul3A_267 : i32
        %add3A_269 = arith.constant 8 : i32
        %add3A_270 = arith.addi %mul3A_268, %add3A_269 : i32
        %get3A_271 = arith.index_cast %add3A_270 : i32 to index
        %get3A_272 = arith.constant 32 : index
        %get3A_273 = tpu.vector_load %arg6[%get3A_271, %get3A_272] {strides = array<i32>} : memref<800x128xbf16, #tpu.memory_space<vmem>>, vector<1x32xbf16>,
        %get3A_274 = vector.shape_cast %get3A_273 : vector<1x32xbf16> to vector<32xbf16>
        %mul3A_275 = arith.constant 10 : i32
        %mul3A_276 = arith.muli %scan3A_108, %mul3A_275 : i32
        %add3A_277 = arith.constant 9 : i32
        %add3A_278 = arith.addi %mul3A_276, %add3A_277 : i32
        %get3A_279 = arith.index_cast %add3A_278 : i32 to index
        %get3A_280 = arith.constant 32 : index
        %get3A_281 = tpu.vector_load %arg6[%get3A_279, %get3A_280] {strides = array<i32>} : memref<800x128xbf16, #tpu.memory_space<vmem>>, vector<1x32xbf16>,
        %get3A_282 = vector.shape_cast %get3A_281 : vector<1x32xbf16> to vector<32xbf16>
        %add3A_283 = arith.addf %get3A_210, %get3A_218 : vector<32xbf16>
        %add3A_284 = arith.addf %get3A_226, %get3A_234 : vector<32xbf16>
        %add3A_285 = arith.addf %get3A_242, %get3A_250 : vector<32xbf16>
        %add3A_286 = arith.addf %get3A_258, %get3A_266 : vector<32xbf16>
        %add3A_287 = arith.addf %get3A_274, %get3A_282 : vector<32xbf16>
        %add3A_288 = arith.addf %add3A_283, %add3A_284 : vector<32xbf16>
        %add3A_289 = arith.addf %add3A_285, %add3A_286 : vector<32xbf16>
        %add3A_290 = arith.addf %add3A_288, %add3A_289 : vector<32xbf16>
        %add3A_291 = arith.addf %add3A_290, %add3A_287 : vector<32xbf16>
        %max3A_292 = arith.constant 0.000000e+00 : bf16
        %max3A_293 = vector.broadcast %max3A_292 : bf16 to vector<32xbf16>
        %max3A_294 = arith.maximumf %add3A_291, %max3A_293 : vector<32xbf16>
        %swap3A_295 = arith.index_cast %scan3A_108 : i32 to index
        %swap3A_296 = arith.constant 32 : index
        %swap3A_297 = tpu.vector_load %arg8[%swap3A_295, %swap3A_296] {strides = array<i32>} : memref<80x128xbf16, #tpu.memory_space<vmem>>, vector<1x32xbf16>,
        %swap3A_298 = vector.shape_cast %swap3A_297 : vector<1x32xbf16> to vector<32xbf16>
        %swap3A_299 = vector.shape_cast %max3A_294 : vector<32xbf16> to vector<1x32xbf16>
        tpu.vector_store %arg8[%swap3A_295, %swap3A_296], %swap3A_299 {strides = array<i32>} : memref<80x128xbf16, #tpu.memory_space<vmem>>, vector<1x32xbf16>,
        %mul3A_300 = arith.constant 10 : i32
        %mul3A_301 = arith.muli %scan3A_108, %mul3A_300 : i32
        %add3A_302 = arith.constant 0 : i32
        %add3A_303 = arith.addi %mul3A_301, %add3A_302 : i32
        %get3A_304 = arith.index_cast %add3A_303 : i32 to index
        %get3A_305 = arith.constant 64 : index
        %get3A_306 = tpu.vector_load %arg6[%get3A_304, %get3A_305] {strides = array<i32>} : memref<800x128xbf16, #tpu.memory_space<vmem>>, vector<1x32xbf16>,
        %get3A_307 = vector.shape_cast %get3A_306 : vector<1x32xbf16> to vector<32xbf16>
        %mul3A_308 = arith.constant 10 : i32
        %mul3A_309 = arith.muli %scan3A_108, %mul3A_308 : i32
        %add3A_310 = arith.constant 1 : i32
        %add3A_311 = arith.addi %mul3A_309, %add3A_310 : i32
        %get3A_312 = arith.index_cast %add3A_311 : i32 to index
        %get3A_313 = arith.constant 64 : index
        %get3A_314 = tpu.vector_load %arg6[%get3A_312, %get3A_313] {strides = array<i32>} : memref<800x128xbf16, #tpu.memory_space<vmem>>, vector<1x32xbf16>,
        %get3A_315 = vector.shape_cast %get3A_314 : vector<1x32xbf16> to vector<32xbf16>
        %mul3A_316 = arith.constant 10 : i32
        %mul3A_317 = arith.muli %scan3A_108, %mul3A_316 : i32
        %add3A_318 = arith.constant 2 : i32
        %add3A_319 = arith.addi %mul3A_317, %add3A_318 : i32
        %get3A_320 = arith.index_cast %add3A_319 : i32 to index
        %get3A_321 = arith.constant 64 : index
        %get3A_322 = tpu.vector_load %arg6[%get3A_320, %get3A_321] {strides = array<i32>} : memref<800x128xbf16, #tpu.memory_space<vmem>>, vector<1x32xbf16>,
        %get3A_323 = vector.shape_cast %get3A_322 : vector<1x32xbf16> to vector<32xbf16>
        %mul3A_324 = arith.constant 10 : i32
        %mul3A_325 = arith.muli %scan3A_108, %mul3A_324 : i32
        %add3A_326 = arith.constant 3 : i32
        %add3A_327 = arith.addi %mul3A_325, %add3A_326 : i32
        %get3A_328 = arith.index_cast %add3A_327 : i32 to index
        %get3A_329 = arith.constant 64 : index
        %get3A_330 = tpu.vector_load %arg6[%get3A_328, %get3A_329] {strides = array<i32>} : memref<800x128xbf16, #tpu.memory_space<vmem>>, vector<1x32xbf16>,
        %get3A_331 = vector.shape_cast %get3A_330 : vector<1x32xbf16> to vector<32xbf16>
        %mul3A_332 = arith.constant 10 : i32
        %mul3A_333 = arith.muli %scan3A_108, %mul3A_332 : i32
        %add3A_334 = arith.constant 4 : i32
        %add3A_335 = arith.addi %mul3A_333, %add3A_334 : i32
        %get3A_336 = arith.index_cast %add3A_335 : i32 to index
        %get3A_337 = arith.constant 64 : index
        %get3A_338 = tpu.vector_load %arg6[%get3A_336, %get3A_337] {strides = array<i32>} : memref<800x128xbf16, #tpu.memory_space<vmem>>, vector<1x32xbf16>,
        %get3A_339 = vector.shape_cast %get3A_338 : vector<1x32xbf16> to vector<32xbf16>
        %mul3A_340 = arith.constant 10 : i32
        %mul3A_341 = arith.muli %scan3A_108, %mul3A_340 : i32
        %add3A_342 = arith.constant 5 : i32
        %add3A_343 = arith.addi %mul3A_341, %add3A_342 : i32
        %get3A_344 = arith.index_cast %add3A_343 : i32 to index
        %get3A_345 = arith.constant 64 : index
        %get3A_346 = tpu.vector_load %arg6[%get3A_344, %get3A_345] {strides = array<i32>} : memref<800x128xbf16, #tpu.memory_space<vmem>>, vector<1x32xbf16>,
        %get3A_347 = vector.shape_cast %get3A_346 : vector<1x32xbf16> to vector<32xbf16>
        %mul3A_348 = arith.constant 10 : i32
        %mul3A_349 = arith.muli %scan3A_108, %mul3A_348 : i32
        %add3A_350 = arith.constant 6 : i32
        %add3A_351 = arith.addi %mul3A_349, %add3A_350 : i32
        %get3A_352 = arith.index_cast %add3A_351 : i32 to index
        %get3A_353 = arith.constant 64 : index
        %get3A_354 = tpu.vector_load %arg6[%get3A_352, %get3A_353] {strides = array<i32>} : memref<800x128xbf16, #tpu.memory_space<vmem>>, vector<1x32xbf16>,
        %get3A_355 = vector.shape_cast %get3A_354 : vector<1x32xbf16> to vector<32xbf16>
        %mul3A_356 = arith.constant 10 : i32
        %mul3A_357 = arith.muli %scan3A_108, %mul3A_356 : i32
        %add3A_358 = arith.constant 7 : i32
        %add3A_359 = arith.addi %mul3A_357, %add3A_358 : i32
        %get3A_360 = arith.index_cast %add3A_359 : i32 to index
        %get3A_361 = arith.constant 64 : index
        %get3A_362 = tpu.vector_load %arg6[%get3A_360, %get3A_361] {strides = array<i32>} : memref<800x128xbf16, #tpu.memory_space<vmem>>, vector<1x32xbf16>,
        %get3A_363 = vector.shape_cast %get3A_362 : vector<1x32xbf16> to vector<32xbf16>
        %mul3A_364 = arith.constant 10 : i32
        %mul3A_365 = arith.muli %scan3A_108, %mul3A_364 : i32
        %add3A_366 = arith.constant 8 : i32
        %add3A_367 = arith.addi %mul3A_365, %add3A_366 : i32
        %get3A_368 = arith.index_cast %add3A_367 : i32 to index
        %get3A_369 = arith.constant 64 : index
        %get3A_370 = tpu.vector_load %arg6[%get3A_368, %get3A_369] {strides = array<i32>} : memref<800x128xbf16, #tpu.memory_space<vmem>>, vector<1x32xbf16>,
        %get3A_371 = vector.shape_cast %get3A_370 : vector<1x32xbf16> to vector<32xbf16>
        %mul3A_372 = arith.constant 10 : i32
        %mul3A_373 = arith.muli %scan3A_108, %mul3A_372 : i32
        %add3A_374 = arith.constant 9 : i32
        %add3A_375 = arith.addi %mul3A_373, %add3A_374 : i32
        %get3A_376 = arith.index_cast %add3A_375 : i32 to index
        %get3A_377 = arith.constant 64 : index
        %get3A_378 = tpu.vector_load %arg6[%get3A_376, %get3A_377] {strides = array<i32>} : memref<800x128xbf16, #tpu.memory_space<vmem>>, vector<1x32xbf16>,
        %get3A_379 = vector.shape_cast %get3A_378 : vector<1x32xbf16> to vector<32xbf16>
        %add3A_380 = arith.addf %get3A_307, %get3A_315 : vector<32xbf16>
        %add3A_381 = arith.addf %get3A_323, %get3A_331 : vector<32xbf16>
        %add3A_382 = arith.addf %get3A_339, %get3A_347 : vector<32xbf16>
        %add3A_383 = arith.addf %get3A_355, %get3A_363 : vector<32xbf16>
        %add3A_384 = arith.addf %get3A_371, %get3A_379 : vector<32xbf16>
        %add3A_385 = arith.addf %add3A_380, %add3A_381 : vector<32xbf16>
        %add3A_386 = arith.addf %add3A_382, %add3A_383 : vector<32xbf16>
        %add3A_387 = arith.addf %add3A_385, %add3A_386 : vector<32xbf16>
        %add3A_388 = arith.addf %add3A_387, %add3A_384 : vector<32xbf16>
        %max3A_389 = arith.constant 0.000000e+00 : bf16
        %max3A_390 = vector.broadcast %max3A_389 : bf16 to vector<32xbf16>
        %max3A_391 = arith.maximumf %add3A_388, %max3A_390 : vector<32xbf16>
        %swap3A_392 = arith.index_cast %scan3A_108 : i32 to index
        %swap3A_393 = arith.constant 64 : index
        %swap3A_394 = tpu.vector_load %arg8[%swap3A_392, %swap3A_393] {strides = array<i32>} : memref<80x128xbf16, #tpu.memory_space<vmem>>, vector<1x32xbf16>,
        %swap3A_395 = vector.shape_cast %swap3A_394 : vector<1x32xbf16> to vector<32xbf16>
        %swap3A_396 = vector.shape_cast %max3A_391 : vector<32xbf16> to vector<1x32xbf16>
        tpu.vector_store %arg8[%swap3A_392, %swap3A_393], %swap3A_396 {strides = array<i32>} : memref<80x128xbf16, #tpu.memory_space<vmem>>, vector<1x32xbf16>,
        %mul3A_397 = arith.constant 10 : i32
        %mul3A_398 = arith.muli %scan3A_108, %mul3A_397 : i32
        %add3A_399 = arith.constant 0 : i32
        %add3A_400 = arith.addi %mul3A_398, %add3A_399 : i32
        %get3A_401 = arith.index_cast %add3A_400 : i32 to index
        %get3A_402 = arith.constant 96 : index
        %get3A_403 = tpu.vector_load %arg6[%get3A_401, %get3A_402] {strides = array<i32>} : memref<800x128xbf16, #tpu.memory_space<vmem>>, vector<1x32xbf16>,
        %get3A_404 = vector.shape_cast %get3A_403 : vector<1x32xbf16> to vector<32xbf16>
        %mul3A_405 = arith.constant 10 : i32
        %mul3A_406 = arith.muli %scan3A_108, %mul3A_405 : i32
        %add3A_407 = arith.constant 1 : i32
        %add3A_408 = arith.addi %mul3A_406, %add3A_407 : i32
        %get3A_409 = arith.index_cast %add3A_408 : i32 to index
        %get3A_410 = arith.constant 96 : index
        %get3A_411 = tpu.vector_load %arg6[%get3A_409, %get3A_410] {strides = array<i32>} : memref<800x128xbf16, #tpu.memory_space<vmem>>, vector<1x32xbf16>,
        %get3A_412 = vector.shape_cast %get3A_411 : vector<1x32xbf16> to vector<32xbf16>
        %mul3A_413 = arith.constant 10 : i32
        %mul3A_414 = arith.muli %scan3A_108, %mul3A_413 : i32
        %add3A_415 = arith.constant 2 : i32
        %add3A_416 = arith.addi %mul3A_414, %add3A_415 : i32
        %get3A_417 = arith.index_cast %add3A_416 : i32 to index
        %get3A_418 = arith.constant 96 : index
        %get3A_419 = tpu.vector_load %arg6[%get3A_417, %get3A_418] {strides = array<i32>} : memref<800x128xbf16, #tpu.memory_space<vmem>>, vector<1x32xbf16>,
        %get3A_420 = vector.shape_cast %get3A_419 : vector<1x32xbf16> to vector<32xbf16>
        %mul3A_421 = arith.constant 10 : i32
        %mul3A_422 = arith.muli %scan3A_108, %mul3A_421 : i32
        %add3A_423 = arith.constant 3 : i32
        %add3A_424 = arith.addi %mul3A_422, %add3A_423 : i32
        %get3A_425 = arith.index_cast %add3A_424 : i32 to index
        %get3A_426 = arith.constant 96 : index
        %get3A_427 = tpu.vector_load %arg6[%get3A_425, %get3A_426] {strides = array<i32>} : memref<800x128xbf16, #tpu.memory_space<vmem>>, vector<1x32xbf16>,
        %get3A_428 = vector.shape_cast %get3A_427 : vector<1x32xbf16> to vector<32xbf16>
        %mul3A_429 = arith.constant 10 : i32
        %mul3A_430 = arith.muli %scan3A_108, %mul3A_429 : i32
        %add3A_431 = arith.constant 4 : i32
        %add3A_432 = arith.addi %mul3A_430, %add3A_431 : i32
        %get3A_433 = arith.index_cast %add3A_432 : i32 to index
        %get3A_434 = arith.constant 96 : index
        %get3A_435 = tpu.vector_load %arg6[%get3A_433, %get3A_434] {strides = array<i32>} : memref<800x128xbf16, #tpu.memory_space<vmem>>, vector<1x32xbf16>,
        %get3A_436 = vector.shape_cast %get3A_435 : vector<1x32xbf16> to vector<32xbf16>
        %mul3A_437 = arith.constant 10 : i32
        %mul3A_438 = arith.muli %scan3A_108, %mul3A_437 : i32
        %add3A_439 = arith.constant 5 : i32
        %add3A_440 = arith.addi %mul3A_438, %add3A_439 : i32
        %get3A_441 = arith.index_cast %add3A_440 : i32 to index
        %get3A_442 = arith.constant 96 : index
        %get3A_443 = tpu.vector_load %arg6[%get3A_441, %get3A_442] {strides = array<i32>} : memref<800x128xbf16, #tpu.memory_space<vmem>>, vector<1x32xbf16>,
        %get3A_444 = vector.shape_cast %get3A_443 : vector<1x32xbf16> to vector<32xbf16>
        %mul3A_445 = arith.constant 10 : i32
        %mul3A_446 = arith.muli %scan3A_108, %mul3A_445 : i32
        %add3A_447 = arith.constant 6 : i32
        %add3A_448 = arith.addi %mul3A_446, %add3A_447 : i32
        %get3A_449 = arith.index_cast %add3A_448 : i32 to index
        %get3A_450 = arith.constant 96 : index
        %get3A_451 = tpu.vector_load %arg6[%get3A_449, %get3A_450] {strides = array<i32>} : memref<800x128xbf16, #tpu.memory_space<vmem>>, vector<1x32xbf16>,
        %get3A_452 = vector.shape_cast %get3A_451 : vector<1x32xbf16> to vector<32xbf16>
        %mul3A_453 = arith.constant 10 : i32
        %mul3A_454 = arith.muli %scan3A_108, %mul3A_453 : i32
        %add3A_455 = arith.constant 7 : i32
        %add3A_456 = arith.addi %mul3A_454, %add3A_455 : i32
        %get3A_457 = arith.index_cast %add3A_456 : i32 to index
        %get3A_458 = arith.constant 96 : index
        %get3A_459 = tpu.vector_load %arg6[%get3A_457, %get3A_458] {strides = array<i32>} : memref<800x128xbf16, #tpu.memory_space<vmem>>, vector<1x32xbf16>,
        %get3A_460 = vector.shape_cast %get3A_459 : vector<1x32xbf16> to vector<32xbf16>
        %mul3A_461 = arith.constant 10 : i32
        %mul3A_462 = arith.muli %scan3A_108, %mul3A_461 : i32
        %add3A_463 = arith.constant 8 : i32
        %add3A_464 = arith.addi %mul3A_462, %add3A_463 : i32
        %get3A_465 = arith.index_cast %add3A_464 : i32 to index
        %get3A_466 = arith.constant 96 : index
        %get3A_467 = tpu.vector_load %arg6[%get3A_465, %get3A_466] {strides = array<i32>} : memref<800x128xbf16, #tpu.memory_space<vmem>>, vector<1x32xbf16>,
        %get3A_468 = vector.shape_cast %get3A_467 : vector<1x32xbf16> to vector<32xbf16>
        %mul3A_469 = arith.constant 10 : i32
        %mul3A_470 = arith.muli %scan3A_108, %mul3A_469 : i32
        %add3A_471 = arith.constant 9 : i32
        %add3A_472 = arith.addi %mul3A_470, %add3A_471 : i32
        %get3A_473 = arith.index_cast %add3A_472 : i32 to index
        %get3A_474 = arith.constant 96 : index
        %get3A_475 = tpu.vector_load %arg6[%get3A_473, %get3A_474] {strides = array<i32>} : memref<800x128xbf16, #tpu.memory_space<vmem>>, vector<1x32xbf16>,
        %get3A_476 = vector.shape_cast %get3A_475 : vector<1x32xbf16> to vector<32xbf16>
        %add3A_477 = arith.addf %get3A_404, %get3A_412 : vector<32xbf16>
        %add3A_478 = arith.addf %get3A_420, %get3A_428 : vector<32xbf16>
        %add3A_479 = arith.addf %get3A_436, %get3A_444 : vector<32xbf16>
        %add3A_480 = arith.addf %get3A_452, %get3A_460 : vector<32xbf16>
        %add3A_481 = arith.addf %get3A_468, %get3A_476 : vector<32xbf16>
        %add3A_482 = arith.addf %add3A_477, %add3A_478 : vector<32xbf16>
        %add3A_483 = arith.addf %add3A_479, %add3A_480 : vector<32xbf16>
        %add3A_484 = arith.addf %add3A_482, %add3A_483 : vector<32xbf16>
        %add3A_485 = arith.addf %add3A_484, %add3A_481 : vector<32xbf16>
        %max3A_486 = arith.constant 0.000000e+00 : bf16
        %max3A_487 = vector.broadcast %max3A_486 : bf16 to vector<32xbf16>
        %max3A_488 = arith.maximumf %add3A_485, %max3A_487 : vector<32xbf16>
        %swap3A_489 = arith.index_cast %scan3A_108 : i32 to index
        %swap3A_490 = arith.constant 96 : index
        %swap3A_491 = tpu.vector_load %arg8[%swap3A_489, %swap3A_490] {strides = array<i32>} : memref<80x128xbf16, #tpu.memory_space<vmem>>, vector<1x32xbf16>,
        %swap3A_492 = vector.shape_cast %swap3A_491 : vector<1x32xbf16> to vector<32xbf16>
        %swap3A_493 = vector.shape_cast %max3A_488 : vector<32xbf16> to vector<1x32xbf16>
        tpu.vector_store %arg8[%swap3A_489, %swap3A_490], %swap3A_493 {strides = array<i32>} : memref<80x128xbf16, #tpu.memory_space<vmem>>, vector<1x32xbf16>,
      }
      %scan3A_103 = arith.constant 80 : i32
      %add3A_104 = arith.constant 2 : i32
      %add3A_105 = arith.addi %add3A, %add3A_104 : i32
      %mul3A_106 = arith.constant 80 : i32
      %mul3A_107 = arith.muli %add3A_105, %mul3A_106 : i32
      "tpu.region"() ({
        %run_scoped3A = tpu.sem_alloc : memref<!tpu.dma_semaphore, #tpu.memory_space<semaphore_mem>>
        %dma_start3A = arith.constant 0 : i32
        %dma_start3A_108 = tpu.memref_slice %arg4[%mul3A_107, %dma_start3A] : memref<10240x128xbf16, #tpu.memory_space<hbm>> -> memref<80x128xbf16, #tpu.memory_space<hbm>>
        %dma_start3A_109 = arith.constant 0 : i32
        %dma_start3A_110 = tpu.memref_slice %arg4[%mul3A_107, %dma_start3A_109] : memref<10240x128xbf16, #tpu.memory_space<hbm>> -> memref<80x128xbf16, #tpu.memory_space<hbm>>
        tpu.enqueue_dma source(%arg8 : memref<80x128xbf16, #tpu.memory_space<vmem>>) target(%dma_start3A_110 : memref<80x128xbf16, #tpu.memory_space<hbm>>) target_semaphore(%run_scoped3A : memref<!tpu.dma_semaphore, #tpu.memory_space<semaphore_mem>>)
        %dma_wait3A = arith.constant 0 : i32
        %dma_wait3A_111 = tpu.memref_slice %arg4[%mul3A_107, %dma_wait3A] : memref<10240x128xbf16, #tpu.memory_space<hbm>> -> memref<80x128xbf16, #tpu.memory_space<hbm>>
        %dma_wait3A_112 = arith.constant 0 : i32
        %dma_wait3A_113 = tpu.memref_slice %arg4[%mul3A_107, %dma_wait3A_112] : memref<10240x128xbf16, #tpu.memory_space<hbm>> -> memref<80x128xbf16, #tpu.memory_space<hbm>>
        tpu.wait_dma2 semaphore(%run_scoped3A : memref<!tpu.dma_semaphore, #tpu.memory_space<semaphore_mem>>) src(%arg8 : memref<80x128xbf16, #tpu.memory_space<vmem>>) dst(%dma_wait3A_113 : memref<80x128xbf16, #tpu.memory_space<hbm>>)
        tpu.yield
      }) : () -> ()
    } else {
    }
    %gt3A_59 = arith.constant 3 : i32
    %gt3A_60 = arith.cmpi sgt, %select_n3A_7, %gt3A_59 : i32
    %convert_element_type3A_61 = arith.extui %gt3A_60 : i1 to i32
    %cond3A_62 = arith.constant 0 : i32
    %cond3A_63 = arith.cmpi ne, %convert_element_type3A_61, %cond3A_62 : i32
    scf.if %cond3A_63 {
      %dma_wait3A = arith.constant 2400 : i32
      %dma_wait3A_99 = tpu.memref_slice %arg5[%dma_wait3A] : memref<4800xi32, #tpu.memory_space<vmem>> -> memref<800xi32, #tpu.memory_space<vmem>>
      %dma_wait3A_100 = arith.constant 0 : i32
      %dma_wait3A_101 = arith.constant 0 : i32
      %dma_wait3A_102 = tpu.memref_slice %arg2[%dma_wait3A_100, %dma_wait3A_101] : memref<50000x128xbf16, #tpu.memory_space<hbm>> -> memref<50000x128xbf16, #tpu.memory_space<hbm>>
      tpu.wait_indirect_dma semaphore(%arg10 : memref<!tpu.dma_semaphore, #tpu.memory_space<semaphore_mem>>) src(%dma_wait3A_102 : memref<50000x128xbf16, #tpu.memory_space<hbm>>) dst(%arg7 : memref<800x128xbf16, #tpu.memory_space<vmem>>)
    } else {
    }
    %gt3A_64 = arith.constant 4 : i32
    %gt3A_65 = arith.cmpi sgt, %select_n3A_7, %gt3A_64 : i32
    %convert_element_type3A_66 = arith.extui %gt3A_65 : i1 to i32
    %cond3A_67 = arith.constant 0 : i32
    %cond3A_68 = arith.cmpi ne, %convert_element_type3A_66, %cond3A_67 : i32
    scf.if %cond3A_68 {
      %dma_start3A = arith.constant 3200 : i32
      %dma_start3A_99 = tpu.memref_slice %arg5[%dma_start3A] : memref<4800xi32, #tpu.memory_space<vmem>> -> memref<800xi32, #tpu.memory_space<vmem>>
      %dma_start3A_100 = arith.constant 0 : i32
      %dma_start3A_101 = arith.constant 0 : i32
      %dma_start3A_102 = tpu.memref_slice %arg2[%dma_start3A_100, %dma_start3A_101] : memref<50000x128xbf16, #tpu.memory_space<hbm>> -> memref<50000x128xbf16, #tpu.memory_space<hbm>>
      tpu.enqueue_indirect_dma source(%dma_start3A_102 : memref<50000x128xbf16, #tpu.memory_space<hbm>>) target(%arg6 : memref<800x128xbf16, #tpu.memory_space<vmem>>) offsets(%dma_start3A_99 : memref<800xi32, #tpu.memory_space<vmem>>) semaphore(%arg9 : memref<!tpu.dma_semaphore, #tpu.memory_space<semaphore_mem>>)
    } else {
    }
    %gt3A_69 = arith.constant 3 : i32
    %gt3A_70 = arith.cmpi sgt, %select_n3A_7, %gt3A_69 : i32
    %convert_element_type3A_71 = arith.extui %gt3A_70 : i1 to i32
    %cond3A_72 = arith.constant 0 : i32
    %cond3A_73 = arith.cmpi ne, %convert_element_type3A_71, %cond3A_72 : i32
    scf.if %cond3A_73 {
      %scan3A = arith.constant 0 : i32
      %scan3A_99 = arith.constant 0 : i32
      %scan3A_100 = arith.constant 80 : i32
      %scan3A_101 = arith.addi %scan3A_99, %scan3A_100 : i32
      %scan3A_102 = arith.constant 1 : i32
      scf.for %scan3A_108 = %scan3A_99 to %scan3A_101 step %scan3A_102  : i32 {
        %mul3A_109 = arith.constant 10 : i32
        %mul3A_110 = arith.muli %scan3A_108, %mul3A_109 : i32
        %add3A_111 = arith.constant 0 : i32
        %add3A_112 = arith.addi %mul3A_110, %add3A_111 : i32
        %get3A = arith.index_cast %add3A_112 : i32 to index
        %get3A_113 = arith.constant 0 : index
        %get3A_114 = tpu.vector_load %arg7[%get3A, %get3A_113] {strides = array<i32>} : memref<800x128xbf16, #tpu.memory_space<vmem>>, vector<1x32xbf16>,
        %get3A_115 = vector.shape_cast %get3A_114 : vector<1x32xbf16> to vector<32xbf16>
        %mul3A_116 = arith.constant 10 : i32
        %mul3A_117 = arith.muli %scan3A_108, %mul3A_116 : i32
        %add3A_118 = arith.constant 1 : i32
        %add3A_119 = arith.addi %mul3A_117, %add3A_118 : i32
        %get3A_120 = arith.index_cast %add3A_119 : i32 to index
        %get3A_121 = arith.constant 0 : index
        %get3A_122 = tpu.vector_load %arg7[%get3A_120, %get3A_121] {strides = array<i32>} : memref<800x128xbf16, #tpu.memory_space<vmem>>, vector<1x32xbf16>,
        %get3A_123 = vector.shape_cast %get3A_122 : vector<1x32xbf16> to vector<32xbf16>
        %mul3A_124 = arith.constant 10 : i32
        %mul3A_125 = arith.muli %scan3A_108, %mul3A_124 : i32
        %add3A_126 = arith.constant 2 : i32
        %add3A_127 = arith.addi %mul3A_125, %add3A_126 : i32
        %get3A_128 = arith.index_cast %add3A_127 : i32 to index
        %get3A_129 = arith.constant 0 : index
        %get3A_130 = tpu.vector_load %arg7[%get3A_128, %get3A_129] {strides = array<i32>} : memref<800x128xbf16, #tpu.memory_space<vmem>>, vector<1x32xbf16>,
        %get3A_131 = vector.shape_cast %get3A_130 : vector<1x32xbf16> to vector<32xbf16>
        %mul3A_132 = arith.constant 10 : i32
        %mul3A_133 = arith.muli %scan3A_108, %mul3A_132 : i32
        %add3A_134 = arith.constant 3 : i32
        %add3A_135 = arith.addi %mul3A_133, %add3A_134 : i32
        %get3A_136 = arith.index_cast %add3A_135 : i32 to index
        %get3A_137 = arith.constant 0 : index
        %get3A_138 = tpu.vector_load %arg7[%get3A_136, %get3A_137] {strides = array<i32>} : memref<800x128xbf16, #tpu.memory_space<vmem>>, vector<1x32xbf16>,
        %get3A_139 = vector.shape_cast %get3A_138 : vector<1x32xbf16> to vector<32xbf16>
        %mul3A_140 = arith.constant 10 : i32
        %mul3A_141 = arith.muli %scan3A_108, %mul3A_140 : i32
        %add3A_142 = arith.constant 4 : i32
        %add3A_143 = arith.addi %mul3A_141, %add3A_142 : i32
        %get3A_144 = arith.index_cast %add3A_143 : i32 to index
        %get3A_145 = arith.constant 0 : index
        %get3A_146 = tpu.vector_load %arg7[%get3A_144, %get3A_145] {strides = array<i32>} : memref<800x128xbf16, #tpu.memory_space<vmem>>, vector<1x32xbf16>,
        %get3A_147 = vector.shape_cast %get3A_146 : vector<1x32xbf16> to vector<32xbf16>
        %mul3A_148 = arith.constant 10 : i32
        %mul3A_149 = arith.muli %scan3A_108, %mul3A_148 : i32
        %add3A_150 = arith.constant 5 : i32
        %add3A_151 = arith.addi %mul3A_149, %add3A_150 : i32
        %get3A_152 = arith.index_cast %add3A_151 : i32 to index
        %get3A_153 = arith.constant 0 : index
        %get3A_154 = tpu.vector_load %arg7[%get3A_152, %get3A_153] {strides = array<i32>} : memref<800x128xbf16, #tpu.memory_space<vmem>>, vector<1x32xbf16>,
        %get3A_155 = vector.shape_cast %get3A_154 : vector<1x32xbf16> to vector<32xbf16>
        %mul3A_156 = arith.constant 10 : i32
        %mul3A_157 = arith.muli %scan3A_108, %mul3A_156 : i32
        %add3A_158 = arith.constant 6 : i32
        %add3A_159 = arith.addi %mul3A_157, %add3A_158 : i32
        %get3A_160 = arith.index_cast %add3A_159 : i32 to index
        %get3A_161 = arith.constant 0 : index
        %get3A_162 = tpu.vector_load %arg7[%get3A_160, %get3A_161] {strides = array<i32>} : memref<800x128xbf16, #tpu.memory_space<vmem>>, vector<1x32xbf16>,
        %get3A_163 = vector.shape_cast %get3A_162 : vector<1x32xbf16> to vector<32xbf16>
        %mul3A_164 = arith.constant 10 : i32
        %mul3A_165 = arith.muli %scan3A_108, %mul3A_164 : i32
        %add3A_166 = arith.constant 7 : i32
        %add3A_167 = arith.addi %mul3A_165, %add3A_166 : i32
        %get3A_168 = arith.index_cast %add3A_167 : i32 to index
        %get3A_169 = arith.constant 0 : index
        %get3A_170 = tpu.vector_load %arg7[%get3A_168, %get3A_169] {strides = array<i32>} : memref<800x128xbf16, #tpu.memory_space<vmem>>, vector<1x32xbf16>,
        %get3A_171 = vector.shape_cast %get3A_170 : vector<1x32xbf16> to vector<32xbf16>
        %mul3A_172 = arith.constant 10 : i32
        %mul3A_173 = arith.muli %scan3A_108, %mul3A_172 : i32
        %add3A_174 = arith.constant 8 : i32
        %add3A_175 = arith.addi %mul3A_173, %add3A_174 : i32
        %get3A_176 = arith.index_cast %add3A_175 : i32 to index
        %get3A_177 = arith.constant 0 : index
        %get3A_178 = tpu.vector_load %arg7[%get3A_176, %get3A_177] {strides = array<i32>} : memref<800x128xbf16, #tpu.memory_space<vmem>>, vector<1x32xbf16>,
        %get3A_179 = vector.shape_cast %get3A_178 : vector<1x32xbf16> to vector<32xbf16>
        %mul3A_180 = arith.constant 10 : i32
        %mul3A_181 = arith.muli %scan3A_108, %mul3A_180 : i32
        %add3A_182 = arith.constant 9 : i32
        %add3A_183 = arith.addi %mul3A_181, %add3A_182 : i32
        %get3A_184 = arith.index_cast %add3A_183 : i32 to index
        %get3A_185 = arith.constant 0 : index
        %get3A_186 = tpu.vector_load %arg7[%get3A_184, %get3A_185] {strides = array<i32>} : memref<800x128xbf16, #tpu.memory_space<vmem>>, vector<1x32xbf16>,
        %get3A_187 = vector.shape_cast %get3A_186 : vector<1x32xbf16> to vector<32xbf16>
        %add3A_188 = arith.addf %get3A_115, %get3A_123 : vector<32xbf16>
        %add3A_189 = arith.addf %get3A_131, %get3A_139 : vector<32xbf16>
        %add3A_190 = arith.addf %get3A_147, %get3A_155 : vector<32xbf16>
        %add3A_191 = arith.addf %get3A_163, %get3A_171 : vector<32xbf16>
        %add3A_192 = arith.addf %get3A_179, %get3A_187 : vector<32xbf16>
        %add3A_193 = arith.addf %add3A_188, %add3A_189 : vector<32xbf16>
        %add3A_194 = arith.addf %add3A_190, %add3A_191 : vector<32xbf16>
        %add3A_195 = arith.addf %add3A_193, %add3A_194 : vector<32xbf16>
        %add3A_196 = arith.addf %add3A_195, %add3A_192 : vector<32xbf16>
        %max3A = arith.constant 0.000000e+00 : bf16
        %max3A_197 = vector.broadcast %max3A : bf16 to vector<32xbf16>
        %max3A_198 = arith.maximumf %add3A_196, %max3A_197 : vector<32xbf16>
        %swap3A = arith.index_cast %scan3A_108 : i32 to index
        %swap3A_199 = arith.constant 0 : index
        %swap3A_200 = tpu.vector_load %arg8[%swap3A, %swap3A_199] {strides = array<i32>} : memref<80x128xbf16, #tpu.memory_space<vmem>>, vector<1x32xbf16>,
        %swap3A_201 = vector.shape_cast %swap3A_200 : vector<1x32xbf16> to vector<32xbf16>
        %swap3A_202 = vector.shape_cast %max3A_198 : vector<32xbf16> to vector<1x32xbf16>
        tpu.vector_store %arg8[%swap3A, %swap3A_199], %swap3A_202 {strides = array<i32>} : memref<80x128xbf16, #tpu.memory_space<vmem>>, vector<1x32xbf16>,
        %mul3A_203 = arith.constant 10 : i32
        %mul3A_204 = arith.muli %scan3A_108, %mul3A_203 : i32
        %add3A_205 = arith.constant 0 : i32
        %add3A_206 = arith.addi %mul3A_204, %add3A_205 : i32
        %get3A_207 = arith.index_cast %add3A_206 : i32 to index
        %get3A_208 = arith.constant 32 : index
        %get3A_209 = tpu.vector_load %arg7[%get3A_207, %get3A_208] {strides = array<i32>} : memref<800x128xbf16, #tpu.memory_space<vmem>>, vector<1x32xbf16>,
        %get3A_210 = vector.shape_cast %get3A_209 : vector<1x32xbf16> to vector<32xbf16>
        %mul3A_211 = arith.constant 10 : i32
        %mul3A_212 = arith.muli %scan3A_108, %mul3A_211 : i32
        %add3A_213 = arith.constant 1 : i32
        %add3A_214 = arith.addi %mul3A_212, %add3A_213 : i32
        %get3A_215 = arith.index_cast %add3A_214 : i32 to index
        %get3A_216 = arith.constant 32 : index
        %get3A_217 = tpu.vector_load %arg7[%get3A_215, %get3A_216] {strides = array<i32>} : memref<800x128xbf16, #tpu.memory_space<vmem>>, vector<1x32xbf16>,
        %get3A_218 = vector.shape_cast %get3A_217 : vector<1x32xbf16> to vector<32xbf16>
        %mul3A_219 = arith.constant 10 : i32
        %mul3A_220 = arith.muli %scan3A_108, %mul3A_219 : i32
        %add3A_221 = arith.constant 2 : i32
        %add3A_222 = arith.addi %mul3A_220, %add3A_221 : i32
        %get3A_223 = arith.index_cast %add3A_222 : i32 to index
        %get3A_224 = arith.constant 32 : index
        %get3A_225 = tpu.vector_load %arg7[%get3A_223, %get3A_224] {strides = array<i32>} : memref<800x128xbf16, #tpu.memory_space<vmem>>, vector<1x32xbf16>,
        %get3A_226 = vector.shape_cast %get3A_225 : vector<1x32xbf16> to vector<32xbf16>
        %mul3A_227 = arith.constant 10 : i32
        %mul3A_228 = arith.muli %scan3A_108, %mul3A_227 : i32
        %add3A_229 = arith.constant 3 : i32
        %add3A_230 = arith.addi %mul3A_228, %add3A_229 : i32
        %get3A_231 = arith.index_cast %add3A_230 : i32 to index
        %get3A_232 = arith.constant 32 : index
        %get3A_233 = tpu.vector_load %arg7[%get3A_231, %get3A_232] {strides = array<i32>} : memref<800x128xbf16, #tpu.memory_space<vmem>>, vector<1x32xbf16>,
        %get3A_234 = vector.shape_cast %get3A_233 : vector<1x32xbf16> to vector<32xbf16>
        %mul3A_235 = arith.constant 10 : i32
        %mul3A_236 = arith.muli %scan3A_108, %mul3A_235 : i32
        %add3A_237 = arith.constant 4 : i32
        %add3A_238 = arith.addi %mul3A_236, %add3A_237 : i32
        %get3A_239 = arith.index_cast %add3A_238 : i32 to index
        %get3A_240 = arith.constant 32 : index
        %get3A_241 = tpu.vector_load %arg7[%get3A_239, %get3A_240] {strides = array<i32>} : memref<800x128xbf16, #tpu.memory_space<vmem>>, vector<1x32xbf16>,
        %get3A_242 = vector.shape_cast %get3A_241 : vector<1x32xbf16> to vector<32xbf16>
        %mul3A_243 = arith.constant 10 : i32
        %mul3A_244 = arith.muli %scan3A_108, %mul3A_243 : i32
        %add3A_245 = arith.constant 5 : i32
        %add3A_246 = arith.addi %mul3A_244, %add3A_245 : i32
        %get3A_247 = arith.index_cast %add3A_246 : i32 to index
        %get3A_248 = arith.constant 32 : index
        %get3A_249 = tpu.vector_load %arg7[%get3A_247, %get3A_248] {strides = array<i32>} : memref<800x128xbf16, #tpu.memory_space<vmem>>, vector<1x32xbf16>,
        %get3A_250 = vector.shape_cast %get3A_249 : vector<1x32xbf16> to vector<32xbf16>
        %mul3A_251 = arith.constant 10 : i32
        %mul3A_252 = arith.muli %scan3A_108, %mul3A_251 : i32
        %add3A_253 = arith.constant 6 : i32
        %add3A_254 = arith.addi %mul3A_252, %add3A_253 : i32
        %get3A_255 = arith.index_cast %add3A_254 : i32 to index
        %get3A_256 = arith.constant 32 : index
        %get3A_257 = tpu.vector_load %arg7[%get3A_255, %get3A_256] {strides = array<i32>} : memref<800x128xbf16, #tpu.memory_space<vmem>>, vector<1x32xbf16>,
        %get3A_258 = vector.shape_cast %get3A_257 : vector<1x32xbf16> to vector<32xbf16>
        %mul3A_259 = arith.constant 10 : i32
        %mul3A_260 = arith.muli %scan3A_108, %mul3A_259 : i32
        %add3A_261 = arith.constant 7 : i32
        %add3A_262 = arith.addi %mul3A_260, %add3A_261 : i32
        %get3A_263 = arith.index_cast %add3A_262 : i32 to index
        %get3A_264 = arith.constant 32 : index
        %get3A_265 = tpu.vector_load %arg7[%get3A_263, %get3A_264] {strides = array<i32>} : memref<800x128xbf16, #tpu.memory_space<vmem>>, vector<1x32xbf16>,
        %get3A_266 = vector.shape_cast %get3A_265 : vector<1x32xbf16> to vector<32xbf16>
        %mul3A_267 = arith.constant 10 : i32
        %mul3A_268 = arith.muli %scan3A_108, %mul3A_267 : i32
        %add3A_269 = arith.constant 8 : i32
        %add3A_270 = arith.addi %mul3A_268, %add3A_269 : i32
        %get3A_271 = arith.index_cast %add3A_270 : i32 to index
        %get3A_272 = arith.constant 32 : index
        %get3A_273 = tpu.vector_load %arg7[%get3A_271, %get3A_272] {strides = array<i32>} : memref<800x128xbf16, #tpu.memory_space<vmem>>, vector<1x32xbf16>,
        %get3A_274 = vector.shape_cast %get3A_273 : vector<1x32xbf16> to vector<32xbf16>
        %mul3A_275 = arith.constant 10 : i32
        %mul3A_276 = arith.muli %scan3A_108, %mul3A_275 : i32
        %add3A_277 = arith.constant 9 : i32
        %add3A_278 = arith.addi %mul3A_276, %add3A_277 : i32
        %get3A_279 = arith.index_cast %add3A_278 : i32 to index
        %get3A_280 = arith.constant 32 : index
        %get3A_281 = tpu.vector_load %arg7[%get3A_279, %get3A_280] {strides = array<i32>} : memref<800x128xbf16, #tpu.memory_space<vmem>>, vector<1x32xbf16>,
        %get3A_282 = vector.shape_cast %get3A_281 : vector<1x32xbf16> to vector<32xbf16>
        %add3A_283 = arith.addf %get3A_210, %get3A_218 : vector<32xbf16>
        %add3A_284 = arith.addf %get3A_226, %get3A_234 : vector<32xbf16>
        %add3A_285 = arith.addf %get3A_242, %get3A_250 : vector<32xbf16>
        %add3A_286 = arith.addf %get3A_258, %get3A_266 : vector<32xbf16>
        %add3A_287 = arith.addf %get3A_274, %get3A_282 : vector<32xbf16>
        %add3A_288 = arith.addf %add3A_283, %add3A_284 : vector<32xbf16>
        %add3A_289 = arith.addf %add3A_285, %add3A_286 : vector<32xbf16>
        %add3A_290 = arith.addf %add3A_288, %add3A_289 : vector<32xbf16>
        %add3A_291 = arith.addf %add3A_290, %add3A_287 : vector<32xbf16>
        %max3A_292 = arith.constant 0.000000e+00 : bf16
        %max3A_293 = vector.broadcast %max3A_292 : bf16 to vector<32xbf16>
        %max3A_294 = arith.maximumf %add3A_291, %max3A_293 : vector<32xbf16>
        %swap3A_295 = arith.index_cast %scan3A_108 : i32 to index
        %swap3A_296 = arith.constant 32 : index
        %swap3A_297 = tpu.vector_load %arg8[%swap3A_295, %swap3A_296] {strides = array<i32>} : memref<80x128xbf16, #tpu.memory_space<vmem>>, vector<1x32xbf16>,
        %swap3A_298 = vector.shape_cast %swap3A_297 : vector<1x32xbf16> to vector<32xbf16>
        %swap3A_299 = vector.shape_cast %max3A_294 : vector<32xbf16> to vector<1x32xbf16>
        tpu.vector_store %arg8[%swap3A_295, %swap3A_296], %swap3A_299 {strides = array<i32>} : memref<80x128xbf16, #tpu.memory_space<vmem>>, vector<1x32xbf16>,
        %mul3A_300 = arith.constant 10 : i32
        %mul3A_301 = arith.muli %scan3A_108, %mul3A_300 : i32
        %add3A_302 = arith.constant 0 : i32
        %add3A_303 = arith.addi %mul3A_301, %add3A_302 : i32
        %get3A_304 = arith.index_cast %add3A_303 : i32 to index
        %get3A_305 = arith.constant 64 : index
        %get3A_306 = tpu.vector_load %arg7[%get3A_304, %get3A_305] {strides = array<i32>} : memref<800x128xbf16, #tpu.memory_space<vmem>>, vector<1x32xbf16>,
        %get3A_307 = vector.shape_cast %get3A_306 : vector<1x32xbf16> to vector<32xbf16>
        %mul3A_308 = arith.constant 10 : i32
        %mul3A_309 = arith.muli %scan3A_108, %mul3A_308 : i32
        %add3A_310 = arith.constant 1 : i32
        %add3A_311 = arith.addi %mul3A_309, %add3A_310 : i32
        %get3A_312 = arith.index_cast %add3A_311 : i32 to index
        %get3A_313 = arith.constant 64 : index
        %get3A_314 = tpu.vector_load %arg7[%get3A_312, %get3A_313] {strides = array<i32>} : memref<800x128xbf16, #tpu.memory_space<vmem>>, vector<1x32xbf16>,
        %get3A_315 = vector.shape_cast %get3A_314 : vector<1x32xbf16> to vector<32xbf16>
        %mul3A_316 = arith.constant 10 : i32
        %mul3A_317 = arith.muli %scan3A_108, %mul3A_316 : i32
        %add3A_318 = arith.constant 2 : i32
        %add3A_319 = arith.addi %mul3A_317, %add3A_318 : i32
        %get3A_320 = arith.index_cast %add3A_319 : i32 to index
        %get3A_321 = arith.constant 64 : index
        %get3A_322 = tpu.vector_load %arg7[%get3A_320, %get3A_321] {strides = array<i32>} : memref<800x128xbf16, #tpu.memory_space<vmem>>, vector<1x32xbf16>,
        %get3A_323 = vector.shape_cast %get3A_322 : vector<1x32xbf16> to vector<32xbf16>
        %mul3A_324 = arith.constant 10 : i32
        %mul3A_325 = arith.muli %scan3A_108, %mul3A_324 : i32
        %add3A_326 = arith.constant 3 : i32
        %add3A_327 = arith.addi %mul3A_325, %add3A_326 : i32
        %get3A_328 = arith.index_cast %add3A_327 : i32 to index
        %get3A_329 = arith.constant 64 : index
        %get3A_330 = tpu.vector_load %arg7[%get3A_328, %get3A_329] {strides = array<i32>} : memref<800x128xbf16, #tpu.memory_space<vmem>>, vector<1x32xbf16>,
        %get3A_331 = vector.shape_cast %get3A_330 : vector<1x32xbf16> to vector<32xbf16>
        %mul3A_332 = arith.constant 10 : i32
        %mul3A_333 = arith.muli %scan3A_108, %mul3A_332 : i32
        %add3A_334 = arith.constant 4 : i32
        %add3A_335 = arith.addi %mul3A_333, %add3A_334 : i32
        %get3A_336 = arith.index_cast %add3A_335 : i32 to index
        %get3A_337 = arith.constant 64 : index
        %get3A_338 = tpu.vector_load %arg7[%get3A_336, %get3A_337] {strides = array<i32>} : memref<800x128xbf16, #tpu.memory_space<vmem>>, vector<1x32xbf16>,
        %get3A_339 = vector.shape_cast %get3A_338 : vector<1x32xbf16> to vector<32xbf16>
        %mul3A_340 = arith.constant 10 : i32
        %mul3A_341 = arith.muli %scan3A_108, %mul3A_340 : i32
        %add3A_342 = arith.constant 5 : i32
        %add3A_343 = arith.addi %mul3A_341, %add3A_342 : i32
        %get3A_344 = arith.index_cast %add3A_343 : i32 to index
        %get3A_345 = arith.constant 64 : index
        %get3A_346 = tpu.vector_load %arg7[%get3A_344, %get3A_345] {strides = array<i32>} : memref<800x128xbf16, #tpu.memory_space<vmem>>, vector<1x32xbf16>,
        %get3A_347 = vector.shape_cast %get3A_346 : vector<1x32xbf16> to vector<32xbf16>
        %mul3A_348 = arith.constant 10 : i32
        %mul3A_349 = arith.muli %scan3A_108, %mul3A_348 : i32
        %add3A_350 = arith.constant 6 : i32
        %add3A_351 = arith.addi %mul3A_349, %add3A_350 : i32
        %get3A_352 = arith.index_cast %add3A_351 : i32 to index
        %get3A_353 = arith.constant 64 : index
        %get3A_354 = tpu.vector_load %arg7[%get3A_352, %get3A_353] {strides = array<i32>} : memref<800x128xbf16, #tpu.memory_space<vmem>>, vector<1x32xbf16>,
        %get3A_355 = vector.shape_cast %get3A_354 : vector<1x32xbf16> to vector<32xbf16>
        %mul3A_356 = arith.constant 10 : i32
        %mul3A_357 = arith.muli %scan3A_108, %mul3A_356 : i32
        %add3A_358 = arith.constant 7 : i32
        %add3A_359 = arith.addi %mul3A_357, %add3A_358 : i32
        %get3A_360 = arith.index_cast %add3A_359 : i32 to index
        %get3A_361 = arith.constant 64 : index
        %get3A_362 = tpu.vector_load %arg7[%get3A_360, %get3A_361] {strides = array<i32>} : memref<800x128xbf16, #tpu.memory_space<vmem>>, vector<1x32xbf16>,
        %get3A_363 = vector.shape_cast %get3A_362 : vector<1x32xbf16> to vector<32xbf16>
        %mul3A_364 = arith.constant 10 : i32
        %mul3A_365 = arith.muli %scan3A_108, %mul3A_364 : i32
        %add3A_366 = arith.constant 8 : i32
        %add3A_367 = arith.addi %mul3A_365, %add3A_366 : i32
        %get3A_368 = arith.index_cast %add3A_367 : i32 to index
        %get3A_369 = arith.constant 64 : index
        %get3A_370 = tpu.vector_load %arg7[%get3A_368, %get3A_369] {strides = array<i32>} : memref<800x128xbf16, #tpu.memory_space<vmem>>, vector<1x32xbf16>,
        %get3A_371 = vector.shape_cast %get3A_370 : vector<1x32xbf16> to vector<32xbf16>
        %mul3A_372 = arith.constant 10 : i32
        %mul3A_373 = arith.muli %scan3A_108, %mul3A_372 : i32
        %add3A_374 = arith.constant 9 : i32
        %add3A_375 = arith.addi %mul3A_373, %add3A_374 : i32
        %get3A_376 = arith.index_cast %add3A_375 : i32 to index
        %get3A_377 = arith.constant 64 : index
        %get3A_378 = tpu.vector_load %arg7[%get3A_376, %get3A_377] {strides = array<i32>} : memref<800x128xbf16, #tpu.memory_space<vmem>>, vector<1x32xbf16>,
        %get3A_379 = vector.shape_cast %get3A_378 : vector<1x32xbf16> to vector<32xbf16>
        %add3A_380 = arith.addf %get3A_307, %get3A_315 : vector<32xbf16>
        %add3A_381 = arith.addf %get3A_323, %get3A_331 : vector<32xbf16>
        %add3A_382 = arith.addf %get3A_339, %get3A_347 : vector<32xbf16>
        %add3A_383 = arith.addf %get3A_355, %get3A_363 : vector<32xbf16>
        %add3A_384 = arith.addf %get3A_371, %get3A_379 : vector<32xbf16>
        %add3A_385 = arith.addf %add3A_380, %add3A_381 : vector<32xbf16>
        %add3A_386 = arith.addf %add3A_382, %add3A_383 : vector<32xbf16>
        %add3A_387 = arith.addf %add3A_385, %add3A_386 : vector<32xbf16>
        %add3A_388 = arith.addf %add3A_387, %add3A_384 : vector<32xbf16>
        %max3A_389 = arith.constant 0.000000e+00 : bf16
        %max3A_390 = vector.broadcast %max3A_389 : bf16 to vector<32xbf16>
        %max3A_391 = arith.maximumf %add3A_388, %max3A_390 : vector<32xbf16>
        %swap3A_392 = arith.index_cast %scan3A_108 : i32 to index
        %swap3A_393 = arith.constant 64 : index
        %swap3A_394 = tpu.vector_load %arg8[%swap3A_392, %swap3A_393] {strides = array<i32>} : memref<80x128xbf16, #tpu.memory_space<vmem>>, vector<1x32xbf16>,
        %swap3A_395 = vector.shape_cast %swap3A_394 : vector<1x32xbf16> to vector<32xbf16>
        %swap3A_396 = vector.shape_cast %max3A_391 : vector<32xbf16> to vector<1x32xbf16>
        tpu.vector_store %arg8[%swap3A_392, %swap3A_393], %swap3A_396 {strides = array<i32>} : memref<80x128xbf16, #tpu.memory_space<vmem>>, vector<1x32xbf16>,
        %mul3A_397 = arith.constant 10 : i32
        %mul3A_398 = arith.muli %scan3A_108, %mul3A_397 : i32
        %add3A_399 = arith.constant 0 : i32
        %add3A_400 = arith.addi %mul3A_398, %add3A_399 : i32
        %get3A_401 = arith.index_cast %add3A_400 : i32 to index
        %get3A_402 = arith.constant 96 : index
        %get3A_403 = tpu.vector_load %arg7[%get3A_401, %get3A_402] {strides = array<i32>} : memref<800x128xbf16, #tpu.memory_space<vmem>>, vector<1x32xbf16>,
        %get3A_404 = vector.shape_cast %get3A_403 : vector<1x32xbf16> to vector<32xbf16>
        %mul3A_405 = arith.constant 10 : i32
        %mul3A_406 = arith.muli %scan3A_108, %mul3A_405 : i32
        %add3A_407 = arith.constant 1 : i32
        %add3A_408 = arith.addi %mul3A_406, %add3A_407 : i32
        %get3A_409 = arith.index_cast %add3A_408 : i32 to index
        %get3A_410 = arith.constant 96 : index
        %get3A_411 = tpu.vector_load %arg7[%get3A_409, %get3A_410] {strides = array<i32>} : memref<800x128xbf16, #tpu.memory_space<vmem>>, vector<1x32xbf16>,
        %get3A_412 = vector.shape_cast %get3A_411 : vector<1x32xbf16> to vector<32xbf16>
        %mul3A_413 = arith.constant 10 : i32
        %mul3A_414 = arith.muli %scan3A_108, %mul3A_413 : i32
        %add3A_415 = arith.constant 2 : i32
        %add3A_416 = arith.addi %mul3A_414, %add3A_415 : i32
        %get3A_417 = arith.index_cast %add3A_416 : i32 to index
        %get3A_418 = arith.constant 96 : index
        %get3A_419 = tpu.vector_load %arg7[%get3A_417, %get3A_418] {strides = array<i32>} : memref<800x128xbf16, #tpu.memory_space<vmem>>, vector<1x32xbf16>,
        %get3A_420 = vector.shape_cast %get3A_419 : vector<1x32xbf16> to vector<32xbf16>
        %mul3A_421 = arith.constant 10 : i32
        %mul3A_422 = arith.muli %scan3A_108, %mul3A_421 : i32
        %add3A_423 = arith.constant 3 : i32
        %add3A_424 = arith.addi %mul3A_422, %add3A_423 : i32
        %get3A_425 = arith.index_cast %add3A_424 : i32 to index
        %get3A_426 = arith.constant 96 : index
        %get3A_427 = tpu.vector_load %arg7[%get3A_425, %get3A_426] {strides = array<i32>} : memref<800x128xbf16, #tpu.memory_space<vmem>>, vector<1x32xbf16>,
        %get3A_428 = vector.shape_cast %get3A_427 : vector<1x32xbf16> to vector<32xbf16>
        %mul3A_429 = arith.constant 10 : i32
        %mul3A_430 = arith.muli %scan3A_108, %mul3A_429 : i32
        %add3A_431 = arith.constant 4 : i32
        %add3A_432 = arith.addi %mul3A_430, %add3A_431 : i32
        %get3A_433 = arith.index_cast %add3A_432 : i32 to index
        %get3A_434 = arith.constant 96 : index
        %get3A_435 = tpu.vector_load %arg7[%get3A_433, %get3A_434] {strides = array<i32>} : memref<800x128xbf16, #tpu.memory_space<vmem>>, vector<1x32xbf16>,
        %get3A_436 = vector.shape_cast %get3A_435 : vector<1x32xbf16> to vector<32xbf16>
        %mul3A_437 = arith.constant 10 : i32
        %mul3A_438 = arith.muli %scan3A_108, %mul3A_437 : i32
        %add3A_439 = arith.constant 5 : i32
        %add3A_440 = arith.addi %mul3A_438, %add3A_439 : i32
        %get3A_441 = arith.index_cast %add3A_440 : i32 to index
        %get3A_442 = arith.constant 96 : index
        %get3A_443 = tpu.vector_load %arg7[%get3A_441, %get3A_442] {strides = array<i32>} : memref<800x128xbf16, #tpu.memory_space<vmem>>, vector<1x32xbf16>,
        %get3A_444 = vector.shape_cast %get3A_443 : vector<1x32xbf16> to vector<32xbf16>
        %mul3A_445 = arith.constant 10 : i32
        %mul3A_446 = arith.muli %scan3A_108, %mul3A_445 : i32
        %add3A_447 = arith.constant 6 : i32
        %add3A_448 = arith.addi %mul3A_446, %add3A_447 : i32
        %get3A_449 = arith.index_cast %add3A_448 : i32 to index
        %get3A_450 = arith.constant 96 : index
        %get3A_451 = tpu.vector_load %arg7[%get3A_449, %get3A_450] {strides = array<i32>} : memref<800x128xbf16, #tpu.memory_space<vmem>>, vector<1x32xbf16>,
        %get3A_452 = vector.shape_cast %get3A_451 : vector<1x32xbf16> to vector<32xbf16>
        %mul3A_453 = arith.constant 10 : i32
        %mul3A_454 = arith.muli %scan3A_108, %mul3A_453 : i32
        %add3A_455 = arith.constant 7 : i32
        %add3A_456 = arith.addi %mul3A_454, %add3A_455 : i32
        %get3A_457 = arith.index_cast %add3A_456 : i32 to index
        %get3A_458 = arith.constant 96 : index
        %get3A_459 = tpu.vector_load %arg7[%get3A_457, %get3A_458] {strides = array<i32>} : memref<800x128xbf16, #tpu.memory_space<vmem>>, vector<1x32xbf16>,
        %get3A_460 = vector.shape_cast %get3A_459 : vector<1x32xbf16> to vector<32xbf16>
        %mul3A_461 = arith.constant 10 : i32
        %mul3A_462 = arith.muli %scan3A_108, %mul3A_461 : i32
        %add3A_463 = arith.constant 8 : i32
        %add3A_464 = arith.addi %mul3A_462, %add3A_463 : i32
        %get3A_465 = arith.index_cast %add3A_464 : i32 to index
        %get3A_466 = arith.constant 96 : index
        %get3A_467 = tpu.vector_load %arg7[%get3A_465, %get3A_466] {strides = array<i32>} : memref<800x128xbf16, #tpu.memory_space<vmem>>, vector<1x32xbf16>,
        %get3A_468 = vector.shape_cast %get3A_467 : vector<1x32xbf16> to vector<32xbf16>
        %mul3A_469 = arith.constant 10 : i32
        %mul3A_470 = arith.muli %scan3A_108, %mul3A_469 : i32
        %add3A_471 = arith.constant 9 : i32
        %add3A_472 = arith.addi %mul3A_470, %add3A_471 : i32
        %get3A_473 = arith.index_cast %add3A_472 : i32 to index
        %get3A_474 = arith.constant 96 : index
        %get3A_475 = tpu.vector_load %arg7[%get3A_473, %get3A_474] {strides = array<i32>} : memref<800x128xbf16, #tpu.memory_space<vmem>>, vector<1x32xbf16>,
        %get3A_476 = vector.shape_cast %get3A_475 : vector<1x32xbf16> to vector<32xbf16>
        %add3A_477 = arith.addf %get3A_404, %get3A_412 : vector<32xbf16>
        %add3A_478 = arith.addf %get3A_420, %get3A_428 : vector<32xbf16>
        %add3A_479 = arith.addf %get3A_436, %get3A_444 : vector<32xbf16>
        %add3A_480 = arith.addf %get3A_452, %get3A_460 : vector<32xbf16>
        %add3A_481 = arith.addf %get3A_468, %get3A_476 : vector<32xbf16>
        %add3A_482 = arith.addf %add3A_477, %add3A_478 : vector<32xbf16>
        %add3A_483 = arith.addf %add3A_479, %add3A_480 : vector<32xbf16>
        %add3A_484 = arith.addf %add3A_482, %add3A_483 : vector<32xbf16>
        %add3A_485 = arith.addf %add3A_484, %add3A_481 : vector<32xbf16>
        %max3A_486 = arith.constant 0.000000e+00 : bf16
        %max3A_487 = vector.broadcast %max3A_486 : bf16 to vector<32xbf16>
        %max3A_488 = arith.maximumf %add3A_485, %max3A_487 : vector<32xbf16>
        %swap3A_489 = arith.index_cast %scan3A_108 : i32 to index
        %swap3A_490 = arith.constant 96 : index
        %swap3A_491 = tpu.vector_load %arg8[%swap3A_489, %swap3A_490] {strides = array<i32>} : memref<80x128xbf16, #tpu.memory_space<vmem>>, vector<1x32xbf16>,
        %swap3A_492 = vector.shape_cast %swap3A_491 : vector<1x32xbf16> to vector<32xbf16>
        %swap3A_493 = vector.shape_cast %max3A_488 : vector<32xbf16> to vector<1x32xbf16>
        tpu.vector_store %arg8[%swap3A_489, %swap3A_490], %swap3A_493 {strides = array<i32>} : memref<80x128xbf16, #tpu.memory_space<vmem>>, vector<1x32xbf16>,
      }
      %scan3A_103 = arith.constant 80 : i32
      %add3A_104 = arith.constant 3 : i32
      %add3A_105 = arith.addi %add3A, %add3A_104 : i32
      %mul3A_106 = arith.constant 80 : i32
      %mul3A_107 = arith.muli %add3A_105, %mul3A_106 : i32
      "tpu.region"() ({
        %run_scoped3A = tpu.sem_alloc : memref<!tpu.dma_semaphore, #tpu.memory_space<semaphore_mem>>
        %dma_start3A = arith.constant 0 : i32
        %dma_start3A_108 = tpu.memref_slice %arg4[%mul3A_107, %dma_start3A] : memref<10240x128xbf16, #tpu.memory_space<hbm>> -> memref<80x128xbf16, #tpu.memory_space<hbm>>
        %dma_start3A_109 = arith.constant 0 : i32
        %dma_start3A_110 = tpu.memref_slice %arg4[%mul3A_107, %dma_start3A_109] : memref<10240x128xbf16, #tpu.memory_space<hbm>> -> memref<80x128xbf16, #tpu.memory_space<hbm>>
        tpu.enqueue_dma source(%arg8 : memref<80x128xbf16, #tpu.memory_space<vmem>>) target(%dma_start3A_110 : memref<80x128xbf16, #tpu.memory_space<hbm>>) target_semaphore(%run_scoped3A : memref<!tpu.dma_semaphore, #tpu.memory_space<semaphore_mem>>)
        %dma_wait3A = arith.constant 0 : i32
        %dma_wait3A_111 = tpu.memref_slice %arg4[%mul3A_107, %dma_wait3A] : memref<10240x128xbf16, #tpu.memory_space<hbm>> -> memref<80x128xbf16, #tpu.memory_space<hbm>>
        %dma_wait3A_112 = arith.constant 0 : i32
        %dma_wait3A_113 = tpu.memref_slice %arg4[%mul3A_107, %dma_wait3A_112] : memref<10240x128xbf16, #tpu.memory_space<hbm>> -> memref<80x128xbf16, #tpu.memory_space<hbm>>
        tpu.wait_dma2 semaphore(%run_scoped3A : memref<!tpu.dma_semaphore, #tpu.memory_space<semaphore_mem>>) src(%arg8 : memref<80x128xbf16, #tpu.memory_space<vmem>>) dst(%dma_wait3A_113 : memref<80x128xbf16, #tpu.memory_space<hbm>>)
        tpu.yield
      }) : () -> ()
    } else {
    }
    %gt3A_74 = arith.constant 4 : i32
    %gt3A_75 = arith.cmpi sgt, %select_n3A_7, %gt3A_74 : i32
    %convert_element_type3A_76 = arith.extui %gt3A_75 : i1 to i32
    %cond3A_77 = arith.constant 0 : i32
    %cond3A_78 = arith.cmpi ne, %convert_element_type3A_76, %cond3A_77 : i32
    scf.if %cond3A_78 {
      %dma_wait3A = arith.constant 3200 : i32
      %dma_wait3A_99 = tpu.memref_slice %arg5[%dma_wait3A] : memref<4800xi32, #tpu.memory_space<vmem>> -> memref<800xi32, #tpu.memory_space<vmem>>
      %dma_wait3A_100 = arith.constant 0 : i32
      %dma_wait3A_101 = arith.constant 0 : i32
      %dma_wait3A_102 = tpu.memref_slice %arg2[%dma_wait3A_100, %dma_wait3A_101] : memref<50000x128xbf16, #tpu.memory_space<hbm>> -> memref<50000x128xbf16, #tpu.memory_space<hbm>>
      tpu.wait_indirect_dma semaphore(%arg9 : memref<!tpu.dma_semaphore, #tpu.memory_space<semaphore_mem>>) src(%dma_wait3A_102 : memref<50000x128xbf16, #tpu.memory_space<hbm>>) dst(%arg6 : memref<800x128xbf16, #tpu.memory_space<vmem>>)
    } else {
    }
    %gt3A_79 = arith.constant 5 : i32
    %gt3A_80 = arith.cmpi sgt, %select_n3A_7, %gt3A_79 : i32
    %convert_element_type3A_81 = arith.extui %gt3A_80 : i1 to i32
    %cond3A_82 = arith.constant 0 : i32
    %cond3A_83 = arith.cmpi ne, %convert_element_type3A_81, %cond3A_82 : i32
    scf.if %cond3A_83 {
      %dma_start3A = arith.constant 4000 : i32
      %dma_start3A_99 = tpu.memref_slice %arg5[%dma_start3A] : memref<4800xi32, #tpu.memory_space<vmem>> -> memref<800xi32, #tpu.memory_space<vmem>>
      %dma_start3A_100 = arith.constant 0 : i32
      %dma_start3A_101 = arith.constant 0 : i32
      %dma_start3A_102 = tpu.memref_slice %arg2[%dma_start3A_100, %dma_start3A_101] : memref<50000x128xbf16, #tpu.memory_space<hbm>> -> memref<50000x128xbf16, #tpu.memory_space<hbm>>
      tpu.enqueue_indirect_dma source(%dma_start3A_102 : memref<50000x128xbf16, #tpu.memory_space<hbm>>) target(%arg7 : memref<800x128xbf16, #tpu.memory_space<vmem>>) offsets(%dma_start3A_99 : memref<800xi32, #tpu.memory_space<vmem>>) semaphore(%arg10 : memref<!tpu.dma_semaphore, #tpu.memory_space<semaphore_mem>>)
    } else {
    }
    %gt3A_84 = arith.constant 4 : i32
    %gt3A_85 = arith.cmpi sgt, %select_n3A_7, %gt3A_84 : i32
    %convert_element_type3A_86 = arith.extui %gt3A_85 : i1 to i32
    %cond3A_87 = arith.constant 0 : i32
    %cond3A_88 = arith.cmpi ne, %convert_element_type3A_86, %cond3A_87 : i32
    scf.if %cond3A_88 {
      %scan3A = arith.constant 0 : i32
      %scan3A_99 = arith.constant 0 : i32
      %scan3A_100 = arith.constant 80 : i32
      %scan3A_101 = arith.addi %scan3A_99, %scan3A_100 : i32
      %scan3A_102 = arith.constant 1 : i32
      scf.for %scan3A_108 = %scan3A_99 to %scan3A_101 step %scan3A_102  : i32 {
        %mul3A_109 = arith.constant 10 : i32
        %mul3A_110 = arith.muli %scan3A_108, %mul3A_109 : i32
        %add3A_111 = arith.constant 0 : i32
        %add3A_112 = arith.addi %mul3A_110, %add3A_111 : i32
        %get3A = arith.index_cast %add3A_112 : i32 to index
        %get3A_113 = arith.constant 0 : index
        %get3A_114 = tpu.vector_load %arg6[%get3A, %get3A_113] {strides = array<i32>} : memref<800x128xbf16, #tpu.memory_space<vmem>>, vector<1x32xbf16>,
        %get3A_115 = vector.shape_cast %get3A_114 : vector<1x32xbf16> to vector<32xbf16>
        %mul3A_116 = arith.constant 10 : i32
        %mul3A_117 = arith.muli %scan3A_108, %mul3A_116 : i32
        %add3A_118 = arith.constant 1 : i32
        %add3A_119 = arith.addi %mul3A_117, %add3A_118 : i32
        %get3A_120 = arith.index_cast %add3A_119 : i32 to index
        %get3A_121 = arith.constant 0 : index
        %get3A_122 = tpu.vector_load %arg6[%get3A_120, %get3A_121] {strides = array<i32>} : memref<800x128xbf16, #tpu.memory_space<vmem>>, vector<1x32xbf16>,
        %get3A_123 = vector.shape_cast %get3A_122 : vector<1x32xbf16> to vector<32xbf16>
        %mul3A_124 = arith.constant 10 : i32
        %mul3A_125 = arith.muli %scan3A_108, %mul3A_124 : i32
        %add3A_126 = arith.constant 2 : i32
        %add3A_127 = arith.addi %mul3A_125, %add3A_126 : i32
        %get3A_128 = arith.index_cast %add3A_127 : i32 to index
        %get3A_129 = arith.constant 0 : index
        %get3A_130 = tpu.vector_load %arg6[%get3A_128, %get3A_129] {strides = array<i32>} : memref<800x128xbf16, #tpu.memory_space<vmem>>, vector<1x32xbf16>,
        %get3A_131 = vector.shape_cast %get3A_130 : vector<1x32xbf16> to vector<32xbf16>
        %mul3A_132 = arith.constant 10 : i32
        %mul3A_133 = arith.muli %scan3A_108, %mul3A_132 : i32
        %add3A_134 = arith.constant 3 : i32
        %add3A_135 = arith.addi %mul3A_133, %add3A_134 : i32
        %get3A_136 = arith.index_cast %add3A_135 : i32 to index
        %get3A_137 = arith.constant 0 : index
        %get3A_138 = tpu.vector_load %arg6[%get3A_136, %get3A_137] {strides = array<i32>} : memref<800x128xbf16, #tpu.memory_space<vmem>>, vector<1x32xbf16>,
        %get3A_139 = vector.shape_cast %get3A_138 : vector<1x32xbf16> to vector<32xbf16>
        %mul3A_140 = arith.constant 10 : i32
        %mul3A_141 = arith.muli %scan3A_108, %mul3A_140 : i32
        %add3A_142 = arith.constant 4 : i32
        %add3A_143 = arith.addi %mul3A_141, %add3A_142 : i32
        %get3A_144 = arith.index_cast %add3A_143 : i32 to index
        %get3A_145 = arith.constant 0 : index
        %get3A_146 = tpu.vector_load %arg6[%get3A_144, %get3A_145] {strides = array<i32>} : memref<800x128xbf16, #tpu.memory_space<vmem>>, vector<1x32xbf16>,
        %get3A_147 = vector.shape_cast %get3A_146 : vector<1x32xbf16> to vector<32xbf16>
        %mul3A_148 = arith.constant 10 : i32
        %mul3A_149 = arith.muli %scan3A_108, %mul3A_148 : i32
        %add3A_150 = arith.constant 5 : i32
        %add3A_151 = arith.addi %mul3A_149, %add3A_150 : i32
        %get3A_152 = arith.index_cast %add3A_151 : i32 to index
        %get3A_153 = arith.constant 0 : index
        %get3A_154 = tpu.vector_load %arg6[%get3A_152, %get3A_153] {strides = array<i32>} : memref<800x128xbf16, #tpu.memory_space<vmem>>, vector<1x32xbf16>,
        %get3A_155 = vector.shape_cast %get3A_154 : vector<1x32xbf16> to vector<32xbf16>
        %mul3A_156 = arith.constant 10 : i32
        %mul3A_157 = arith.muli %scan3A_108, %mul3A_156 : i32
        %add3A_158 = arith.constant 6 : i32
        %add3A_159 = arith.addi %mul3A_157, %add3A_158 : i32
        %get3A_160 = arith.index_cast %add3A_159 : i32 to index
        %get3A_161 = arith.constant 0 : index
        %get3A_162 = tpu.vector_load %arg6[%get3A_160, %get3A_161] {strides = array<i32>} : memref<800x128xbf16, #tpu.memory_space<vmem>>, vector<1x32xbf16>,
        %get3A_163 = vector.shape_cast %get3A_162 : vector<1x32xbf16> to vector<32xbf16>
        %mul3A_164 = arith.constant 10 : i32
        %mul3A_165 = arith.muli %scan3A_108, %mul3A_164 : i32
        %add3A_166 = arith.constant 7 : i32
        %add3A_167 = arith.addi %mul3A_165, %add3A_166 : i32
        %get3A_168 = arith.index_cast %add3A_167 : i32 to index
        %get3A_169 = arith.constant 0 : index
        %get3A_170 = tpu.vector_load %arg6[%get3A_168, %get3A_169] {strides = array<i32>} : memref<800x128xbf16, #tpu.memory_space<vmem>>, vector<1x32xbf16>,
        %get3A_171 = vector.shape_cast %get3A_170 : vector<1x32xbf16> to vector<32xbf16>
        %mul3A_172 = arith.constant 10 : i32
        %mul3A_173 = arith.muli %scan3A_108, %mul3A_172 : i32
        %add3A_174 = arith.constant 8 : i32
        %add3A_175 = arith.addi %mul3A_173, %add3A_174 : i32
        %get3A_176 = arith.index_cast %add3A_175 : i32 to index
        %get3A_177 = arith.constant 0 : index
        %get3A_178 = tpu.vector_load %arg6[%get3A_176, %get3A_177] {strides = array<i32>} : memref<800x128xbf16, #tpu.memory_space<vmem>>, vector<1x32xbf16>,
        %get3A_179 = vector.shape_cast %get3A_178 : vector<1x32xbf16> to vector<32xbf16>
        %mul3A_180 = arith.constant 10 : i32
        %mul3A_181 = arith.muli %scan3A_108, %mul3A_180 : i32
        %add3A_182 = arith.constant 9 : i32
        %add3A_183 = arith.addi %mul3A_181, %add3A_182 : i32
        %get3A_184 = arith.index_cast %add3A_183 : i32 to index
        %get3A_185 = arith.constant 0 : index
        %get3A_186 = tpu.vector_load %arg6[%get3A_184, %get3A_185] {strides = array<i32>} : memref<800x128xbf16, #tpu.memory_space<vmem>>, vector<1x32xbf16>,
        %get3A_187 = vector.shape_cast %get3A_186 : vector<1x32xbf16> to vector<32xbf16>
        %add3A_188 = arith.addf %get3A_115, %get3A_123 : vector<32xbf16>
        %add3A_189 = arith.addf %get3A_131, %get3A_139 : vector<32xbf16>
        %add3A_190 = arith.addf %get3A_147, %get3A_155 : vector<32xbf16>
        %add3A_191 = arith.addf %get3A_163, %get3A_171 : vector<32xbf16>
        %add3A_192 = arith.addf %get3A_179, %get3A_187 : vector<32xbf16>
        %add3A_193 = arith.addf %add3A_188, %add3A_189 : vector<32xbf16>
        %add3A_194 = arith.addf %add3A_190, %add3A_191 : vector<32xbf16>
        %add3A_195 = arith.addf %add3A_193, %add3A_194 : vector<32xbf16>
        %add3A_196 = arith.addf %add3A_195, %add3A_192 : vector<32xbf16>
        %max3A = arith.constant 0.000000e+00 : bf16
        %max3A_197 = vector.broadcast %max3A : bf16 to vector<32xbf16>
        %max3A_198 = arith.maximumf %add3A_196, %max3A_197 : vector<32xbf16>
        %swap3A = arith.index_cast %scan3A_108 : i32 to index
        %swap3A_199 = arith.constant 0 : index
        %swap3A_200 = tpu.vector_load %arg8[%swap3A, %swap3A_199] {strides = array<i32>} : memref<80x128xbf16, #tpu.memory_space<vmem>>, vector<1x32xbf16>,
        %swap3A_201 = vector.shape_cast %swap3A_200 : vector<1x32xbf16> to vector<32xbf16>
        %swap3A_202 = vector.shape_cast %max3A_198 : vector<32xbf16> to vector<1x32xbf16>
        tpu.vector_store %arg8[%swap3A, %swap3A_199], %swap3A_202 {strides = array<i32>} : memref<80x128xbf16, #tpu.memory_space<vmem>>, vector<1x32xbf16>,
        %mul3A_203 = arith.constant 10 : i32
        %mul3A_204 = arith.muli %scan3A_108, %mul3A_203 : i32
        %add3A_205 = arith.constant 0 : i32
        %add3A_206 = arith.addi %mul3A_204, %add3A_205 : i32
        %get3A_207 = arith.index_cast %add3A_206 : i32 to index
        %get3A_208 = arith.constant 32 : index
        %get3A_209 = tpu.vector_load %arg6[%get3A_207, %get3A_208] {strides = array<i32>} : memref<800x128xbf16, #tpu.memory_space<vmem>>, vector<1x32xbf16>,
        %get3A_210 = vector.shape_cast %get3A_209 : vector<1x32xbf16> to vector<32xbf16>
        %mul3A_211 = arith.constant 10 : i32
        %mul3A_212 = arith.muli %scan3A_108, %mul3A_211 : i32
        %add3A_213 = arith.constant 1 : i32
        %add3A_214 = arith.addi %mul3A_212, %add3A_213 : i32
        %get3A_215 = arith.index_cast %add3A_214 : i32 to index
        %get3A_216 = arith.constant 32 : index
        %get3A_217 = tpu.vector_load %arg6[%get3A_215, %get3A_216] {strides = array<i32>} : memref<800x128xbf16, #tpu.memory_space<vmem>>, vector<1x32xbf16>,
        %get3A_218 = vector.shape_cast %get3A_217 : vector<1x32xbf16> to vector<32xbf16>
        %mul3A_219 = arith.constant 10 : i32
        %mul3A_220 = arith.muli %scan3A_108, %mul3A_219 : i32
        %add3A_221 = arith.constant 2 : i32
        %add3A_222 = arith.addi %mul3A_220, %add3A_221 : i32
        %get3A_223 = arith.index_cast %add3A_222 : i32 to index
        %get3A_224 = arith.constant 32 : index
        %get3A_225 = tpu.vector_load %arg6[%get3A_223, %get3A_224] {strides = array<i32>} : memref<800x128xbf16, #tpu.memory_space<vmem>>, vector<1x32xbf16>,
        %get3A_226 = vector.shape_cast %get3A_225 : vector<1x32xbf16> to vector<32xbf16>
        %mul3A_227 = arith.constant 10 : i32
        %mul3A_228 = arith.muli %scan3A_108, %mul3A_227 : i32
        %add3A_229 = arith.constant 3 : i32
        %add3A_230 = arith.addi %mul3A_228, %add3A_229 : i32
        %get3A_231 = arith.index_cast %add3A_230 : i32 to index
        %get3A_232 = arith.constant 32 : index
        %get3A_233 = tpu.vector_load %arg6[%get3A_231, %get3A_232] {strides = array<i32>} : memref<800x128xbf16, #tpu.memory_space<vmem>>, vector<1x32xbf16>,
        %get3A_234 = vector.shape_cast %get3A_233 : vector<1x32xbf16> to vector<32xbf16>
        %mul3A_235 = arith.constant 10 : i32
        %mul3A_236 = arith.muli %scan3A_108, %mul3A_235 : i32
        %add3A_237 = arith.constant 4 : i32
        %add3A_238 = arith.addi %mul3A_236, %add3A_237 : i32
        %get3A_239 = arith.index_cast %add3A_238 : i32 to index
        %get3A_240 = arith.constant 32 : index
        %get3A_241 = tpu.vector_load %arg6[%get3A_239, %get3A_240] {strides = array<i32>} : memref<800x128xbf16, #tpu.memory_space<vmem>>, vector<1x32xbf16>,
        %get3A_242 = vector.shape_cast %get3A_241 : vector<1x32xbf16> to vector<32xbf16>
        %mul3A_243 = arith.constant 10 : i32
        %mul3A_244 = arith.muli %scan3A_108, %mul3A_243 : i32
        %add3A_245 = arith.constant 5 : i32
        %add3A_246 = arith.addi %mul3A_244, %add3A_245 : i32
        %get3A_247 = arith.index_cast %add3A_246 : i32 to index
        %get3A_248 = arith.constant 32 : index
        %get3A_249 = tpu.vector_load %arg6[%get3A_247, %get3A_248] {strides = array<i32>} : memref<800x128xbf16, #tpu.memory_space<vmem>>, vector<1x32xbf16>,
        %get3A_250 = vector.shape_cast %get3A_249 : vector<1x32xbf16> to vector<32xbf16>
        %mul3A_251 = arith.constant 10 : i32
        %mul3A_252 = arith.muli %scan3A_108, %mul3A_251 : i32
        %add3A_253 = arith.constant 6 : i32
        %add3A_254 = arith.addi %mul3A_252, %add3A_253 : i32
        %get3A_255 = arith.index_cast %add3A_254 : i32 to index
        %get3A_256 = arith.constant 32 : index
        %get3A_257 = tpu.vector_load %arg6[%get3A_255, %get3A_256] {strides = array<i32>} : memref<800x128xbf16, #tpu.memory_space<vmem>>, vector<1x32xbf16>,
        %get3A_258 = vector.shape_cast %get3A_257 : vector<1x32xbf16> to vector<32xbf16>
        %mul3A_259 = arith.constant 10 : i32
        %mul3A_260 = arith.muli %scan3A_108, %mul3A_259 : i32
        %add3A_261 = arith.constant 7 : i32
        %add3A_262 = arith.addi %mul3A_260, %add3A_261 : i32
        %get3A_263 = arith.index_cast %add3A_262 : i32 to index
        %get3A_264 = arith.constant 32 : index
        %get3A_265 = tpu.vector_load %arg6[%get3A_263, %get3A_264] {strides = array<i32>} : memref<800x128xbf16, #tpu.memory_space<vmem>>, vector<1x32xbf16>,
        %get3A_266 = vector.shape_cast %get3A_265 : vector<1x32xbf16> to vector<32xbf16>
        %mul3A_267 = arith.constant 10 : i32
        %mul3A_268 = arith.muli %scan3A_108, %mul3A_267 : i32
        %add3A_269 = arith.constant 8 : i32
        %add3A_270 = arith.addi %mul3A_268, %add3A_269 : i32
        %get3A_271 = arith.index_cast %add3A_270 : i32 to index
        %get3A_272 = arith.constant 32 : index
        %get3A_273 = tpu.vector_load %arg6[%get3A_271, %get3A_272] {strides = array<i32>} : memref<800x128xbf16, #tpu.memory_space<vmem>>, vector<1x32xbf16>,
        %get3A_274 = vector.shape_cast %get3A_273 : vector<1x32xbf16> to vector<32xbf16>
        %mul3A_275 = arith.constant 10 : i32
        %mul3A_276 = arith.muli %scan3A_108, %mul3A_275 : i32
        %add3A_277 = arith.constant 9 : i32
        %add3A_278 = arith.addi %mul3A_276, %add3A_277 : i32
        %get3A_279 = arith.index_cast %add3A_278 : i32 to index
        %get3A_280 = arith.constant 32 : index
        %get3A_281 = tpu.vector_load %arg6[%get3A_279, %get3A_280] {strides = array<i32>} : memref<800x128xbf16, #tpu.memory_space<vmem>>, vector<1x32xbf16>,
        %get3A_282 = vector.shape_cast %get3A_281 : vector<1x32xbf16> to vector<32xbf16>
        %add3A_283 = arith.addf %get3A_210, %get3A_218 : vector<32xbf16>
        %add3A_284 = arith.addf %get3A_226, %get3A_234 : vector<32xbf16>
        %add3A_285 = arith.addf %get3A_242, %get3A_250 : vector<32xbf16>
        %add3A_286 = arith.addf %get3A_258, %get3A_266 : vector<32xbf16>
        %add3A_287 = arith.addf %get3A_274, %get3A_282 : vector<32xbf16>
        %add3A_288 = arith.addf %add3A_283, %add3A_284 : vector<32xbf16>
        %add3A_289 = arith.addf %add3A_285, %add3A_286 : vector<32xbf16>
        %add3A_290 = arith.addf %add3A_288, %add3A_289 : vector<32xbf16>
        %add3A_291 = arith.addf %add3A_290, %add3A_287 : vector<32xbf16>
        %max3A_292 = arith.constant 0.000000e+00 : bf16
        %max3A_293 = vector.broadcast %max3A_292 : bf16 to vector<32xbf16>
        %max3A_294 = arith.maximumf %add3A_291, %max3A_293 : vector<32xbf16>
        %swap3A_295 = arith.index_cast %scan3A_108 : i32 to index
        %swap3A_296 = arith.constant 32 : index
        %swap3A_297 = tpu.vector_load %arg8[%swap3A_295, %swap3A_296] {strides = array<i32>} : memref<80x128xbf16, #tpu.memory_space<vmem>>, vector<1x32xbf16>,
        %swap3A_298 = vector.shape_cast %swap3A_297 : vector<1x32xbf16> to vector<32xbf16>
        %swap3A_299 = vector.shape_cast %max3A_294 : vector<32xbf16> to vector<1x32xbf16>
        tpu.vector_store %arg8[%swap3A_295, %swap3A_296], %swap3A_299 {strides = array<i32>} : memref<80x128xbf16, #tpu.memory_space<vmem>>, vector<1x32xbf16>,
        %mul3A_300 = arith.constant 10 : i32
        %mul3A_301 = arith.muli %scan3A_108, %mul3A_300 : i32
        %add3A_302 = arith.constant 0 : i32
        %add3A_303 = arith.addi %mul3A_301, %add3A_302 : i32
        %get3A_304 = arith.index_cast %add3A_303 : i32 to index
        %get3A_305 = arith.constant 64 : index
        %get3A_306 = tpu.vector_load %arg6[%get3A_304, %get3A_305] {strides = array<i32>} : memref<800x128xbf16, #tpu.memory_space<vmem>>, vector<1x32xbf16>,
        %get3A_307 = vector.shape_cast %get3A_306 : vector<1x32xbf16> to vector<32xbf16>
        %mul3A_308 = arith.constant 10 : i32
        %mul3A_309 = arith.muli %scan3A_108, %mul3A_308 : i32
        %add3A_310 = arith.constant 1 : i32
        %add3A_311 = arith.addi %mul3A_309, %add3A_310 : i32
        %get3A_312 = arith.index_cast %add3A_311 : i32 to index
        %get3A_313 = arith.constant 64 : index
        %get3A_314 = tpu.vector_load %arg6[%get3A_312, %get3A_313] {strides = array<i32>} : memref<800x128xbf16, #tpu.memory_space<vmem>>, vector<1x32xbf16>,
        %get3A_315 = vector.shape_cast %get3A_314 : vector<1x32xbf16> to vector<32xbf16>
        %mul3A_316 = arith.constant 10 : i32
        %mul3A_317 = arith.muli %scan3A_108, %mul3A_316 : i32
        %add3A_318 = arith.constant 2 : i32
        %add3A_319 = arith.addi %mul3A_317, %add3A_318 : i32
        %get3A_320 = arith.index_cast %add3A_319 : i32 to index
        %get3A_321 = arith.constant 64 : index
        %get3A_322 = tpu.vector_load %arg6[%get3A_320, %get3A_321] {strides = array<i32>} : memref<800x128xbf16, #tpu.memory_space<vmem>>, vector<1x32xbf16>,
        %get3A_323 = vector.shape_cast %get3A_322 : vector<1x32xbf16> to vector<32xbf16>
        %mul3A_324 = arith.constant 10 : i32
        %mul3A_325 = arith.muli %scan3A_108, %mul3A_324 : i32
        %add3A_326 = arith.constant 3 : i32
        %add3A_327 = arith.addi %mul3A_325, %add3A_326 : i32
        %get3A_328 = arith.index_cast %add3A_327 : i32 to index
        %get3A_329 = arith.constant 64 : index
        %get3A_330 = tpu.vector_load %arg6[%get3A_328, %get3A_329] {strides = array<i32>} : memref<800x128xbf16, #tpu.memory_space<vmem>>, vector<1x32xbf16>,
        %get3A_331 = vector.shape_cast %get3A_330 : vector<1x32xbf16> to vector<32xbf16>
        %mul3A_332 = arith.constant 10 : i32
        %mul3A_333 = arith.muli %scan3A_108, %mul3A_332 : i32
        %add3A_334 = arith.constant 4 : i32
        %add3A_335 = arith.addi %mul3A_333, %add3A_334 : i32
        %get3A_336 = arith.index_cast %add3A_335 : i32 to index
        %get3A_337 = arith.constant 64 : index
        %get3A_338 = tpu.vector_load %arg6[%get3A_336, %get3A_337] {strides = array<i32>} : memref<800x128xbf16, #tpu.memory_space<vmem>>, vector<1x32xbf16>,
        %get3A_339 = vector.shape_cast %get3A_338 : vector<1x32xbf16> to vector<32xbf16>
        %mul3A_340 = arith.constant 10 : i32
        %mul3A_341 = arith.muli %scan3A_108, %mul3A_340 : i32
        %add3A_342 = arith.constant 5 : i32
        %add3A_343 = arith.addi %mul3A_341, %add3A_342 : i32
        %get3A_344 = arith.index_cast %add3A_343 : i32 to index
        %get3A_345 = arith.constant 64 : index
        %get3A_346 = tpu.vector_load %arg6[%get3A_344, %get3A_345] {strides = array<i32>} : memref<800x128xbf16, #tpu.memory_space<vmem>>, vector<1x32xbf16>,
        %get3A_347 = vector.shape_cast %get3A_346 : vector<1x32xbf16> to vector<32xbf16>
        %mul3A_348 = arith.constant 10 : i32
        %mul3A_349 = arith.muli %scan3A_108, %mul3A_348 : i32
        %add3A_350 = arith.constant 6 : i32
        %add3A_351 = arith.addi %mul3A_349, %add3A_350 : i32
        %get3A_352 = arith.index_cast %add3A_351 : i32 to index
        %get3A_353 = arith.constant 64 : index
        %get3A_354 = tpu.vector_load %arg6[%get3A_352, %get3A_353] {strides = array<i32>} : memref<800x128xbf16, #tpu.memory_space<vmem>>, vector<1x32xbf16>,
        %get3A_355 = vector.shape_cast %get3A_354 : vector<1x32xbf16> to vector<32xbf16>
        %mul3A_356 = arith.constant 10 : i32
        %mul3A_357 = arith.muli %scan3A_108, %mul3A_356 : i32
        %add3A_358 = arith.constant 7 : i32
        %add3A_359 = arith.addi %mul3A_357, %add3A_358 : i32
        %get3A_360 = arith.index_cast %add3A_359 : i32 to index
        %get3A_361 = arith.constant 64 : index
        %get3A_362 = tpu.vector_load %arg6[%get3A_360, %get3A_361] {strides = array<i32>} : memref<800x128xbf16, #tpu.memory_space<vmem>>, vector<1x32xbf16>,
        %get3A_363 = vector.shape_cast %get3A_362 : vector<1x32xbf16> to vector<32xbf16>
        %mul3A_364 = arith.constant 10 : i32
        %mul3A_365 = arith.muli %scan3A_108, %mul3A_364 : i32
        %add3A_366 = arith.constant 8 : i32
        %add3A_367 = arith.addi %mul3A_365, %add3A_366 : i32
        %get3A_368 = arith.index_cast %add3A_367 : i32 to index
        %get3A_369 = arith.constant 64 : index
        %get3A_370 = tpu.vector_load %arg6[%get3A_368, %get3A_369] {strides = array<i32>} : memref<800x128xbf16, #tpu.memory_space<vmem>>, vector<1x32xbf16>,
        %get3A_371 = vector.shape_cast %get3A_370 : vector<1x32xbf16> to vector<32xbf16>
        %mul3A_372 = arith.constant 10 : i32
        %mul3A_373 = arith.muli %scan3A_108, %mul3A_372 : i32
        %add3A_374 = arith.constant 9 : i32
        %add3A_375 = arith.addi %mul3A_373, %add3A_374 : i32
        %get3A_376 = arith.index_cast %add3A_375 : i32 to index
        %get3A_377 = arith.constant 64 : index
        %get3A_378 = tpu.vector_load %arg6[%get3A_376, %get3A_377] {strides = array<i32>} : memref<800x128xbf16, #tpu.memory_space<vmem>>, vector<1x32xbf16>,
        %get3A_379 = vector.shape_cast %get3A_378 : vector<1x32xbf16> to vector<32xbf16>
        %add3A_380 = arith.addf %get3A_307, %get3A_315 : vector<32xbf16>
        %add3A_381 = arith.addf %get3A_323, %get3A_331 : vector<32xbf16>
        %add3A_382 = arith.addf %get3A_339, %get3A_347 : vector<32xbf16>
        %add3A_383 = arith.addf %get3A_355, %get3A_363 : vector<32xbf16>
        %add3A_384 = arith.addf %get3A_371, %get3A_379 : vector<32xbf16>
        %add3A_385 = arith.addf %add3A_380, %add3A_381 : vector<32xbf16>
        %add3A_386 = arith.addf %add3A_382, %add3A_383 : vector<32xbf16>
        %add3A_387 = arith.addf %add3A_385, %add3A_386 : vector<32xbf16>
        %add3A_388 = arith.addf %add3A_387, %add3A_384 : vector<32xbf16>
        %max3A_389 = arith.constant 0.000000e+00 : bf16
        %max3A_390 = vector.broadcast %max3A_389 : bf16 to vector<32xbf16>
        %max3A_391 = arith.maximumf %add3A_388, %max3A_390 : vector<32xbf16>
        %swap3A_392 = arith.index_cast %scan3A_108 : i32 to index
        %swap3A_393 = arith.constant 64 : index
        %swap3A_394 = tpu.vector_load %arg8[%swap3A_392, %swap3A_393] {strides = array<i32>} : memref<80x128xbf16, #tpu.memory_space<vmem>>, vector<1x32xbf16>,
        %swap3A_395 = vector.shape_cast %swap3A_394 : vector<1x32xbf16> to vector<32xbf16>
        %swap3A_396 = vector.shape_cast %max3A_391 : vector<32xbf16> to vector<1x32xbf16>
        tpu.vector_store %arg8[%swap3A_392, %swap3A_393], %swap3A_396 {strides = array<i32>} : memref<80x128xbf16, #tpu.memory_space<vmem>>, vector<1x32xbf16>,
        %mul3A_397 = arith.constant 10 : i32
        %mul3A_398 = arith.muli %scan3A_108, %mul3A_397 : i32
        %add3A_399 = arith.constant 0 : i32
        %add3A_400 = arith.addi %mul3A_398, %add3A_399 : i32
        %get3A_401 = arith.index_cast %add3A_400 : i32 to index
        %get3A_402 = arith.constant 96 : index
        %get3A_403 = tpu.vector_load %arg6[%get3A_401, %get3A_402] {strides = array<i32>} : memref<800x128xbf16, #tpu.memory_space<vmem>>, vector<1x32xbf16>,
        %get3A_404 = vector.shape_cast %get3A_403 : vector<1x32xbf16> to vector<32xbf16>
        %mul3A_405 = arith.constant 10 : i32
        %mul3A_406 = arith.muli %scan3A_108, %mul3A_405 : i32
        %add3A_407 = arith.constant 1 : i32
        %add3A_408 = arith.addi %mul3A_406, %add3A_407 : i32
        %get3A_409 = arith.index_cast %add3A_408 : i32 to index
        %get3A_410 = arith.constant 96 : index
        %get3A_411 = tpu.vector_load %arg6[%get3A_409, %get3A_410] {strides = array<i32>} : memref<800x128xbf16, #tpu.memory_space<vmem>>, vector<1x32xbf16>,
        %get3A_412 = vector.shape_cast %get3A_411 : vector<1x32xbf16> to vector<32xbf16>
        %mul3A_413 = arith.constant 10 : i32
        %mul3A_414 = arith.muli %scan3A_108, %mul3A_413 : i32
        %add3A_415 = arith.constant 2 : i32
        %add3A_416 = arith.addi %mul3A_414, %add3A_415 : i32
        %get3A_417 = arith.index_cast %add3A_416 : i32 to index
        %get3A_418 = arith.constant 96 : index
        %get3A_419 = tpu.vector_load %arg6[%get3A_417, %get3A_418] {strides = array<i32>} : memref<800x128xbf16, #tpu.memory_space<vmem>>, vector<1x32xbf16>,
        %get3A_420 = vector.shape_cast %get3A_419 : vector<1x32xbf16> to vector<32xbf16>
        %mul3A_421 = arith.constant 10 : i32
        %mul3A_422 = arith.muli %scan3A_108, %mul3A_421 : i32
        %add3A_423 = arith.constant 3 : i32
        %add3A_424 = arith.addi %mul3A_422, %add3A_423 : i32
        %get3A_425 = arith.index_cast %add3A_424 : i32 to index
        %get3A_426 = arith.constant 96 : index
        %get3A_427 = tpu.vector_load %arg6[%get3A_425, %get3A_426] {strides = array<i32>} : memref<800x128xbf16, #tpu.memory_space<vmem>>, vector<1x32xbf16>,
        %get3A_428 = vector.shape_cast %get3A_427 : vector<1x32xbf16> to vector<32xbf16>
        %mul3A_429 = arith.constant 10 : i32
        %mul3A_430 = arith.muli %scan3A_108, %mul3A_429 : i32
        %add3A_431 = arith.constant 4 : i32
        %add3A_432 = arith.addi %mul3A_430, %add3A_431 : i32
        %get3A_433 = arith.index_cast %add3A_432 : i32 to index
        %get3A_434 = arith.constant 96 : index
        %get3A_435 = tpu.vector_load %arg6[%get3A_433, %get3A_434] {strides = array<i32>} : memref<800x128xbf16, #tpu.memory_space<vmem>>, vector<1x32xbf16>,
        %get3A_436 = vector.shape_cast %get3A_435 : vector<1x32xbf16> to vector<32xbf16>
        %mul3A_437 = arith.constant 10 : i32
        %mul3A_438 = arith.muli %scan3A_108, %mul3A_437 : i32
        %add3A_439 = arith.constant 5 : i32
        %add3A_440 = arith.addi %mul3A_438, %add3A_439 : i32
        %get3A_441 = arith.index_cast %add3A_440 : i32 to index
        %get3A_442 = arith.constant 96 : index
        %get3A_443 = tpu.vector_load %arg6[%get3A_441, %get3A_442] {strides = array<i32>} : memref<800x128xbf16, #tpu.memory_space<vmem>>, vector<1x32xbf16>,
        %get3A_444 = vector.shape_cast %get3A_443 : vector<1x32xbf16> to vector<32xbf16>
        %mul3A_445 = arith.constant 10 : i32
        %mul3A_446 = arith.muli %scan3A_108, %mul3A_445 : i32
        %add3A_447 = arith.constant 6 : i32
        %add3A_448 = arith.addi %mul3A_446, %add3A_447 : i32
        %get3A_449 = arith.index_cast %add3A_448 : i32 to index
        %get3A_450 = arith.constant 96 : index
        %get3A_451 = tpu.vector_load %arg6[%get3A_449, %get3A_450] {strides = array<i32>} : memref<800x128xbf16, #tpu.memory_space<vmem>>, vector<1x32xbf16>,
        %get3A_452 = vector.shape_cast %get3A_451 : vector<1x32xbf16> to vector<32xbf16>
        %mul3A_453 = arith.constant 10 : i32
        %mul3A_454 = arith.muli %scan3A_108, %mul3A_453 : i32
        %add3A_455 = arith.constant 7 : i32
        %add3A_456 = arith.addi %mul3A_454, %add3A_455 : i32
        %get3A_457 = arith.index_cast %add3A_456 : i32 to index
        %get3A_458 = arith.constant 96 : index
        %get3A_459 = tpu.vector_load %arg6[%get3A_457, %get3A_458] {strides = array<i32>} : memref<800x128xbf16, #tpu.memory_space<vmem>>, vector<1x32xbf16>,
        %get3A_460 = vector.shape_cast %get3A_459 : vector<1x32xbf16> to vector<32xbf16>
        %mul3A_461 = arith.constant 10 : i32
        %mul3A_462 = arith.muli %scan3A_108, %mul3A_461 : i32
        %add3A_463 = arith.constant 8 : i32
        %add3A_464 = arith.addi %mul3A_462, %add3A_463 : i32
        %get3A_465 = arith.index_cast %add3A_464 : i32 to index
        %get3A_466 = arith.constant 96 : index
        %get3A_467 = tpu.vector_load %arg6[%get3A_465, %get3A_466] {strides = array<i32>} : memref<800x128xbf16, #tpu.memory_space<vmem>>, vector<1x32xbf16>,
        %get3A_468 = vector.shape_cast %get3A_467 : vector<1x32xbf16> to vector<32xbf16>
        %mul3A_469 = arith.constant 10 : i32
        %mul3A_470 = arith.muli %scan3A_108, %mul3A_469 : i32
        %add3A_471 = arith.constant 9 : i32
        %add3A_472 = arith.addi %mul3A_470, %add3A_471 : i32
        %get3A_473 = arith.index_cast %add3A_472 : i32 to index
        %get3A_474 = arith.constant 96 : index
        %get3A_475 = tpu.vector_load %arg6[%get3A_473, %get3A_474] {strides = array<i32>} : memref<800x128xbf16, #tpu.memory_space<vmem>>, vector<1x32xbf16>,
        %get3A_476 = vector.shape_cast %get3A_475 : vector<1x32xbf16> to vector<32xbf16>
        %add3A_477 = arith.addf %get3A_404, %get3A_412 : vector<32xbf16>
        %add3A_478 = arith.addf %get3A_420, %get3A_428 : vector<32xbf16>
        %add3A_479 = arith.addf %get3A_436, %get3A_444 : vector<32xbf16>
        %add3A_480 = arith.addf %get3A_452, %get3A_460 : vector<32xbf16>
        %add3A_481 = arith.addf %get3A_468, %get3A_476 : vector<32xbf16>
        %add3A_482 = arith.addf %add3A_477, %add3A_478 : vector<32xbf16>
        %add3A_483 = arith.addf %add3A_479, %add3A_480 : vector<32xbf16>
        %add3A_484 = arith.addf %add3A_482, %add3A_483 : vector<32xbf16>
        %add3A_485 = arith.addf %add3A_484, %add3A_481 : vector<32xbf16>
        %max3A_486 = arith.constant 0.000000e+00 : bf16
        %max3A_487 = vector.broadcast %max3A_486 : bf16 to vector<32xbf16>
        %max3A_488 = arith.maximumf %add3A_485, %max3A_487 : vector<32xbf16>
        %swap3A_489 = arith.index_cast %scan3A_108 : i32 to index
        %swap3A_490 = arith.constant 96 : index
        %swap3A_491 = tpu.vector_load %arg8[%swap3A_489, %swap3A_490] {strides = array<i32>} : memref<80x128xbf16, #tpu.memory_space<vmem>>, vector<1x32xbf16>,
        %swap3A_492 = vector.shape_cast %swap3A_491 : vector<1x32xbf16> to vector<32xbf16>
        %swap3A_493 = vector.shape_cast %max3A_488 : vector<32xbf16> to vector<1x32xbf16>
        tpu.vector_store %arg8[%swap3A_489, %swap3A_490], %swap3A_493 {strides = array<i32>} : memref<80x128xbf16, #tpu.memory_space<vmem>>, vector<1x32xbf16>,
      }
      %scan3A_103 = arith.constant 80 : i32
      %add3A_104 = arith.constant 4 : i32
      %add3A_105 = arith.addi %add3A, %add3A_104 : i32
      %mul3A_106 = arith.constant 80 : i32
      %mul3A_107 = arith.muli %add3A_105, %mul3A_106 : i32
      "tpu.region"() ({
        %run_scoped3A = tpu.sem_alloc : memref<!tpu.dma_semaphore, #tpu.memory_space<semaphore_mem>>
        %dma_start3A = arith.constant 0 : i32
        %dma_start3A_108 = tpu.memref_slice %arg4[%mul3A_107, %dma_start3A] : memref<10240x128xbf16, #tpu.memory_space<hbm>> -> memref<80x128xbf16, #tpu.memory_space<hbm>>
        %dma_start3A_109 = arith.constant 0 : i32
        %dma_start3A_110 = tpu.memref_slice %arg4[%mul3A_107, %dma_start3A_109] : memref<10240x128xbf16, #tpu.memory_space<hbm>> -> memref<80x128xbf16, #tpu.memory_space<hbm>>
        tpu.enqueue_dma source(%arg8 : memref<80x128xbf16, #tpu.memory_space<vmem>>) target(%dma_start3A_110 : memref<80x128xbf16, #tpu.memory_space<hbm>>) target_semaphore(%run_scoped3A : memref<!tpu.dma_semaphore, #tpu.memory_space<semaphore_mem>>)
        %dma_wait3A = arith.constant 0 : i32
        %dma_wait3A_111 = tpu.memref_slice %arg4[%mul3A_107, %dma_wait3A] : memref<10240x128xbf16, #tpu.memory_space<hbm>> -> memref<80x128xbf16, #tpu.memory_space<hbm>>
        %dma_wait3A_112 = arith.constant 0 : i32
        %dma_wait3A_113 = tpu.memref_slice %arg4[%mul3A_107, %dma_wait3A_112] : memref<10240x128xbf16, #tpu.memory_space<hbm>> -> memref<80x128xbf16, #tpu.memory_space<hbm>>
        tpu.wait_dma2 semaphore(%run_scoped3A : memref<!tpu.dma_semaphore, #tpu.memory_space<semaphore_mem>>) src(%arg8 : memref<80x128xbf16, #tpu.memory_space<vmem>>) dst(%dma_wait3A_113 : memref<80x128xbf16, #tpu.memory_space<hbm>>)
        tpu.yield
      }) : () -> ()
    } else {
    }
    %gt3A_89 = arith.constant 5 : i32
    %gt3A_90 = arith.cmpi sgt, %select_n3A_7, %gt3A_89 : i32
    %convert_element_type3A_91 = arith.extui %gt3A_90 : i1 to i32
    %cond3A_92 = arith.constant 0 : i32
    %cond3A_93 = arith.cmpi ne, %convert_element_type3A_91, %cond3A_92 : i32
    scf.if %cond3A_93 {
      %dma_wait3A = arith.constant 4000 : i32
      %dma_wait3A_99 = tpu.memref_slice %arg5[%dma_wait3A] : memref<4800xi32, #tpu.memory_space<vmem>> -> memref<800xi32, #tpu.memory_space<vmem>>
      %dma_wait3A_100 = arith.constant 0 : i32
      %dma_wait3A_101 = arith.constant 0 : i32
      %dma_wait3A_102 = tpu.memref_slice %arg2[%dma_wait3A_100, %dma_wait3A_101] : memref<50000x128xbf16, #tpu.memory_space<hbm>> -> memref<50000x128xbf16, #tpu.memory_space<hbm>>
      tpu.wait_indirect_dma semaphore(%arg10 : memref<!tpu.dma_semaphore, #tpu.memory_space<semaphore_mem>>) src(%dma_wait3A_102 : memref<50000x128xbf16, #tpu.memory_space<hbm>>) dst(%arg7 : memref<800x128xbf16, #tpu.memory_space<vmem>>)
    } else {
    }
    %gt3A_94 = arith.constant 5 : i32
    %gt3A_95 = arith.cmpi sgt, %select_n3A_7, %gt3A_94 : i32
    %convert_element_type3A_96 = arith.extui %gt3A_95 : i1 to i32
    %cond3A_97 = arith.constant 0 : i32
    %cond3A_98 = arith.cmpi ne, %convert_element_type3A_96, %cond3A_97 : i32
    scf.if %cond3A_98 {
      %scan3A = arith.constant 0 : i32
      %scan3A_99 = arith.constant 0 : i32
      %scan3A_100 = arith.constant 80 : i32
      %scan3A_101 = arith.addi %scan3A_99, %scan3A_100 : i32
      %scan3A_102 = arith.constant 1 : i32
      scf.for %scan3A_108 = %scan3A_99 to %scan3A_101 step %scan3A_102  : i32 {
        %mul3A_109 = arith.constant 10 : i32
        %mul3A_110 = arith.muli %scan3A_108, %mul3A_109 : i32
        %add3A_111 = arith.constant 0 : i32
        %add3A_112 = arith.addi %mul3A_110, %add3A_111 : i32
        %get3A = arith.index_cast %add3A_112 : i32 to index
        %get3A_113 = arith.constant 0 : index
        %get3A_114 = tpu.vector_load %arg7[%get3A, %get3A_113] {strides = array<i32>} : memref<800x128xbf16, #tpu.memory_space<vmem>>, vector<1x32xbf16>,
        %get3A_115 = vector.shape_cast %get3A_114 : vector<1x32xbf16> to vector<32xbf16>
        %mul3A_116 = arith.constant 10 : i32
        %mul3A_117 = arith.muli %scan3A_108, %mul3A_116 : i32
        %add3A_118 = arith.constant 1 : i32
        %add3A_119 = arith.addi %mul3A_117, %add3A_118 : i32
        %get3A_120 = arith.index_cast %add3A_119 : i32 to index
        %get3A_121 = arith.constant 0 : index
        %get3A_122 = tpu.vector_load %arg7[%get3A_120, %get3A_121] {strides = array<i32>} : memref<800x128xbf16, #tpu.memory_space<vmem>>, vector<1x32xbf16>,
        %get3A_123 = vector.shape_cast %get3A_122 : vector<1x32xbf16> to vector<32xbf16>
        %mul3A_124 = arith.constant 10 : i32
        %mul3A_125 = arith.muli %scan3A_108, %mul3A_124 : i32
        %add3A_126 = arith.constant 2 : i32
        %add3A_127 = arith.addi %mul3A_125, %add3A_126 : i32
        %get3A_128 = arith.index_cast %add3A_127 : i32 to index
        %get3A_129 = arith.constant 0 : index
        %get3A_130 = tpu.vector_load %arg7[%get3A_128, %get3A_129] {strides = array<i32>} : memref<800x128xbf16, #tpu.memory_space<vmem>>, vector<1x32xbf16>,
        %get3A_131 = vector.shape_cast %get3A_130 : vector<1x32xbf16> to vector<32xbf16>
        %mul3A_132 = arith.constant 10 : i32
        %mul3A_133 = arith.muli %scan3A_108, %mul3A_132 : i32
        %add3A_134 = arith.constant 3 : i32
        %add3A_135 = arith.addi %mul3A_133, %add3A_134 : i32
        %get3A_136 = arith.index_cast %add3A_135 : i32 to index
        %get3A_137 = arith.constant 0 : index
        %get3A_138 = tpu.vector_load %arg7[%get3A_136, %get3A_137] {strides = array<i32>} : memref<800x128xbf16, #tpu.memory_space<vmem>>, vector<1x32xbf16>,
        %get3A_139 = vector.shape_cast %get3A_138 : vector<1x32xbf16> to vector<32xbf16>
        %mul3A_140 = arith.constant 10 : i32
        %mul3A_141 = arith.muli %scan3A_108, %mul3A_140 : i32
        %add3A_142 = arith.constant 4 : i32
        %add3A_143 = arith.addi %mul3A_141, %add3A_142 : i32
        %get3A_144 = arith.index_cast %add3A_143 : i32 to index
        %get3A_145 = arith.constant 0 : index
        %get3A_146 = tpu.vector_load %arg7[%get3A_144, %get3A_145] {strides = array<i32>} : memref<800x128xbf16, #tpu.memory_space<vmem>>, vector<1x32xbf16>,
        %get3A_147 = vector.shape_cast %get3A_146 : vector<1x32xbf16> to vector<32xbf16>
        %mul3A_148 = arith.constant 10 : i32
        %mul3A_149 = arith.muli %scan3A_108, %mul3A_148 : i32
        %add3A_150 = arith.constant 5 : i32
        %add3A_151 = arith.addi %mul3A_149, %add3A_150 : i32
        %get3A_152 = arith.index_cast %add3A_151 : i32 to index
        %get3A_153 = arith.constant 0 : index
        %get3A_154 = tpu.vector_load %arg7[%get3A_152, %get3A_153] {strides = array<i32>} : memref<800x128xbf16, #tpu.memory_space<vmem>>, vector<1x32xbf16>,
        %get3A_155 = vector.shape_cast %get3A_154 : vector<1x32xbf16> to vector<32xbf16>
        %mul3A_156 = arith.constant 10 : i32
        %mul3A_157 = arith.muli %scan3A_108, %mul3A_156 : i32
        %add3A_158 = arith.constant 6 : i32
        %add3A_159 = arith.addi %mul3A_157, %add3A_158 : i32
        %get3A_160 = arith.index_cast %add3A_159 : i32 to index
        %get3A_161 = arith.constant 0 : index
        %get3A_162 = tpu.vector_load %arg7[%get3A_160, %get3A_161] {strides = array<i32>} : memref<800x128xbf16, #tpu.memory_space<vmem>>, vector<1x32xbf16>,
        %get3A_163 = vector.shape_cast %get3A_162 : vector<1x32xbf16> to vector<32xbf16>
        %mul3A_164 = arith.constant 10 : i32
        %mul3A_165 = arith.muli %scan3A_108, %mul3A_164 : i32
        %add3A_166 = arith.constant 7 : i32
        %add3A_167 = arith.addi %mul3A_165, %add3A_166 : i32
        %get3A_168 = arith.index_cast %add3A_167 : i32 to index
        %get3A_169 = arith.constant 0 : index
        %get3A_170 = tpu.vector_load %arg7[%get3A_168, %get3A_169] {strides = array<i32>} : memref<800x128xbf16, #tpu.memory_space<vmem>>, vector<1x32xbf16>,
        %get3A_171 = vector.shape_cast %get3A_170 : vector<1x32xbf16> to vector<32xbf16>
        %mul3A_172 = arith.constant 10 : i32
        %mul3A_173 = arith.muli %scan3A_108, %mul3A_172 : i32
        %add3A_174 = arith.constant 8 : i32
        %add3A_175 = arith.addi %mul3A_173, %add3A_174 : i32
        %get3A_176 = arith.index_cast %add3A_175 : i32 to index
        %get3A_177 = arith.constant 0 : index
        %get3A_178 = tpu.vector_load %arg7[%get3A_176, %get3A_177] {strides = array<i32>} : memref<800x128xbf16, #tpu.memory_space<vmem>>, vector<1x32xbf16>,
        %get3A_179 = vector.shape_cast %get3A_178 : vector<1x32xbf16> to vector<32xbf16>
        %mul3A_180 = arith.constant 10 : i32
        %mul3A_181 = arith.muli %scan3A_108, %mul3A_180 : i32
        %add3A_182 = arith.constant 9 : i32
        %add3A_183 = arith.addi %mul3A_181, %add3A_182 : i32
        %get3A_184 = arith.index_cast %add3A_183 : i32 to index
        %get3A_185 = arith.constant 0 : index
        %get3A_186 = tpu.vector_load %arg7[%get3A_184, %get3A_185] {strides = array<i32>} : memref<800x128xbf16, #tpu.memory_space<vmem>>, vector<1x32xbf16>,
        %get3A_187 = vector.shape_cast %get3A_186 : vector<1x32xbf16> to vector<32xbf16>
        %add3A_188 = arith.addf %get3A_115, %get3A_123 : vector<32xbf16>
        %add3A_189 = arith.addf %get3A_131, %get3A_139 : vector<32xbf16>
        %add3A_190 = arith.addf %get3A_147, %get3A_155 : vector<32xbf16>
        %add3A_191 = arith.addf %get3A_163, %get3A_171 : vector<32xbf16>
        %add3A_192 = arith.addf %get3A_179, %get3A_187 : vector<32xbf16>
        %add3A_193 = arith.addf %add3A_188, %add3A_189 : vector<32xbf16>
        %add3A_194 = arith.addf %add3A_190, %add3A_191 : vector<32xbf16>
        %add3A_195 = arith.addf %add3A_193, %add3A_194 : vector<32xbf16>
        %add3A_196 = arith.addf %add3A_195, %add3A_192 : vector<32xbf16>
        %max3A = arith.constant 0.000000e+00 : bf16
        %max3A_197 = vector.broadcast %max3A : bf16 to vector<32xbf16>
        %max3A_198 = arith.maximumf %add3A_196, %max3A_197 : vector<32xbf16>
        %swap3A = arith.index_cast %scan3A_108 : i32 to index
        %swap3A_199 = arith.constant 0 : index
        %swap3A_200 = tpu.vector_load %arg8[%swap3A, %swap3A_199] {strides = array<i32>} : memref<80x128xbf16, #tpu.memory_space<vmem>>, vector<1x32xbf16>,
        %swap3A_201 = vector.shape_cast %swap3A_200 : vector<1x32xbf16> to vector<32xbf16>
        %swap3A_202 = vector.shape_cast %max3A_198 : vector<32xbf16> to vector<1x32xbf16>
        tpu.vector_store %arg8[%swap3A, %swap3A_199], %swap3A_202 {strides = array<i32>} : memref<80x128xbf16, #tpu.memory_space<vmem>>, vector<1x32xbf16>,
        %mul3A_203 = arith.constant 10 : i32
        %mul3A_204 = arith.muli %scan3A_108, %mul3A_203 : i32
        %add3A_205 = arith.constant 0 : i32
        %add3A_206 = arith.addi %mul3A_204, %add3A_205 : i32
        %get3A_207 = arith.index_cast %add3A_206 : i32 to index
        %get3A_208 = arith.constant 32 : index
        %get3A_209 = tpu.vector_load %arg7[%get3A_207, %get3A_208] {strides = array<i32>} : memref<800x128xbf16, #tpu.memory_space<vmem>>, vector<1x32xbf16>,
        %get3A_210 = vector.shape_cast %get3A_209 : vector<1x32xbf16> to vector<32xbf16>
        %mul3A_211 = arith.constant 10 : i32
        %mul3A_212 = arith.muli %scan3A_108, %mul3A_211 : i32
        %add3A_213 = arith.constant 1 : i32
        %add3A_214 = arith.addi %mul3A_212, %add3A_213 : i32
        %get3A_215 = arith.index_cast %add3A_214 : i32 to index
        %get3A_216 = arith.constant 32 : index
        %get3A_217 = tpu.vector_load %arg7[%get3A_215, %get3A_216] {strides = array<i32>} : memref<800x128xbf16, #tpu.memory_space<vmem>>, vector<1x32xbf16>,
        %get3A_218 = vector.shape_cast %get3A_217 : vector<1x32xbf16> to vector<32xbf16>
        %mul3A_219 = arith.constant 10 : i32
        %mul3A_220 = arith.muli %scan3A_108, %mul3A_219 : i32
        %add3A_221 = arith.constant 2 : i32
        %add3A_222 = arith.addi %mul3A_220, %add3A_221 : i32
        %get3A_223 = arith.index_cast %add3A_222 : i32 to index
        %get3A_224 = arith.constant 32 : index
        %get3A_225 = tpu.vector_load %arg7[%get3A_223, %get3A_224] {strides = array<i32>} : memref<800x128xbf16, #tpu.memory_space<vmem>>, vector<1x32xbf16>,
        %get3A_226 = vector.shape_cast %get3A_225 : vector<1x32xbf16> to vector<32xbf16>
        %mul3A_227 = arith.constant 10 : i32
        %mul3A_228 = arith.muli %scan3A_108, %mul3A_227 : i32
        %add3A_229 = arith.constant 3 : i32
        %add3A_230 = arith.addi %mul3A_228, %add3A_229 : i32
        %get3A_231 = arith.index_cast %add3A_230 : i32 to index
        %get3A_232 = arith.constant 32 : index
        %get3A_233 = tpu.vector_load %arg7[%get3A_231, %get3A_232] {strides = array<i32>} : memref<800x128xbf16, #tpu.memory_space<vmem>>, vector<1x32xbf16>,
        %get3A_234 = vector.shape_cast %get3A_233 : vector<1x32xbf16> to vector<32xbf16>
        %mul3A_235 = arith.constant 10 : i32
        %mul3A_236 = arith.muli %scan3A_108, %mul3A_235 : i32
        %add3A_237 = arith.constant 4 : i32
        %add3A_238 = arith.addi %mul3A_236, %add3A_237 : i32
        %get3A_239 = arith.index_cast %add3A_238 : i32 to index
        %get3A_240 = arith.constant 32 : index
        %get3A_241 = tpu.vector_load %arg7[%get3A_239, %get3A_240] {strides = array<i32>} : memref<800x128xbf16, #tpu.memory_space<vmem>>, vector<1x32xbf16>,
        %get3A_242 = vector.shape_cast %get3A_241 : vector<1x32xbf16> to vector<32xbf16>
        %mul3A_243 = arith.constant 10 : i32
        %mul3A_244 = arith.muli %scan3A_108, %mul3A_243 : i32
        %add3A_245 = arith.constant 5 : i32
        %add3A_246 = arith.addi %mul3A_244, %add3A_245 : i32
        %get3A_247 = arith.index_cast %add3A_246 : i32 to index
        %get3A_248 = arith.constant 32 : index
        %get3A_249 = tpu.vector_load %arg7[%get3A_247, %get3A_248] {strides = array<i32>} : memref<800x128xbf16, #tpu.memory_space<vmem>>, vector<1x32xbf16>,
        %get3A_250 = vector.shape_cast %get3A_249 : vector<1x32xbf16> to vector<32xbf16>
        %mul3A_251 = arith.constant 10 : i32
        %mul3A_252 = arith.muli %scan3A_108, %mul3A_251 : i32
        %add3A_253 = arith.constant 6 : i32
        %add3A_254 = arith.addi %mul3A_252, %add3A_253 : i32
        %get3A_255 = arith.index_cast %add3A_254 : i32 to index
        %get3A_256 = arith.constant 32 : index
        %get3A_257 = tpu.vector_load %arg7[%get3A_255, %get3A_256] {strides = array<i32>} : memref<800x128xbf16, #tpu.memory_space<vmem>>, vector<1x32xbf16>,
        %get3A_258 = vector.shape_cast %get3A_257 : vector<1x32xbf16> to vector<32xbf16>
        %mul3A_259 = arith.constant 10 : i32
        %mul3A_260 = arith.muli %scan3A_108, %mul3A_259 : i32
        %add3A_261 = arith.constant 7 : i32
        %add3A_262 = arith.addi %mul3A_260, %add3A_261 : i32
        %get3A_263 = arith.index_cast %add3A_262 : i32 to index
        %get3A_264 = arith.constant 32 : index
        %get3A_265 = tpu.vector_load %arg7[%get3A_263, %get3A_264] {strides = array<i32>} : memref<800x128xbf16, #tpu.memory_space<vmem>>, vector<1x32xbf16>,
        %get3A_266 = vector.shape_cast %get3A_265 : vector<1x32xbf16> to vector<32xbf16>
        %mul3A_267 = arith.constant 10 : i32
        %mul3A_268 = arith.muli %scan3A_108, %mul3A_267 : i32
        %add3A_269 = arith.constant 8 : i32
        %add3A_270 = arith.addi %mul3A_268, %add3A_269 : i32
        %get3A_271 = arith.index_cast %add3A_270 : i32 to index
        %get3A_272 = arith.constant 32 : index
        %get3A_273 = tpu.vector_load %arg7[%get3A_271, %get3A_272] {strides = array<i32>} : memref<800x128xbf16, #tpu.memory_space<vmem>>, vector<1x32xbf16>,
        %get3A_274 = vector.shape_cast %get3A_273 : vector<1x32xbf16> to vector<32xbf16>
        %mul3A_275 = arith.constant 10 : i32
        %mul3A_276 = arith.muli %scan3A_108, %mul3A_275 : i32
        %add3A_277 = arith.constant 9 : i32
        %add3A_278 = arith.addi %mul3A_276, %add3A_277 : i32
        %get3A_279 = arith.index_cast %add3A_278 : i32 to index
        %get3A_280 = arith.constant 32 : index
        %get3A_281 = tpu.vector_load %arg7[%get3A_279, %get3A_280] {strides = array<i32>} : memref<800x128xbf16, #tpu.memory_space<vmem>>, vector<1x32xbf16>,
        %get3A_282 = vector.shape_cast %get3A_281 : vector<1x32xbf16> to vector<32xbf16>
        %add3A_283 = arith.addf %get3A_210, %get3A_218 : vector<32xbf16>
        %add3A_284 = arith.addf %get3A_226, %get3A_234 : vector<32xbf16>
        %add3A_285 = arith.addf %get3A_242, %get3A_250 : vector<32xbf16>
        %add3A_286 = arith.addf %get3A_258, %get3A_266 : vector<32xbf16>
        %add3A_287 = arith.addf %get3A_274, %get3A_282 : vector<32xbf16>
        %add3A_288 = arith.addf %add3A_283, %add3A_284 : vector<32xbf16>
        %add3A_289 = arith.addf %add3A_285, %add3A_286 : vector<32xbf16>
        %add3A_290 = arith.addf %add3A_288, %add3A_289 : vector<32xbf16>
        %add3A_291 = arith.addf %add3A_290, %add3A_287 : vector<32xbf16>
        %max3A_292 = arith.constant 0.000000e+00 : bf16
        %max3A_293 = vector.broadcast %max3A_292 : bf16 to vector<32xbf16>
        %max3A_294 = arith.maximumf %add3A_291, %max3A_293 : vector<32xbf16>
        %swap3A_295 = arith.index_cast %scan3A_108 : i32 to index
        %swap3A_296 = arith.constant 32 : index
        %swap3A_297 = tpu.vector_load %arg8[%swap3A_295, %swap3A_296] {strides = array<i32>} : memref<80x128xbf16, #tpu.memory_space<vmem>>, vector<1x32xbf16>,
        %swap3A_298 = vector.shape_cast %swap3A_297 : vector<1x32xbf16> to vector<32xbf16>
        %swap3A_299 = vector.shape_cast %max3A_294 : vector<32xbf16> to vector<1x32xbf16>
        tpu.vector_store %arg8[%swap3A_295, %swap3A_296], %swap3A_299 {strides = array<i32>} : memref<80x128xbf16, #tpu.memory_space<vmem>>, vector<1x32xbf16>,
        %mul3A_300 = arith.constant 10 : i32
        %mul3A_301 = arith.muli %scan3A_108, %mul3A_300 : i32
        %add3A_302 = arith.constant 0 : i32
        %add3A_303 = arith.addi %mul3A_301, %add3A_302 : i32
        %get3A_304 = arith.index_cast %add3A_303 : i32 to index
        %get3A_305 = arith.constant 64 : index
        %get3A_306 = tpu.vector_load %arg7[%get3A_304, %get3A_305] {strides = array<i32>} : memref<800x128xbf16, #tpu.memory_space<vmem>>, vector<1x32xbf16>,
        %get3A_307 = vector.shape_cast %get3A_306 : vector<1x32xbf16> to vector<32xbf16>
        %mul3A_308 = arith.constant 10 : i32
        %mul3A_309 = arith.muli %scan3A_108, %mul3A_308 : i32
        %add3A_310 = arith.constant 1 : i32
        %add3A_311 = arith.addi %mul3A_309, %add3A_310 : i32
        %get3A_312 = arith.index_cast %add3A_311 : i32 to index
        %get3A_313 = arith.constant 64 : index
        %get3A_314 = tpu.vector_load %arg7[%get3A_312, %get3A_313] {strides = array<i32>} : memref<800x128xbf16, #tpu.memory_space<vmem>>, vector<1x32xbf16>,
        %get3A_315 = vector.shape_cast %get3A_314 : vector<1x32xbf16> to vector<32xbf16>
        %mul3A_316 = arith.constant 10 : i32
        %mul3A_317 = arith.muli %scan3A_108, %mul3A_316 : i32
        %add3A_318 = arith.constant 2 : i32
        %add3A_319 = arith.addi %mul3A_317, %add3A_318 : i32
        %get3A_320 = arith.index_cast %add3A_319 : i32 to index
        %get3A_321 = arith.constant 64 : index
        %get3A_322 = tpu.vector_load %arg7[%get3A_320, %get3A_321] {strides = array<i32>} : memref<800x128xbf16, #tpu.memory_space<vmem>>, vector<1x32xbf16>,
        %get3A_323 = vector.shape_cast %get3A_322 : vector<1x32xbf16> to vector<32xbf16>
        %mul3A_324 = arith.constant 10 : i32
        %mul3A_325 = arith.muli %scan3A_108, %mul3A_324 : i32
        %add3A_326 = arith.constant 3 : i32
        %add3A_327 = arith.addi %mul3A_325, %add3A_326 : i32
        %get3A_328 = arith.index_cast %add3A_327 : i32 to index
        %get3A_329 = arith.constant 64 : index
        %get3A_330 = tpu.vector_load %arg7[%get3A_328, %get3A_329] {strides = array<i32>} : memref<800x128xbf16, #tpu.memory_space<vmem>>, vector<1x32xbf16>,
        %get3A_331 = vector.shape_cast %get3A_330 : vector<1x32xbf16> to vector<32xbf16>
        %mul3A_332 = arith.constant 10 : i32
        %mul3A_333 = arith.muli %scan3A_108, %mul3A_332 : i32
        %add3A_334 = arith.constant 4 : i32
        %add3A_335 = arith.addi %mul3A_333, %add3A_334 : i32
        %get3A_336 = arith.index_cast %add3A_335 : i32 to index
        %get3A_337 = arith.constant 64 : index
        %get3A_338 = tpu.vector_load %arg7[%get3A_336, %get3A_337] {strides = array<i32>} : memref<800x128xbf16, #tpu.memory_space<vmem>>, vector<1x32xbf16>,
        %get3A_339 = vector.shape_cast %get3A_338 : vector<1x32xbf16> to vector<32xbf16>
        %mul3A_340 = arith.constant 10 : i32
        %mul3A_341 = arith.muli %scan3A_108, %mul3A_340 : i32
        %add3A_342 = arith.constant 5 : i32
        %add3A_343 = arith.addi %mul3A_341, %add3A_342 : i32
        %get3A_344 = arith.index_cast %add3A_343 : i32 to index
        %get3A_345 = arith.constant 64 : index
        %get3A_346 = tpu.vector_load %arg7[%get3A_344, %get3A_345] {strides = array<i32>} : memref<800x128xbf16, #tpu.memory_space<vmem>>, vector<1x32xbf16>,
        %get3A_347 = vector.shape_cast %get3A_346 : vector<1x32xbf16> to vector<32xbf16>
        %mul3A_348 = arith.constant 10 : i32
        %mul3A_349 = arith.muli %scan3A_108, %mul3A_348 : i32
        %add3A_350 = arith.constant 6 : i32
        %add3A_351 = arith.addi %mul3A_349, %add3A_350 : i32
        %get3A_352 = arith.index_cast %add3A_351 : i32 to index
        %get3A_353 = arith.constant 64 : index
        %get3A_354 = tpu.vector_load %arg7[%get3A_352, %get3A_353] {strides = array<i32>} : memref<800x128xbf16, #tpu.memory_space<vmem>>, vector<1x32xbf16>,
        %get3A_355 = vector.shape_cast %get3A_354 : vector<1x32xbf16> to vector<32xbf16>
        %mul3A_356 = arith.constant 10 : i32
        %mul3A_357 = arith.muli %scan3A_108, %mul3A_356 : i32
        %add3A_358 = arith.constant 7 : i32
        %add3A_359 = arith.addi %mul3A_357, %add3A_358 : i32
        %get3A_360 = arith.index_cast %add3A_359 : i32 to index
        %get3A_361 = arith.constant 64 : index
        %get3A_362 = tpu.vector_load %arg7[%get3A_360, %get3A_361] {strides = array<i32>} : memref<800x128xbf16, #tpu.memory_space<vmem>>, vector<1x32xbf16>,
        %get3A_363 = vector.shape_cast %get3A_362 : vector<1x32xbf16> to vector<32xbf16>
        %mul3A_364 = arith.constant 10 : i32
        %mul3A_365 = arith.muli %scan3A_108, %mul3A_364 : i32
        %add3A_366 = arith.constant 8 : i32
        %add3A_367 = arith.addi %mul3A_365, %add3A_366 : i32
        %get3A_368 = arith.index_cast %add3A_367 : i32 to index
        %get3A_369 = arith.constant 64 : index
        %get3A_370 = tpu.vector_load %arg7[%get3A_368, %get3A_369] {strides = array<i32>} : memref<800x128xbf16, #tpu.memory_space<vmem>>, vector<1x32xbf16>,
        %get3A_371 = vector.shape_cast %get3A_370 : vector<1x32xbf16> to vector<32xbf16>
        %mul3A_372 = arith.constant 10 : i32
        %mul3A_373 = arith.muli %scan3A_108, %mul3A_372 : i32
        %add3A_374 = arith.constant 9 : i32
        %add3A_375 = arith.addi %mul3A_373, %add3A_374 : i32
        %get3A_376 = arith.index_cast %add3A_375 : i32 to index
        %get3A_377 = arith.constant 64 : index
        %get3A_378 = tpu.vector_load %arg7[%get3A_376, %get3A_377] {strides = array<i32>} : memref<800x128xbf16, #tpu.memory_space<vmem>>, vector<1x32xbf16>,
        %get3A_379 = vector.shape_cast %get3A_378 : vector<1x32xbf16> to vector<32xbf16>
        %add3A_380 = arith.addf %get3A_307, %get3A_315 : vector<32xbf16>
        %add3A_381 = arith.addf %get3A_323, %get3A_331 : vector<32xbf16>
        %add3A_382 = arith.addf %get3A_339, %get3A_347 : vector<32xbf16>
        %add3A_383 = arith.addf %get3A_355, %get3A_363 : vector<32xbf16>
        %add3A_384 = arith.addf %get3A_371, %get3A_379 : vector<32xbf16>
        %add3A_385 = arith.addf %add3A_380, %add3A_381 : vector<32xbf16>
        %add3A_386 = arith.addf %add3A_382, %add3A_383 : vector<32xbf16>
        %add3A_387 = arith.addf %add3A_385, %add3A_386 : vector<32xbf16>
        %add3A_388 = arith.addf %add3A_387, %add3A_384 : vector<32xbf16>
        %max3A_389 = arith.constant 0.000000e+00 : bf16
        %max3A_390 = vector.broadcast %max3A_389 : bf16 to vector<32xbf16>
        %max3A_391 = arith.maximumf %add3A_388, %max3A_390 : vector<32xbf16>
        %swap3A_392 = arith.index_cast %scan3A_108 : i32 to index
        %swap3A_393 = arith.constant 64 : index
        %swap3A_394 = tpu.vector_load %arg8[%swap3A_392, %swap3A_393] {strides = array<i32>} : memref<80x128xbf16, #tpu.memory_space<vmem>>, vector<1x32xbf16>,
        %swap3A_395 = vector.shape_cast %swap3A_394 : vector<1x32xbf16> to vector<32xbf16>
        %swap3A_396 = vector.shape_cast %max3A_391 : vector<32xbf16> to vector<1x32xbf16>
        tpu.vector_store %arg8[%swap3A_392, %swap3A_393], %swap3A_396 {strides = array<i32>} : memref<80x128xbf16, #tpu.memory_space<vmem>>, vector<1x32xbf16>,
        %mul3A_397 = arith.constant 10 : i32
        %mul3A_398 = arith.muli %scan3A_108, %mul3A_397 : i32
        %add3A_399 = arith.constant 0 : i32
        %add3A_400 = arith.addi %mul3A_398, %add3A_399 : i32
        %get3A_401 = arith.index_cast %add3A_400 : i32 to index
        %get3A_402 = arith.constant 96 : index
        %get3A_403 = tpu.vector_load %arg7[%get3A_401, %get3A_402] {strides = array<i32>} : memref<800x128xbf16, #tpu.memory_space<vmem>>, vector<1x32xbf16>,
        %get3A_404 = vector.shape_cast %get3A_403 : vector<1x32xbf16> to vector<32xbf16>
        %mul3A_405 = arith.constant 10 : i32
        %mul3A_406 = arith.muli %scan3A_108, %mul3A_405 : i32
        %add3A_407 = arith.constant 1 : i32
        %add3A_408 = arith.addi %mul3A_406, %add3A_407 : i32
        %get3A_409 = arith.index_cast %add3A_408 : i32 to index
        %get3A_410 = arith.constant 96 : index
        %get3A_411 = tpu.vector_load %arg7[%get3A_409, %get3A_410] {strides = array<i32>} : memref<800x128xbf16, #tpu.memory_space<vmem>>, vector<1x32xbf16>,
        %get3A_412 = vector.shape_cast %get3A_411 : vector<1x32xbf16> to vector<32xbf16>
        %mul3A_413 = arith.constant 10 : i32
        %mul3A_414 = arith.muli %scan3A_108, %mul3A_413 : i32
        %add3A_415 = arith.constant 2 : i32
        %add3A_416 = arith.addi %mul3A_414, %add3A_415 : i32
        %get3A_417 = arith.index_cast %add3A_416 : i32 to index
        %get3A_418 = arith.constant 96 : index
        %get3A_419 = tpu.vector_load %arg7[%get3A_417, %get3A_418] {strides = array<i32>} : memref<800x128xbf16, #tpu.memory_space<vmem>>, vector<1x32xbf16>,
        %get3A_420 = vector.shape_cast %get3A_419 : vector<1x32xbf16> to vector<32xbf16>
        %mul3A_421 = arith.constant 10 : i32
        %mul3A_422 = arith.muli %scan3A_108, %mul3A_421 : i32
        %add3A_423 = arith.constant 3 : i32
        %add3A_424 = arith.addi %mul3A_422, %add3A_423 : i32
        %get3A_425 = arith.index_cast %add3A_424 : i32 to index
        %get3A_426 = arith.constant 96 : index
        %get3A_427 = tpu.vector_load %arg7[%get3A_425, %get3A_426] {strides = array<i32>} : memref<800x128xbf16, #tpu.memory_space<vmem>>, vector<1x32xbf16>,
        %get3A_428 = vector.shape_cast %get3A_427 : vector<1x32xbf16> to vector<32xbf16>
        %mul3A_429 = arith.constant 10 : i32
        %mul3A_430 = arith.muli %scan3A_108, %mul3A_429 : i32
        %add3A_431 = arith.constant 4 : i32
        %add3A_432 = arith.addi %mul3A_430, %add3A_431 : i32
        %get3A_433 = arith.index_cast %add3A_432 : i32 to index
        %get3A_434 = arith.constant 96 : index
        %get3A_435 = tpu.vector_load %arg7[%get3A_433, %get3A_434] {strides = array<i32>} : memref<800x128xbf16, #tpu.memory_space<vmem>>, vector<1x32xbf16>,
        %get3A_436 = vector.shape_cast %get3A_435 : vector<1x32xbf16> to vector<32xbf16>
        %mul3A_437 = arith.constant 10 : i32
        %mul3A_438 = arith.muli %scan3A_108, %mul3A_437 : i32
        %add3A_439 = arith.constant 5 : i32
        %add3A_440 = arith.addi %mul3A_438, %add3A_439 : i32
        %get3A_441 = arith.index_cast %add3A_440 : i32 to index
        %get3A_442 = arith.constant 96 : index
        %get3A_443 = tpu.vector_load %arg7[%get3A_441, %get3A_442] {strides = array<i32>} : memref<800x128xbf16, #tpu.memory_space<vmem>>, vector<1x32xbf16>,
        %get3A_444 = vector.shape_cast %get3A_443 : vector<1x32xbf16> to vector<32xbf16>
        %mul3A_445 = arith.constant 10 : i32
        %mul3A_446 = arith.muli %scan3A_108, %mul3A_445 : i32
        %add3A_447 = arith.constant 6 : i32
        %add3A_448 = arith.addi %mul3A_446, %add3A_447 : i32
        %get3A_449 = arith.index_cast %add3A_448 : i32 to index
        %get3A_450 = arith.constant 96 : index
        %get3A_451 = tpu.vector_load %arg7[%get3A_449, %get3A_450] {strides = array<i32>} : memref<800x128xbf16, #tpu.memory_space<vmem>>, vector<1x32xbf16>,
        %get3A_452 = vector.shape_cast %get3A_451 : vector<1x32xbf16> to vector<32xbf16>
        %mul3A_453 = arith.constant 10 : i32
        %mul3A_454 = arith.muli %scan3A_108, %mul3A_453 : i32
        %add3A_455 = arith.constant 7 : i32
        %add3A_456 = arith.addi %mul3A_454, %add3A_455 : i32
        %get3A_457 = arith.index_cast %add3A_456 : i32 to index
        %get3A_458 = arith.constant 96 : index
        %get3A_459 = tpu.vector_load %arg7[%get3A_457, %get3A_458] {strides = array<i32>} : memref<800x128xbf16, #tpu.memory_space<vmem>>, vector<1x32xbf16>,
        %get3A_460 = vector.shape_cast %get3A_459 : vector<1x32xbf16> to vector<32xbf16>
        %mul3A_461 = arith.constant 10 : i32
        %mul3A_462 = arith.muli %scan3A_108, %mul3A_461 : i32
        %add3A_463 = arith.constant 8 : i32
        %add3A_464 = arith.addi %mul3A_462, %add3A_463 : i32
        %get3A_465 = arith.index_cast %add3A_464 : i32 to index
        %get3A_466 = arith.constant 96 : index
        %get3A_467 = tpu.vector_load %arg7[%get3A_465, %get3A_466] {strides = array<i32>} : memref<800x128xbf16, #tpu.memory_space<vmem>>, vector<1x32xbf16>,
        %get3A_468 = vector.shape_cast %get3A_467 : vector<1x32xbf16> to vector<32xbf16>
        %mul3A_469 = arith.constant 10 : i32
        %mul3A_470 = arith.muli %scan3A_108, %mul3A_469 : i32
        %add3A_471 = arith.constant 9 : i32
        %add3A_472 = arith.addi %mul3A_470, %add3A_471 : i32
        %get3A_473 = arith.index_cast %add3A_472 : i32 to index
        %get3A_474 = arith.constant 96 : index
        %get3A_475 = tpu.vector_load %arg7[%get3A_473, %get3A_474] {strides = array<i32>} : memref<800x128xbf16, #tpu.memory_space<vmem>>, vector<1x32xbf16>,
        %get3A_476 = vector.shape_cast %get3A_475 : vector<1x32xbf16> to vector<32xbf16>
        %add3A_477 = arith.addf %get3A_404, %get3A_412 : vector<32xbf16>
        %add3A_478 = arith.addf %get3A_420, %get3A_428 : vector<32xbf16>
        %add3A_479 = arith.addf %get3A_436, %get3A_444 : vector<32xbf16>
        %add3A_480 = arith.addf %get3A_452, %get3A_460 : vector<32xbf16>
        %add3A_481 = arith.addf %get3A_468, %get3A_476 : vector<32xbf16>
        %add3A_482 = arith.addf %add3A_477, %add3A_478 : vector<32xbf16>
        %add3A_483 = arith.addf %add3A_479, %add3A_480 : vector<32xbf16>
        %add3A_484 = arith.addf %add3A_482, %add3A_483 : vector<32xbf16>
        %add3A_485 = arith.addf %add3A_484, %add3A_481 : vector<32xbf16>
        %max3A_486 = arith.constant 0.000000e+00 : bf16
        %max3A_487 = vector.broadcast %max3A_486 : bf16 to vector<32xbf16>
        %max3A_488 = arith.maximumf %add3A_485, %max3A_487 : vector<32xbf16>
        %swap3A_489 = arith.index_cast %scan3A_108 : i32 to index
        %swap3A_490 = arith.constant 96 : index
        %swap3A_491 = tpu.vector_load %arg8[%swap3A_489, %swap3A_490] {strides = array<i32>} : memref<80x128xbf16, #tpu.memory_space<vmem>>, vector<1x32xbf16>,
        %swap3A_492 = vector.shape_cast %swap3A_491 : vector<1x32xbf16> to vector<32xbf16>
        %swap3A_493 = vector.shape_cast %max3A_488 : vector<32xbf16> to vector<1x32xbf16>
        tpu.vector_store %arg8[%swap3A_489, %swap3A_490], %swap3A_493 {strides = array<i32>} : memref<80x128xbf16, #tpu.memory_space<vmem>>, vector<1x32xbf16>,
      }
      %scan3A_103 = arith.constant 80 : i32
      %add3A_104 = arith.constant 5 : i32
      %add3A_105 = arith.addi %add3A, %add3A_104 : i32
      %mul3A_106 = arith.constant 80 : i32
      %mul3A_107 = arith.muli %add3A_105, %mul3A_106 : i32
      "tpu.region"() ({
        %run_scoped3A = tpu.sem_alloc : memref<!tpu.dma_semaphore, #tpu.memory_space<semaphore_mem>>
        %dma_start3A = arith.constant 0 : i32
        %dma_start3A_108 = tpu.memref_slice %arg4[%mul3A_107, %dma_start3A] : memref<10240x128xbf16, #tpu.memory_space<hbm>> -> memref<80x128xbf16, #tpu.memory_space<hbm>>
        %dma_start3A_109 = arith.constant 0 : i32
        %dma_start3A_110 = tpu.memref_slice %arg4[%mul3A_107, %dma_start3A_109] : memref<10240x128xbf16, #tpu.memory_space<hbm>> -> memref<80x128xbf16, #tpu.memory_space<hbm>>
        tpu.enqueue_dma source(%arg8 : memref<80x128xbf16, #tpu.memory_space<vmem>>) target(%dma_start3A_110 : memref<80x128xbf16, #tpu.memory_space<hbm>>) target_semaphore(%run_scoped3A : memref<!tpu.dma_semaphore, #tpu.memory_space<semaphore_mem>>)
        %dma_wait3A = arith.constant 0 : i32
        %dma_wait3A_111 = tpu.memref_slice %arg4[%mul3A_107, %dma_wait3A] : memref<10240x128xbf16, #tpu.memory_space<hbm>> -> memref<80x128xbf16, #tpu.memory_space<hbm>>
        %dma_wait3A_112 = arith.constant 0 : i32
        %dma_wait3A_113 = tpu.memref_slice %arg4[%mul3A_107, %dma_wait3A_112] : memref<10240x128xbf16, #tpu.memory_space<hbm>> -> memref<80x128xbf16, #tpu.memory_space<hbm>>
        tpu.wait_dma2 semaphore(%run_scoped3A : memref<!tpu.dma_semaphore, #tpu.memory_space<semaphore_mem>>) src(%arg8 : memref<80x128xbf16, #tpu.memory_space<vmem>>) dst(%dma_wait3A_113 : memref<80x128xbf16, #tpu.memory_space<hbm>>)
        tpu.yield
      }) : () -> ()
    } else {
    }
    return
  }
}

module attributes {stable_mosaic.version = 14 : i64} {
  func.func @_tc_body(%arg0: i32, %arg1: memref<1x128x128xf32, #tpu.memory_space<vmem>>, %arg2: memref<10000x128xf32, #tpu.memory_space<vmem>>, %arg3: memref<1x10000x128xbf16, #tpu.memory_space<vmem>>) attributes {dimension_semantics = [#tpu.dimension_semantics<arbitrary>], iteration_bounds = array<i64: 5>, scalar_prefetch = 0 : i64, scratch_operands = 0 : i64, tpu.core_type = #tpu.core_type<tc>, window_params = [{transform_indices = @transform_0, window_bounds = array<i64: 1, 128, 128>}, {pipeline_mode = #tpu.pipeline_mode<synchronous>, transform_indices = @transform_1, window_bounds = array<i64: 10000, 128>}, {transform_indices = @transform_2, window_bounds = array<i64: 1, 10000, 128>}]} {
    %get3A = arith.constant 0 : index
    %get3A_0 = arith.constant 0 : index
    %get3A_1 = vector.load %arg2[%get3A, %get3A_0] : memref<10000x128xf32, #tpu.memory_space<vmem>>, vector<10000x128xf32>
    %get3A_2 = arith.constant 0 : index
    %get3A_3 = arith.constant 0 : index
    %get3A_4 = arith.constant 0 : index
    %get3A_5 = vector.load %arg1[%get3A_2, %get3A_3, %get3A_4] : memref<1x128x128xf32, #tpu.memory_space<vmem>>, vector<1x128x128xf32>
    %get3A_6 = vector.shape_cast %get3A_5 : vector<1x128x128xf32> to vector<128x128xf32>
    %dot_general3A = arith.constant dense<0.000000e+00> : vector<10000x128xf32>
    %dot_general3A_7 = tpu.matmul %get3A_1, %get3A_6, %dot_general3A {dimension_numbers = #tpu.dot_dimension_numbers<[1], [1], [0], [0], [0, 0, 1, 0], [], []>, transpose_lhs_hint = false} : vector<10000x128xf32>, vector<128x128xf32>, vector<10000x128xf32> -> vector<10000x128xf32>
    %mul3A = arith.constant 2.000000e+01 : f32
    %mul3A_8 = vector.broadcast %mul3A : f32 to vector<10000x128xf32>
    %mul3A_9 = arith.mulf %dot_general3A_7, %mul3A_8 : vector<10000x128xf32>
    %convert_element_type3A = arith.truncf %mul3A_9 : vector<10000x128xf32> to vector<10000x128xbf16>
    %swap3A = arith.constant 0 : index
    %swap3A_10 = arith.constant 0 : index
    %swap3A_11 = arith.constant 0 : index
    %swap3A_12 = vector.load %arg3[%swap3A, %swap3A_10, %swap3A_11] : memref<1x10000x128xbf16, #tpu.memory_space<vmem>>, vector<1x10000x128xbf16>
    %swap3A_13 = vector.shape_cast %swap3A_12 : vector<1x10000x128xbf16> to vector<10000x128xbf16>
    %swap3A_14 = vector.shape_cast %convert_element_type3A : vector<10000x128xbf16> to vector<1x10000x128xbf16>
    tpu.vector_store %arg3[%swap3A, %swap3A_10, %swap3A_11], %swap3A_14 {strides = array<i32>} : memref<1x10000x128xbf16, #tpu.memory_space<vmem>>, vector<1x10000x128xbf16>,
    return
  }
  func.func @transform_0(%arg0: i32) -> (i32, i32, i32) {
    %c0_i32 = arith.constant 0 : i32
    %c0_i32_0 = arith.constant 0 : i32
    %c0_i32_1 = arith.constant 0 : i32
    return %arg0, %c0_i32, %c0_i32_0 : i32, i32, i32
  }
  func.func @transform_1(%arg0: i32) -> (i32, i32) {
    %c0_i32 = arith.constant 0 : i32
    %c0_i32_0 = arith.constant 0 : i32
    %c0_i32_1 = arith.constant 0 : i32
    return %c0_i32, %c0_i32_0 : i32, i32
  }
  func.func @transform_2(%arg0: i32) -> (i32, i32, i32) {
    %c0_i32 = arith.constant 0 : i32
    %c0_i32_0 = arith.constant 0 : i32
    %c0_i32_1 = arith.constant 0 : i32
    return %arg0, %c0_i32, %c0_i32_0 : i32, i32, i32
  }
}

</mosaic_0001>

<sc_bundles>
// kernel: kernel.4.cloned.1.call-start
scs
__scs_entry_jumppad:
0x0: {  	(pc) =	sbr.rel $0x88, $3  }
0x1: {  	(tag) =	ssettag $0x0;
	lr =	simm.s32 $0x1  }
0x2: {  	[smem:$0x3F9D] =	sst lr;
	_ =	strace $0xD0000000  }
0x3: {  	_ = 	snop  }
0x4: {  	_ = 	snop  }
0x5: {  	_ = 	snop  }
0x6: {  	_ = 	snop  }
0x7: {  	_ = 	snop  }
__scs_overlays_trampoline_lowered:
0x8: {  	[smem:$0x3FAC] =	sst s0  }
0x9: {  	[smem:$0x3FAD] =	sst s1  }
0xa: {  	[smem:$0x3FAE] =	sst s2  }
0xb: {  	[smem:$0x3FAF] =	sst s3  }
0xc: {  	[smem:$0x3FB0] =	sst s4  }
0xd: {  	[smem:$0x3FB1] =	sst s5  }
0xe: {  	[smem:$0x3FB2] =	sst s6  }
0xf: {  	[smem:$0x3FB3] =	sst s7  }
0x10: {  	[smem:$0x3FB4] =	sst s8  }
0x11: {  	[smem:$0x3FB5] =	sst s9;
	s0 =	simm.s32 @!p0 $0x0  }
0x12: {  	s1 =	sld [smem:$0x3F9B];
	s0 =	simm.s32 @p0 $0x1  }
0x13: {  	[smem:$0x3FB6] =	sst s0;
	s0 =	simm.s32 @!p1 $0x0  }
0x14: {  	s2 =	sld [smem:$0x3F9A];
	s0 =	simm.s32 @p1 $0x1  }
0x15: {  	[smem:$0x3FB7] =	sst s0;
	s0 =	simm.s32 @!p2 $0x0  }
0x16: {  	s3 =	sld [smem:$0x3FDB];
	s0 =	simm.s32 @p2 $0x1  }
0x17: {  	s4 =	simm.s32 $0x1BF5;
	[smem:$0x3FB9] =	sst s0  }
0x18: {  	s0 =	sld [smem:$0x3F9C];
	_ =	swait.ge [sflag:s4], $0x0  }
0x19: {  	s7 =	sld [smem:$0x3F9D]  }
0x1a: {  	s8 =	sadd.s32 $0xFFFFE003, lr  }
0x1b: {  	s9 =	sadd.s32 $0xFFFFFEF7, lr;
	s5 =	simm.s32 $0xFFFFFFFF;
	p2 =	slt.u32 s8, $0xFFFFF086  }
0x1c: {  	p1 =	slt.u32 s9, $0xF7A;
	s5 =	simm.s32 @!p2 $0x0  }
0x1d: {  	s5 =	simm.s32 @p1 $0x1;
	p0 =	seq.s32 s7, s2  }
0x1e: {  	s7 =	smul.u32 @!p0 $0xF7A, s2;
	p2 =	seq.s32 @!p0 s5, $0x0  }
0x1f: {  	s9 =	smul.u32 $0xF7A, s1;
	s8 =	simm.s32 @!p0 $0x1BF5;
	p2 =	por !p2, p0  }
0x20: {  	[sflag:s8] =	ssyncset.s32 @!p0 $0xFFFFF086;
	s6 =	sadd.s32 @!p0 s3, s7;
	s7 =	simm.s32 @!p0 $0x108  }
0x21: {  	s3 =	sadd.s32 s3, s9;
	s6 =	sadd.s32 @!p0 $0x88, s6;
	s7 =	simm.s32 @p2 $0x1082  }
0x22: {  	[simem:s7], [sflag:s8] =	dma.local @!p0 [hbm:s6], $0xF7A  }
0x23: {  	s9 =	sor.u32 $0xD0000000, s2;
	s6 =	simm.s32 $0x108;
	_ =	swait.ge @!p0 [sflag:s8], $0x0  }
0x24: {  	s3 =	sadd.s32 $0x88, s3;
	s6 =	simm.s32 @!p1 $0x1082;
	[sflag:s4] =	ssyncset.s32 $0xFFFFF086  }
0x25: {  	[simem:s6], [sflag:s4] =	dma.local [hbm:s3], $0xF7A  }
0x26: {  	[smem:$0x3F9D] =	sst s1;
	(tag) =	ssettag s2;
	_ =	strace s9  }
0x27: {  	s1 =	sld [smem:$0x3FAD]  }
0x28: {  	s2 =	sld [smem:$0x3FAE]  }
0x29: {  	s4 =	sld [smem:$0x3FB0]  }
0x2a: {  	p0 =	seq.s32 s5, $0x0;
	s5 =	sld [smem:$0x3FB1]  }
0x2b: {  	s6 =	sld [smem:$0x3FB2]  }
0x2c: {  	s7 =	sld [smem:$0x3FB3]  }
0x2d: {  	s3 =	simm.s32 $0x108;
	s8 =	sld [smem:$0x3FB4]  }
0x2e: {  	s3 =	simm.s32 @!p0 $0x1082;
	s9 =	sld [smem:$0x3FB5]  }
0x2f: {  	lr =	sadd.s32 s0, s3;
	s0 =	sld [smem:$0x3FAC]  }
0x30: {  	s3 =	sld [smem:$0x3FAF]  }
0x31: {  	[smem:$0x3FB8] =	sst s10  }
0x32: {  	s10 =	sld [smem:$0x3FB6];
	_ =	sdelay $0x3  }
0x33: {  	p0 =	seq.s32 s10, $0x1;
	s10 =	sld [smem:$0x3FB8];
	_ =	sdelay $0x3  }
0x34: {  	[smem:$0x3FB8] =	sst s10  }
0x35: {  	s10 =	sld [smem:$0x3FB7];
	_ =	sdelay $0x3  }
0x36: {  	p1 =	seq.s32 s10, $0x1;
	s10 =	sld [smem:$0x3FB8];
	_ =	sdelay $0x3  }
0x37: {  	[smem:$0x3FB8] =	sst s10  }
0x38: {  	s10 =	sld [smem:$0x3FB9]  }
0x39: {  	_ = 	snop;
	(pc) =	sbr.ind lr, $3  }
0x3a: {  	_ = 	snop  }
0x3b: {  	_ = 	snop  }
0x3c: {  	p2 =	seq.s32 s10, $0x1;
	s10 =	sld [smem:$0x3FB8]  }
0x3d: {  	_ =	shalt  }
0x3e: {  	_ =	shalt  }
0x3f: {  	_ =	shalt  }
0x40: {  	_ =	shalt  }
0x41: {  	_ =	shalt  }
0x42: {  	_ =	shalt  }
0x43: {  	_ =	shalt  }
0x44: {  	_ =	shalt  }
0x45: {  	_ =	shalt  }
0x46: {  	_ =	shalt  }
0x47: {  	_ =	shalt  }
0x48: {  	_ =	shalt  }
0x49: {  	_ =	shalt  }
0x4a: {  	_ =	shalt  }
0x4b: {  	_ =	shalt  }
0x4c: {  	_ =	shalt  }
0x4d: {  	_ =	shalt  }
0x4e: {  	_ =	shalt  }
0x4f: {  	_ =	shalt  }
0x50: {  	_ =	shalt  }
0x51: {  	_ =	shalt  }
0x52: {  	_ =	shalt  }
0x53: {  	_ =	shalt  }
0x54: {  	_ =	shalt  }
0x55: {  	_ =	shalt  }
0x56: {  	_ =	shalt  }
0x57: {  	_ =	shalt  }
0x58: {  	_ =	shalt  }
0x59: {  	_ =	shalt  }
0x5a: {  	_ =	shalt  }
0x5b: {  	_ =	shalt  }
0x5c: {  	_ =	shalt  }
0x5d: {  	_ =	shalt  }
0x5e: {  	_ =	shalt  }
0x5f: {  	_ =	shalt  }
0x60: {  	_ =	shalt  }
0x61: {  	_ =	shalt  }
0x62: {  	_ =	shalt  }
0x63: {  	_ =	shalt  }
0x64: {  	_ =	shalt  }
0x65: {  	_ =	shalt  }
0x66: {  	_ =	shalt  }
0x67: {  	_ =	shalt  }
0x68: {  	_ =	shalt  }
0x69: {  	_ =	shalt  }
0x6a: {  	_ =	shalt  }
0x6b: {  	_ =	shalt  }
0x6c: {  	_ =	shalt  }
0x6d: {  	_ =	shalt  }
0x6e: {  	_ =	shalt  }
0x6f: {  	_ =	shalt  }
0x70: {  	_ =	shalt  }
0x71: {  	_ =	shalt  }
0x72: {  	_ =	shalt  }
0x73: {  	_ =	shalt  }
0x74: {  	_ =	shalt  }
0x75: {  	_ =	shalt  }
0x76: {  	_ =	shalt  }
0x77: {  	_ =	shalt  }
0x78: {  	_ =	shalt  }
0x79: {  	_ =	shalt  }
0x7a: {  	_ =	shalt  }
0x7b: {  	_ =	shalt  }
0x7c: {  	_ =	shalt  }
0x7d: {  	_ =	shalt  }
0x7e: {  	_ =	shalt  }
0x7f: {  	_ =	shalt  }
0x80: {  	_ =	shalt  }
0x81: {  	_ =	shalt  }
0x82: {  	_ =	shalt  }
0x83: {  	_ =	shalt  }
0x84: {  	_ =	shalt  }
0x85: {  	_ =	shalt  }
0x86: {  	_ =	shalt  }
0x87: {  	_ =	shalt  }
.Lfunc_end0:
.L_simem_size_0:
called_computation_lowered:
.L_overlay_start_0:
0x88: {  	s2 =	sld [smem:$0x3FD9]  }
0x89: {  	s3 =	sld [smem:$0x3FFE];
	_ =	sdelay $0x1  }
0x8a: {  	s1 =	srdreg.scid  }
0x8b: {  	s0 =	sand.u32 $0x1, s1  }
0x8c: {  	s17 =	sshll.u32 s0, $0xA;
	s2 =	sadd.s32 s3, s2  }
0x8d: {  	s2 =	sadd.s32 s2, s17  }
0x8e: {  	[smem:$0x3FC4] =	sst s2  }
0x8f: {  	_ = 	snop  }
0x90: {  	s2 =	sld [smem:$0x3FD0];
	(tm) =	ssettm $0x1  }
0x91: {  	s18 =	sld [smem:$0x3FFB];
	_ =	sdelay $0x3  }
0x92: {  	_ =	strace s18  }
0x93: {  	s3 =	sld [smem:$0x3FFC];
	_ =	sdelay $0x3  }
0x94: {  	_ =	strace s3  }
0x95: {  	s3 =	sld [smem:$0x3FFD];
	_ =	sdelay $0x3  }
0x96: {  	_ =	strace s3  }
0x97: {  	_ =	strace $0x8FFFFFFF  }
0x98: {  	s19 =	sld [smem:$0x3FDB];
	_ =	sdelay $0x1  }
0x99: {  	s4 =	simm.s32 $_scs_section_size  }
0x9a: {  	s5 =	simm.s32 $_size__tile_overlayer_lowered;
	s6 =	simm.s32 $_tile_overlayer_lowered  }
0x9b: {  	s22 =	simm.s32 $0x1BFF;
	s21 =	sshll.u32 s6, $0x1;
	s3 =	sadd.s32 s4, s19  }
0x9c: {  	s7 =	simm.s32 $0x0;
	s20 =	sshll.u32 s5, $0x1;
	s5 =	sadd.s32 s21, s3  }
0x9d: {  	[timem:s7], [sflag:s22] =	dma.local [hbm:s5], s20  }
0x9e: {  	_ =	swait.ge [sflag:s22], s20  }
0x9f: {  	s4 =	ssub.s32 $0x0, s20;
	[sflag:s22] =	ssyncset.done $0x0  }
0xa0: {  	[sflag:s22] =	ssyncadd.s32 s4;
	_ =	sdelay $0x1  }
0xa1: {  	s23 =	simm.s32 $0x1B8B  }
0xa2: {  	_ =	swait.ge [sflag:s23], $0x1  }
0xa3: {  	[sflag:s23] =	ssyncset.done $0x0  }
0xa4: {  	s25 =	simm.s32 $0x1B8E;
	s24 =	sld [smem:$0x3FFE];
	[sflag:s23] =	ssyncadd.s32 $0xFFFFFFFF  }
0xa5: {  	s26 =	simm.s32 $execute0_lowered;
	[smem:$0x3FD2] =	sst s25  }
0xa6: {  	s5 =	sshll.u32 s26, $0x1;
	_ =	strace $0x80000046;
	[dreg:$0x1] =	wrdreg $0xFFFFFFFF  }
0xa7: {  	s28 =	simm.s32 $_size_execute0_lowered;
	s3 =	sadd.s32 s3, s5;
	[dreg:$0x0] =	wrdreg $0x0  }
0xa8: {  	s5 =	sshll.u32 s28, $0x1;
	[dreg:$0x2] =	wrdreg s3  }
0xa9: {  	[dreg:$0x3] =	wrdreg s5  }
0xaa: {  	[dreg:$0x4] =	wrdreg $0xC0  }
0xab: {  	_ =	task [dreg:s7], $0x5FFFF  }
0xac: {  	[dreg:$0x1] =	wrdreg $0xFFFFFFFF  }
0xad: {  	[dreg:$0x0] =	wrdreg $0x60  }
0xae: {  	[dreg:$0x2] =	wrdreg s24  }
0xaf: {  	[dreg:$0x3] =	wrdreg s2  }
0xb0: {  	[dreg:$0x4] =	wrdreg $0x9  }
0xb1: {  	_ =	task.clear_ibuf [dreg:s7], $0x5FFFF;
	_ =	strace $0x90000046  }
0xb2: {  	s29 =	simm.s32 $0x9;
	_ =	strace $0x80000048  }
0xb3: {  	_ =	swait.ge [sflag:s29], $0x1  }
0xb4: {  	[sflag:s29] =	ssyncadd.s32 $0xFFFFFFFF  }
0xb5: {  	_ =	strace $0x90000048  }
0xb6: {  	_ =	sfence  }
0xb7: {  	s30 =	sld [smem:$0x0];
	_ =	sdelay $0x2  }
0xb8: {  	s31 =	sshll.u32 s1, $0xD;
	s1 =	sshrl.u32 s1, $0x2  }
0xb9: {  	s3 =	sand.u32 $0x4000, s31;
	s1 =	sadd.s32 s1, s30  }
0xba: {  	s0 =	sor.u32 s3, s0;
	s1 =	sshll.u32 s1, $0x11  }
0xbb: {  	s0 =	sor.u32 s1, s0  }
0xbc: {  	s0 =	sadd.s32 $0x8F2B, s0  }
0xbd: {  	[sflag:s0] =	ssyncadd.remote.s32 $0x1  }
0xbe: {  	_ =	sfence.sel $0xFFFF  }
0xbf: {  	[dreg:$0x0] =	wrdreg $0xFFFFFFFF;
	(pc) =	sbr.abs _section_cstart, $3  }
0xc0: {  	[dreg:$0x1] =	wrdreg $0xFFFFFFFF  }
0xc1: {  	_ =	task.clear_ibuf [dreg:s7], $0x2FFFF;
	_ =	strace $0x9FFFFFFF  }
0xc2: {  	(tm) =	ssettm $0x7FFFFFFF  }
0xc3: {  	_ =	shalt  }
tec
execute0_lowered:
.L_overlay_start_1:
0x0: {  	(tag) =	ssettag $0x1  }
0x1: {  	s0 =	srdreg.scid;
	s4 =	rddreg [dreg:$0x0]  }
0x2: {  	s6 =	rddreg [dreg:$0x1];
	s2 =	simm.s32 $0x0;
	s12 =	simm.s32 $0x3  }
0x3: {  	s13 =	simm.s32 $0x320;
	s14 =	simm.s32 $0x12C0;
	s15 =	simm.s32 $0x1  }
0x4: {  	s16 =	simm.s32 $0xDAC0;
	s18 =	simm.s32 $0x2;
	s17 =	sand.u32 $0x1, s0  }
0x5: {  	s19 =	simm.s32 $0x960;
	s0 =	stileid.u32;
	s1 =	ssub.s32 $0x0, s17  }
0x6: {  	s20 =	simm.s32 $0xC80;
	s3 =	sshll.u32 s0, $0x3;
	s5 =	sand.u32 $0x6, s1  }
0x7: {  	s21 =	simm.s32 $0xFA0;
	s22 =	simm.s32 $0x0;
	s5 =	sor.u32 s3, s5  }
0x8: {  	[smem:$0x7FF] =	sst s2;
	s8 =	ssub.s32 $0x2, s17;
	s7 =	smul.u32 $0x64, s5  }
0x9: {  	p0 =	sne.s32 s17, $0x0;
	s17 =	simm.s32 $0x1A2C0;
	s9 =	smul.u32 $0x2800, s5  }
0xa: {  	s1 =	rddreg [dreg:$0x2];
	s10 =	sshrl.u32 s8, $0x1;
	s5 =	smul.u32 $0x280, s5  }
.Ltmp0:
0xb: {  	_ =	strace $0x80000047;
	s11 =	ssub.s32 s8, s10;
	(pc) =	sbr.rel .LBB2_1-.Ltmp0, $4  }
0xc: {  	s3 =	sadd.s32 $0xC00, s4;
	s11 =	smax.u32 s11, $0x1;
	s30 =	sshrl.u32 s9, $0x4  }
0xd: {  	s4 =	sadd.s32 s7, s4;
	s5 =	sadd.s32 s6, s5;
	s31 =	sadd.s32 s6, s30  }
0xe: {  	s4 =	sadd.s32 $0x62800, s4;
	s6 =	sadd.s32 $0x280, s31;
	s7 =	sadd.s32 $0x500, s31  }
0xf: {  	v0 =	vimm.bf16 $0.0e+00;
	s8 =	sadd.s32 $0x780, s31;
	s9 =	sadd.s32 $0xA00, s31;
	s10 =	sadd.s32 $0xC80, s31  }
.LBB2_14:
0x10: {  	v1 =	vld [tilespmem:s23+$0x30]  }
0x11: {  	v2 =	vld [tilespmem:s23+$0xB0]  }
0x12: {  	v3 =	vld [tilespmem:s23+$0xFFFFFFF0]  }
0x13: {  	v4 =	vld [tilespmem:s23+$0x70]  }
0x14: {  	v5 =	vld [tilespmem:s23+$0xFFFFFEF0]  }
0x15: {  	v6 =	vld [tilespmem:s23+$0xFFFFFFB0]  }
0x16: {  	v7 =	vld [tilespmem:s23+$0xFFFFFF30]  }
0x17: {  	v8 =	vld [tilespmem:s23+$0xFFFFFF70];
	_ =	sdelay $0x2  }
0x18: {  	v9 =	vld [tilespmem:s23+$0x130]  }
0x19: {  	v1 =	vadd.bf16 v1, v3;
	v2 =	vadd.bf16 v2, v4;
	v3 =	vld [tilespmem:s23+$0xF0]  }
0x1a: {  	v62 =	vadd.bf16 v7, v5;
	v63 =	vadd.bf16 v6, v8;
	_ =	sdelay $0x1  }
0x1b: {  	v1 =	vadd.bf16 v2, v1;
	v2 =	vadd.bf16 v63, v62;
	_ =	sdelay $0x1  }
0x1c: {  	v1 =	vadd.bf16 v1, v2;
	v3 =	vadd.bf16 v9, v3;
	_ =	sdelay $0x1  }
0x1d: {  	v1 =	vadd.bf16 v3, v1;
	_ =	sdelay $0x1  }
0x1e: {  	v1 =	vmax.bf16 v1, v0  }
0x1f: {  	[tilespmem:s24+$0x1A2F0] =	vst v1  }
0x20: {  	[hbm4b:s10+s2] =	stream.linear.scatter [tilespmem:s17], [sflag:$0x3], $0x1400, $0x38;
	[tilespmem:$0x1B6C0] =	vst v63  }
0x21: {  	_ =	swait.ge [sflag:s12], $0x1400  }
0x22: {  	[sflag:s12] =	ssyncset.done $0x0  }
0x23: {  	[sflag:s12] =	ssyncadd.s32 $0xFFFFEC00  }
.LBB2_15:
0x24: {  	s22 =	sadd.s32 $0x1, s22  }
0x25: {  	p1 =	sne.s32 s22, s11  }
.Ltmp1:
0x26: {  	_ = 	snop;
	(pc) =	sbr.rel @!p1 .LBB2_16-.Ltmp1, $1  }
0x27: {  	_ =	sdelay $0x3  }
.LBB2_1:
0x28: {  	[tilespmem:s2], [sflag:$0x3] =	stream.linear.gather [hbm4b:s4+s2], $0x12C0, $0x38;
	[tilespmem:$0x1B6C0] =	vst v63  }
0x29: {  	_ =	swait.ge [sflag:s12], $0x12C0  }
0x2a: {  	[sflag:s12] =	ssyncset.done $0x0  }
0x2b: {  	[sflag:s12] =	ssyncadd.s32 $0xFFFFED40  }
0x2c: {  	[tilespmem:s14], [sflag:$0x1] =	stream.indirect.gather [hbm4b:s3+s13], $0x40, s2, s13, $0xb8;
	[tilespmem:$0x1B6C0] =	vst v63  }
0x2d: {  	_ =	swait.ge [sflag:s15], $0xC800  }
0x2e: {  	[sflag:s15] =	ssyncset.done $0x0  }
0x2f: {  	s23 =	simm.s32 $0x1400;
	[sflag:s15] =	ssyncadd.s32 $0xFFFF3800  }
0x30: {  	[tilespmem:s16], [sflag:$0x2] =	stream.indirect.gather [hbm4b:s3+s13], $0x40, s13, s13, $0xb8;
	[tilespmem:$0x1B6C0] =	vst v63  }
0x31: {  	v1 =	vld [tilespmem:s23+$0xFFFFFEC0]  }
0x32: {  	v2 =	vld [tilespmem:s23+$0x80]  }
0x33: {  	v3 =	vld [tilespmem:s23+$0x40]  }
0x34: {  	v4 =	vld [tilespmem:s23+$0x0]  }
0x35: {  	v5 =	vld [tilespmem:s23+$0xFFFFFFC0]  }
0x36: {  	v6 =	vld [tilespmem:s23+$0xFFFFFF80]  }
0x37: {  	v7 =	vld [tilespmem:s23+$0xFFFFFF40]  }
0x38: {  	v8 =	vld [tilespmem:s23+$0xFFFFFF00];
	_ =	sdelay $0x2  }
0x39: {  	v9 =	vld [tilespmem:s23+$0x100]  }
0x3a: {  	v47 =	vld [tilespmem:s23+$0xC0];
	v2 =	vadd.bf16 v2, v3;
	v3 =	vadd.bf16 v4, v5  }
0x3b: {  	v48 =	vadd.bf16 v6, v7;
	v1 =	vadd.bf16 v8, v1;
	_ =	sdelay $0x1  }
0x3c: {  	v1 =	vadd.bf16 v48, v1;
	v2 =	vadd.bf16 v2, v3;
	_ =	sdelay $0x1  }
0x3d: {  	v3 =	vadd.bf16 v9, v47;
	v1 =	vadd.bf16 v2, v1;
	_ =	sdelay $0x1  }
0x3e: {  	v1 =	vadd.bf16 v3, v1;
	_ =	sdelay $0x1  }
0x3f: {  	s24 =	simm.s32 $0x0;
	v1 =	vmax.bf16 v1, v0  }
0x40: {  	[tilespmem:s24+$0x1A2C0] =	vst v1  }
0x41: {  	v1 =	vld [tilespmem:s23+$0x90]  }
0x42: {  	v2 =	vld [tilespmem:s23+$0xFFFFFF90]  }
0x43: {  	v3 =	vld [tilespmem:s23+$0x10]  }
0x44: {  	v49 =	vld [tilespmem:s23+$0xFFFFFF50]  }
0x45: {  	v50 =	vld [tilespmem:s23+$0xFFFFFED0]  }
0x46: {  	v51 =	vld [tilespmem:s23+$0x50]  }
0x47: {  	v52 =	vld [tilespmem:s23+$0xFFFFFFD0]  }
0x48: {  	v53 =	vld [tilespmem:s23+$0xFFFFFF10];
	_ =	sdelay $0x2  }
0x49: {  	v54 =	vld [tilespmem:s23+$0x110]  }
0x4a: {  	v10 =	vld [tilespmem:s23+$0xD0];
	v2 =	vadd.bf16 v2, v49;
	v1 =	vadd.bf16 v1, v51  }
0x4b: {  	v3 =	vadd.bf16 v3, v52;
	v55 =	vadd.bf16 v53, v50;
	_ =	sdelay $0x1  }
0x4c: {  	v2 =	vadd.bf16 v2, v55;
	v1 =	vadd.bf16 v1, v3;
	_ =	sdelay $0x1  }
0x4d: {  	v3 =	vadd.bf16 v54, v10;
	v1 =	vadd.bf16 v1, v2;
	_ =	sdelay $0x1  }
0x4e: {  	v1 =	vadd.bf16 v3, v1;
	_ =	sdelay $0x1  }
0x4f: {  	v1 =	vmax.bf16 v1, v0  }
0x50: {  	[tilespmem:s24+$0x1A2D0] =	vst v1  }
0x51: {  	v1 =	vld [tilespmem:s23+$0xFFFFFFE0]  }
0x52: {  	v2 =	vld [tilespmem:s23+$0xA0]  }
0x53: {  	v3 =	vld [tilespmem:s23+$0x20]  }
0x54: {  	v56 =	vld [tilespmem:s23+$0x60]  }
0x55: {  	v57 =	vld [tilespmem:s23+$0xFFFFFF20]  }
0x56: {  	v58 =	vld [tilespmem:s23+$0xFFFFFEE0]  }
0x57: {  	v59 =	vld [tilespmem:s23+$0xFFFFFF60]  }
0x58: {  	v60 =	vld [tilespmem:s23+$0xFFFFFFA0];
	_ =	sdelay $0x2  }
0x59: {  	v61 =	vld [tilespmem:s23+$0x120]  }
0x5a: {  	v62 =	vld [tilespmem:s23+$0xE0];
	v1 =	vadd.bf16 v3, v1;
	v3 =	vadd.bf16 v57, v58  }
0x5b: {  	v2 =	vadd.bf16 v2, v56;
	v63 =	vadd.bf16 v60, v59;
	_ =	sdelay $0x1  }
0x5c: {  	v1 =	vadd.bf16 v2, v1;
	v2 =	vadd.bf16 v63, v3;
	_ =	sdelay $0x1  }
0x5d: {  	v3 =	vadd.bf16 v61, v62;
	v1 =	vadd.bf16 v1, v2;
	_ =	sdelay $0x1  }
0x5e: {  	v1 =	vadd.bf16 v3, v1;
	_ =	sdelay $0x1  }
0x5f: {  	v1 =	vmax.bf16 v1, v0  }
0x60: {  	s25 =	simm.s32 $0x100;
	s26 =	simm.s32 $0x1400;
	[tilespmem:s24+$0x1A2E0] =	vst v1  }
.LBB2_2:
0x61: {  	p1 =	sne.s32 s25, $0x4F00  }
0x62: {  	v1 =	vld [tilespmem:s23+$0x30];
	s26 =	sadd.s32 $0x280, s26;
	s28 =	smov.u32 s25;
	s25 =	sadd.s32 $0x100, s25  }
0x63: {  	v2 =	vld [tilespmem:s23+$0xB0]  }
0x64: {  	v3 =	vld [tilespmem:s23+$0xFFFFFFF0]  }
0x65: {  	v4 =	vld [tilespmem:s23+$0x70]  }
0x66: {  	v5 =	vld [tilespmem:s23+$0xFFFFFEF0]  }
0x67: {  	v6 =	vld [tilespmem:s23+$0xFFFFFFB0]  }
0x68: {  	v7 =	vld [tilespmem:s23+$0xFFFFFF30]  }
0x69: {  	v8 =	vld [tilespmem:s23+$0xFFFFFF70];
	v1 =	vadd.bf16 v1, v3  }
0x6a: {  	v2 =	vadd.bf16 v2, v4  }
0x6b: {  	v3 =	vld [tilespmem:s23+$0x130]  }
0x6c: {  	v4 =	vld [tilespmem:s23+$0xF0];
	s23 =	smov.u32 s26  }
0x6d: {  	v5 =	vadd.bf16 v7, v5  }
0x6e: {  	v6 =	vadd.bf16 v6, v8  }
0x6f: {  	v1 =	vadd.bf16 v2, v1  }
0x70: {  	v2 =	vadd.bf16 v6, v5  }
0x71: {  	v3 =	vadd.bf16 v3, v4  }
0x72: {  	v1 =	vadd.bf16 v1, v2;
	_ =	sdelay $0x1  }
0x73: {  	v1 =	vadd.bf16 v3, v1;
	_ =	sdelay $0x1  }
0x74: {  	v1 =	vmax.bf16 v1, v0  }
0x75: {  	[tilespmem:s24+$0x1A2F0] =	vst v1  }
0x76: {  	v1 =	vld [tilespmem:s26+$0xFFFFFEC0]  }
0x77: {  	v2 =	vld [tilespmem:s26+$0x80]  }
0x78: {  	v3 =	vld [tilespmem:s26+$0x40]  }
0x79: {  	v4 =	vld [tilespmem:s26+$0x0]  }
0x7a: {  	v5 =	vld [tilespmem:s26+$0xFFFFFFC0]  }
0x7b: {  	v6 =	vld [tilespmem:s26+$0xFFFFFF80]  }
0x7c: {  	v7 =	vld [tilespmem:s26+$0xFFFFFF40]  }
0x7d: {  	v8 =	vld [tilespmem:s26+$0xFFFFFF00];
	v2 =	vadd.bf16 v2, v3;
	_ =	sdelay $0x1  }
0x7e: {  	v3 =	vadd.bf16 v4, v5  }
0x7f: {  	v4 =	vld [tilespmem:s26+$0x100]  }
0x80: {  	v5 =	vld [tilespmem:s26+$0xC0];
	v6 =	vadd.bf16 v6, v7  }
0x81: {  	v1 =	vadd.bf16 v8, v1;
	_ =	sdelay $0x1  }
0x82: {  	v2 =	vadd.bf16 v2, v3;
	v1 =	vadd.bf16 v6, v1;
	_ =	sdelay $0x1  }
0x83: {  	v3 =	vadd.bf16 v4, v5;
	v1 =	vadd.bf16 v2, v1;
	_ =	sdelay $0x1  }
0x84: {  	v1 =	vadd.bf16 v3, v1;
	_ =	sdelay $0x1  }
0x85: {  	s24 =	sshra.s32 s28, $0x2;
	v1 =	vmax.bf16 v1, v0  }
0x86: {  	[tilespmem:s24+$0x1A2C0] =	vst v1  }
0x87: {  	v1 =	vld [tilespmem:s26+$0x90]  }
0x88: {  	v2 =	vld [tilespmem:s26+$0xFFFFFF90]  }
0x89: {  	v3 =	vld [tilespmem:s26+$0x10]  }
0x8a: {  	v4 =	vld [tilespmem:s26+$0xFFFFFF50]  }
0x8b: {  	v5 =	vld [tilespmem:s26+$0xFFFFFED0]  }
0x8c: {  	v6 =	vld [tilespmem:s26+$0x50]  }
0x8d: {  	v7 =	vld [tilespmem:s26+$0xFFFFFFD0]  }
0x8e: {  	v8 =	vld [tilespmem:s26+$0xFFFFFF10];
	_ =	sdelay $0x1  }
0x8f: {  	v9 =	vld [tilespmem:s26+$0x110]  }
0x90: {  	v2 =	vadd.bf16 v2, v4;
	v10 =	vld [tilespmem:s26+$0xD0];
	v1 =	vadd.bf16 v1, v6  }
0x91: {  	v3 =	vadd.bf16 v3, v7  }
0x92: {  	v4 =	vadd.bf16 v8, v5;
	_ =	sdelay $0x1  }
0x93: {  	v1 =	vadd.bf16 v1, v3;
	v2 =	vadd.bf16 v2, v4  }
0x94: {  	v3 =	vadd.bf16 v9, v10  }
0x95: {  	v1 =	vadd.bf16 v1, v2;
	_ =	sdelay $0x1  }
0x96: {  	v1 =	vadd.bf16 v3, v1;
	_ =	sdelay $0x1  }
0x97: {  	v1 =	vmax.bf16 v1, v0  }
0x98: {  	[tilespmem:s24+$0x1A2D0] =	vst v1  }
0x99: {  	v1 =	vld [tilespmem:s26+$0xFFFFFFE0]  }
0x9a: {  	v2 =	vld [tilespmem:s26+$0xA0]  }
0x9b: {  	v3 =	vld [tilespmem:s26+$0x20]  }
0x9c: {  	v4 =	vld [tilespmem:s26+$0x60]  }
0x9d: {  	v5 =	vld [tilespmem:s26+$0xFFFFFF20]  }
0x9e: {  	v6 =	vld [tilespmem:s26+$0xFFFFFEE0]  }
0x9f: {  	v7 =	vld [tilespmem:s26+$0xFFFFFF60]  }
0xa0: {  	v8 =	vld [tilespmem:s26+$0xFFFFFFA0];
	v1 =	vadd.bf16 v3, v1;
	_ =	sdelay $0x2  }
0xa1: {  	v2 =	vadd.bf16 v2, v4;
	v3 =	vld [tilespmem:s26+$0x120];
	v5 =	vadd.bf16 v5, v6  }
0xa2: {  	v4 =	vld [tilespmem:s26+$0xE0]  }
0xa3: {  	v6 =	vadd.bf16 v8, v7  }
0xa4: {  	v1 =	vadd.bf16 v2, v1  }
0xa5: {  	v2 =	vadd.bf16 v6, v5;
	_ =	sdelay $0x1  }
0xa6: {  	v3 =	vadd.bf16 v3, v4;
	v1 =	vadd.bf16 v1, v2  }
.Ltmp2:
0xa7: {  	(pc) =	sbr.rel @p1 .LBB2_2-.Ltmp2, $3  }
0xa8: {  	v1 =	vadd.bf16 v3, v1;
	_ =	sdelay $0x1  }
0xa9: {  	v1 =	vmax.bf16 v1, v0  }
0xaa: {  	[tilespmem:s24+$0x1A2E0] =	vst v1  }
0xab: {  	v1 =	vld [tilespmem:s23+$0x30]  }
0xac: {  	v2 =	vld [tilespmem:s23+$0xB0]  }
0xad: {  	v3 =	vld [tilespmem:s23+$0xFFFFFFF0]  }
0xae: {  	v4 =	vld [tilespmem:s23+$0x70]  }
0xaf: {  	v5 =	vld [tilespmem:s23+$0xFFFFFEF0]  }
0xb0: {  	v6 =	vld [tilespmem:s23+$0xFFFFFFB0]  }
0xb1: {  	v7 =	vld [tilespmem:s23+$0xFFFFFF30]  }
0xb2: {  	v8 =	vld [tilespmem:s23+$0xFFFFFF70];
	_ =	sdelay $0x2  }
0xb3: {  	v9 =	vld [tilespmem:s23+$0x130]  }
0xb4: {  	v1 =	vadd.bf16 v1, v3;
	v2 =	vadd.bf16 v2, v4;
	v3 =	vld [tilespmem:s23+$0xF0]  }
0xb5: {  	v39 =	vadd.bf16 v7, v5;
	v40 =	vadd.bf16 v6, v8;
	_ =	sdelay $0x1  }
0xb6: {  	v1 =	vadd.bf16 v2, v1;
	v2 =	vadd.bf16 v40, v39;
	_ =	sdelay $0x1  }
0xb7: {  	v1 =	vadd.bf16 v1, v2;
	v3 =	vadd.bf16 v9, v3;
	_ =	sdelay $0x1  }
0xb8: {  	v1 =	vadd.bf16 v3, v1;
	_ =	sdelay $0x1  }
0xb9: {  	v1 =	vmax.bf16 v1, v0  }
0xba: {  	[tilespmem:s24+$0x1A2F0] =	vst v1  }
0xbb: {  	[hbm4b:s5+s2] =	stream.linear.scatter [tilespmem:s17], [sflag:$0x3], $0x1400, $0x38;
	[tilespmem:$0x1B6C0] =	vst v63  }
0xbc: {  	_ =	swait.ge [sflag:s12], $0x1400  }
0xbd: {  	[sflag:s12] =	ssyncset.done $0x0  }
0xbe: {  	[sflag:s12] =	ssyncadd.s32 $0xFFFFEC00  }
0xbf: {  	_ =	swait.ge [sflag:s18], $0xC800  }
0xc0: {  	s25 =	simm.s32 @!p0 $0x12C0;
	[sflag:s18] =	ssyncset.done $0x0  }
0xc1: {  	s23 =	simm.s32 @!p0 $0x320;
	s24 =	simm.s32 @!p0 $0x640;
	[sflag:s18] =	ssyncadd.s32 $0xFFFF3800  }
0xc2: {  	[tilespmem:s25], [sflag:$0x1] =	stream.indirect.gather @!p0 [hbm4b:s3+s23], $0x40, s24, s23, $0xb8;
	[tilespmem:$0x1B6C0] =	vst v63  }
0xc3: {  	s23 =	simm.s32 $0xDC00  }
0xc4: {  	v1 =	vld [tilespmem:s23+$0xFFFFFEC0]  }
0xc5: {  	v2 =	vld [tilespmem:s23+$0x80]  }
0xc6: {  	v3 =	vld [tilespmem:s23+$0x40]  }
0xc7: {  	v41 =	vld [tilespmem:s23+$0x0]  }
0xc8: {  	v42 =	vld [tilespmem:s23+$0xFFFFFFC0]  }
0xc9: {  	v43 =	vld [tilespmem:s23+$0xFFFFFF80]  }
0xca: {  	v44 =	vld [tilespmem:s23+$0xFFFFFF40]  }
0xcb: {  	v45 =	vld [tilespmem:s23+$0xFFFFFF00];
	_ =	sdelay $0x2  }
0xcc: {  	v46 =	vld [tilespmem:s23+$0x100]  }
0xcd: {  	v47 =	vld [tilespmem:s23+$0xC0];
	v2 =	vadd.bf16 v2, v3;
	v3 =	vadd.bf16 v41, v42  }
0xce: {  	v48 =	vadd.bf16 v43, v44;
	v1 =	vadd.bf16 v45, v1;
	_ =	sdelay $0x1  }
0xcf: {  	v1 =	vadd.bf16 v48, v1;
	v2 =	vadd.bf16 v2, v3;
	_ =	sdelay $0x1  }
0xd0: {  	v3 =	vadd.bf16 v46, v47;
	v1 =	vadd.bf16 v2, v1;
	_ =	sdelay $0x1  }
0xd1: {  	v1 =	vadd.bf16 v3, v1;
	_ =	sdelay $0x1  }
0xd2: {  	s24 =	simm.s32 $0x0;
	v1 =	vmax.bf16 v1, v0  }
0xd3: {  	[tilespmem:s24+$0x1A2C0] =	vst v1  }
0xd4: {  	v1 =	vld [tilespmem:s23+$0x90]  }
0xd5: {  	v2 =	vld [tilespmem:s23+$0xFFFFFF90]  }
0xd6: {  	v3 =	vld [tilespmem:s23+$0x10]  }
0xd7: {  	v49 =	vld [tilespmem:s23+$0xFFFFFF50]  }
0xd8: {  	v50 =	vld [tilespmem:s23+$0xFFFFFED0]  }
0xd9: {  	v51 =	vld [tilespmem:s23+$0x50]  }
0xda: {  	v52 =	vld [tilespmem:s23+$0xFFFFFFD0]  }
0xdb: {  	v53 =	vld [tilespmem:s23+$0xFFFFFF10];
	_ =	sdelay $0x2  }
0xdc: {  	v54 =	vld [tilespmem:s23+$0x110]  }
0xdd: {  	v10 =	vld [tilespmem:s23+$0xD0];
	v2 =	vadd.bf16 v2, v49;
	v1 =	vadd.bf16 v1, v51  }
0xde: {  	v3 =	vadd.bf16 v3, v52;
	v55 =	vadd.bf16 v53, v50;
	_ =	sdelay $0x1  }
0xdf: {  	v2 =	vadd.bf16 v2, v55;
	v1 =	vadd.bf16 v1, v3;
	_ =	sdelay $0x1  }
0xe0: {  	v3 =	vadd.bf16 v54, v10;
	v1 =	vadd.bf16 v1, v2;
	_ =	sdelay $0x1  }
0xe1: {  	v1 =	vadd.bf16 v3, v1;
	_ =	sdelay $0x1  }
0xe2: {  	v1 =	vmax.bf16 v1, v0  }
0xe3: {  	[tilespmem:s24+$0x1A2D0] =	vst v1  }
0xe4: {  	v1 =	vld [tilespmem:s23+$0xFFFFFFE0]  }
0xe5: {  	v2 =	vld [tilespmem:s23+$0xA0]  }
0xe6: {  	v3 =	vld [tilespmem:s23+$0x20]  }
0xe7: {  	v56 =	vld [tilespmem:s23+$0x60]  }
0xe8: {  	v57 =	vld [tilespmem:s23+$0xFFFFFF20]  }
0xe9: {  	v58 =	vld [tilespmem:s23+$0xFFFFFEE0]  }
0xea: {  	v59 =	vld [tilespmem:s23+$0xFFFFFF60]  }
0xeb: {  	v60 =	vld [tilespmem:s23+$0xFFFFFFA0];
	_ =	sdelay $0x2  }
0xec: {  	v61 =	vld [tilespmem:s23+$0x120]  }
0xed: {  	v62 =	vld [tilespmem:s23+$0xE0];
	v1 =	vadd.bf16 v3, v1;
	v3 =	vadd.bf16 v57, v58  }
0xee: {  	v2 =	vadd.bf16 v2, v56;
	v63 =	vadd.bf16 v60, v59;
	_ =	sdelay $0x1  }
0xef: {  	v1 =	vadd.bf16 v2, v1;
	v2 =	vadd.bf16 v63, v3;
	_ =	sdelay $0x1  }
0xf0: {  	v3 =	vadd.bf16 v61, v62;
	v1 =	vadd.bf16 v1, v2;
	_ =	sdelay $0x1  }
0xf1: {  	v1 =	vadd.bf16 v3, v1;
	_ =	sdelay $0x1  }
0xf2: {  	v1 =	vmax.bf16 v1, v0  }
0xf3: {  	s26 =	simm.s32 $0xDC00;
	s25 =	simm.s32 $0x100;
	[tilespmem:s24+$0x1A2E0] =	vst v1  }
.LBB2_4:
0xf4: {  	p1 =	sne.s32 s25, $0x4F00  }
0xf5: {  	v1 =	vld [tilespmem:s23+$0x30];
	s26 =	sadd.s32 $0x280, s26;
	s28 =	smov.u32 s25;
	s25 =	sadd.s32 $0x100, s25  }
0xf6: {  	v2 =	vld [tilespmem:s23+$0xB0]  }
0xf7: {  	v3 =	vld [tilespmem:s23+$0xFFFFFFF0]  }
0xf8: {  	v4 =	vld [tilespmem:s23+$0x70]  }
0xf9: {  	v5 =	vld [tilespmem:s23+$0xFFFFFEF0]  }
0xfa: {  	v6 =	vld [tilespmem:s23+$0xFFFFFFB0]  }
0xfb: {  	v7 =	vld [tilespmem:s23+$0xFFFFFF30]  }
0xfc: {  	v8 =	vld [tilespmem:s23+$0xFFFFFF70];
	v1 =	vadd.bf16 v1, v3  }
0xfd: {  	v2 =	vadd.bf16 v2, v4  }
0xfe: {  	v3 =	vld [tilespmem:s23+$0x130]  }
0xff: {  	v4 =	vld [tilespmem:s23+$0xF0];
	s23 =	smov.u32 s26  }
0x100: {  	v5 =	vadd.bf16 v7, v5  }
0x101: {  	v6 =	vadd.bf16 v6, v8  }
0x102: {  	v1 =	vadd.bf16 v2, v1  }
0x103: {  	v2 =	vadd.bf16 v6, v5  }
0x104: {  	v3 =	vadd.bf16 v3, v4  }
0x105: {  	v1 =	vadd.bf16 v1, v2;
	_ =	sdelay $0x1  }
0x106: {  	v1 =	vadd.bf16 v3, v1;
	_ =	sdelay $0x1  }
0x107: {  	v1 =	vmax.bf16 v1, v0  }
0x108: {  	[tilespmem:s24+$0x1A2F0] =	vst v1  }
0x109: {  	v1 =	vld [tilespmem:s26+$0xFFFFFEC0]  }
0x10a: {  	v2 =	vld [tilespmem:s26+$0x80]  }
0x10b: {  	v3 =	vld [tilespmem:s26+$0x40]  }
0x10c: {  	v4 =	vld [tilespmem:s26+$0x0]  }
0x10d: {  	v5 =	vld [tilespmem:s26+$0xFFFFFFC0]  }
0x10e: {  	v6 =	vld [tilespmem:s26+$0xFFFFFF80]  }
0x10f: {  	v7 =	vld [tilespmem:s26+$0xFFFFFF40]  }
0x110: {  	v8 =	vld [tilespmem:s26+$0xFFFFFF00];
	v2 =	vadd.bf16 v2, v3;
	_ =	sdelay $0x1  }
0x111: {  	v3 =	vadd.bf16 v4, v5  }
0x112: {  	v4 =	vld [tilespmem:s26+$0x100]  }
0x113: {  	v5 =	vld [tilespmem:s26+$0xC0];
	v6 =	vadd.bf16 v6, v7  }
0x114: {  	v1 =	vadd.bf16 v8, v1;
	_ =	sdelay $0x1  }
0x115: {  	v2 =	vadd.bf16 v2, v3;
	v1 =	vadd.bf16 v6, v1;
	_ =	sdelay $0x1  }
0x116: {  	v3 =	vadd.bf16 v4, v5;
	v1 =	vadd.bf16 v2, v1;
	_ =	sdelay $0x1  }
0x117: {  	v1 =	vadd.bf16 v3, v1;
	_ =	sdelay $0x1  }
0x118: {  	s24 =	sshra.s32 s28, $0x2;
	v1 =	vmax.bf16 v1, v0  }
0x119: {  	[tilespmem:s24+$0x1A2C0] =	vst v1  }
0x11a: {  	v1 =	vld [tilespmem:s26+$0x90]  }
0x11b: {  	v2 =	vld [tilespmem:s26+$0xFFFFFF90]  }
0x11c: {  	v3 =	vld [tilespmem:s26+$0x10]  }
0x11d: {  	v4 =	vld [tilespmem:s26+$0xFFFFFF50]  }
0x11e: {  	v5 =	vld [tilespmem:s26+$0xFFFFFED0]  }
0x11f: {  	v6 =	vld [tilespmem:s26+$0x50]  }
0x120: {  	v7 =	vld [tilespmem:s26+$0xFFFFFFD0]  }
0x121: {  	v8 =	vld [tilespmem:s26+$0xFFFFFF10];
	_ =	sdelay $0x1  }
0x122: {  	v9 =	vld [tilespmem:s26+$0x110]  }
0x123: {  	v2 =	vadd.bf16 v2, v4;
	v10 =	vld [tilespmem:s26+$0xD0];
	v1 =	vadd.bf16 v1, v6  }
0x124: {  	v3 =	vadd.bf16 v3, v7  }
0x125: {  	v4 =	vadd.bf16 v8, v5;
	_ =	sdelay $0x1  }
0x126: {  	v1 =	vadd.bf16 v1, v3;
	v2 =	vadd.bf16 v2, v4  }
0x127: {  	v3 =	vadd.bf16 v9, v10  }
0x128: {  	v1 =	vadd.bf16 v1, v2;
	_ =	sdelay $0x1  }
0x129: {  	v1 =	vadd.bf16 v3, v1;
	_ =	sdelay $0x1  }
0x12a: {  	v1 =	vmax.bf16 v1, v0  }
0x12b: {  	[tilespmem:s24+$0x1A2D0] =	vst v1  }
0x12c: {  	v1 =	vld [tilespmem:s26+$0xFFFFFFE0]  }
0x12d: {  	v2 =	vld [tilespmem:s26+$0xA0]  }
0x12e: {  	v3 =	vld [tilespmem:s26+$0x20]  }
0x12f: {  	v4 =	vld [tilespmem:s26+$0x60]  }
0x130: {  	v5 =	vld [tilespmem:s26+$0xFFFFFF20]  }
0x131: {  	v6 =	vld [tilespmem:s26+$0xFFFFFEE0]  }
0x132: {  	v7 =	vld [tilespmem:s26+$0xFFFFFF60]  }
0x133: {  	v8 =	vld [tilespmem:s26+$0xFFFFFFA0];
	v1 =	vadd.bf16 v3, v1;
	_ =	sdelay $0x2  }
0x134: {  	v2 =	vadd.bf16 v2, v4;
	v3 =	vld [tilespmem:s26+$0x120];
	v5 =	vadd.bf16 v5, v6  }
0x135: {  	v4 =	vld [tilespmem:s26+$0xE0]  }
0x136: {  	v6 =	vadd.bf16 v8, v7  }
0x137: {  	v1 =	vadd.bf16 v2, v1  }
0x138: {  	v2 =	vadd.bf16 v6, v5;
	_ =	sdelay $0x1  }
0x139: {  	v3 =	vadd.bf16 v3, v4;
	v1 =	vadd.bf16 v1, v2  }
.Ltmp3:
0x13a: {  	(pc) =	sbr.rel @p1 .LBB2_4-.Ltmp3, $3  }
0x13b: {  	v1 =	vadd.bf16 v3, v1;
	_ =	sdelay $0x1  }
0x13c: {  	v1 =	vmax.bf16 v1, v0  }
0x13d: {  	[tilespmem:s24+$0x1A2E0] =	vst v1  }
0x13e: {  	v1 =	vld [tilespmem:s23+$0x30]  }
0x13f: {  	v2 =	vld [tilespmem:s23+$0xB0]  }
0x140: {  	v3 =	vld [tilespmem:s23+$0xFFFFFFF0]  }
0x141: {  	v4 =	vld [tilespmem:s23+$0x70]  }
0x142: {  	v5 =	vld [tilespmem:s23+$0xFFFFFEF0]  }
0x143: {  	v6 =	vld [tilespmem:s23+$0xFFFFFFB0]  }
0x144: {  	v7 =	vld [tilespmem:s23+$0xFFFFFF30]  }
0x145: {  	v8 =	vld [tilespmem:s23+$0xFFFFFF70];
	_ =	sdelay $0x2  }
0x146: {  	v9 =	vld [tilespmem:s23+$0x130]  }
0x147: {  	v1 =	vadd.bf16 v1, v3;
	v2 =	vadd.bf16 v2, v4;
	v3 =	vld [tilespmem:s23+$0xF0]  }
0x148: {  	v62 =	vadd.bf16 v7, v5;
	v63 =	vadd.bf16 v6, v8;
	_ =	sdelay $0x1  }
0x149: {  	v1 =	vadd.bf16 v2, v1;
	v2 =	vadd.bf16 v63, v62;
	_ =	sdelay $0x1  }
0x14a: {  	v1 =	vadd.bf16 v1, v2;
	v3 =	vadd.bf16 v9, v3;
	_ =	sdelay $0x1  }
0x14b: {  	v1 =	vadd.bf16 v3, v1;
	_ =	sdelay $0x1  }
0x14c: {  	v1 =	vmax.bf16 v1, v0  }
.Ltmp4:
0x14d: {  	[tilespmem:s24+$0x1A2F0] =	vst v1;
	(pc) =	sbr.rel @p0 .LBB2_15-.Ltmp4, $4  }
0x14e: {  	[hbm4b:s6+s2] =	stream.linear.scatter [tilespmem:s17], [sflag:$0x3], $0x1400, $0x38;
	[tilespmem:$0x1B6C0] =	vst v63  }
0x14f: {  	_ =	swait.ge [sflag:s12], $0x1400  }
0x150: {  	[sflag:s12] =	ssyncset.done $0x0  }
0x151: {  	[sflag:s12] =	ssyncadd.s32 $0xFFFFEC00  }
0x152: {  	_ =	swait.ge [sflag:s15], $0xC800  }
0x153: {  	[sflag:s15] =	ssyncset.done $0x0  }
0x154: {  	s23 =	simm.s32 $0x1400;
	[sflag:s15] =	ssyncadd.s32 $0xFFFF3800  }
0x155: {  	[tilespmem:s16], [sflag:$0x2] =	stream.indirect.gather [hbm4b:s3+s13], $0x40, s19, s13, $0xb8;
	[tilespmem:$0x1B6C0] =	vst v63  }
0x156: {  	v1 =	vld [tilespmem:s23+$0xFFFFFEC0]  }
0x157: {  	v2 =	vld [tilespmem:s23+$0x80]  }
0x158: {  	v3 =	vld [tilespmem:s23+$0x40]  }
0x159: {  	v4 =	vld [tilespmem:s23+$0x0]  }
0x15a: {  	v5 =	vld [tilespmem:s23+$0xFFFFFFC0]  }
0x15b: {  	v6 =	vld [tilespmem:s23+$0xFFFFFF80]  }
0x15c: {  	v7 =	vld [tilespmem:s23+$0xFFFFFF40]  }
0x15d: {  	v8 =	vld [tilespmem:s23+$0xFFFFFF00];
	_ =	sdelay $0x2  }
0x15e: {  	v9 =	vld [tilespmem:s23+$0x100]  }
0x15f: {  	v47 =	vld [tilespmem:s23+$0xC0];
	v2 =	vadd.bf16 v2, v3;
	v3 =	vadd.bf16 v4, v5  }
0x160: {  	v48 =	vadd.bf16 v6, v7;
	v1 =	vadd.bf16 v8, v1;
	_ =	sdelay $0x1  }
0x161: {  	v1 =	vadd.bf16 v48, v1;
	v2 =	vadd.bf16 v2, v3;
	_ =	sdelay $0x1  }
0x162: {  	v3 =	vadd.bf16 v9, v47;
	v1 =	vadd.bf16 v2, v1;
	_ =	sdelay $0x1  }
0x163: {  	v1 =	vadd.bf16 v3, v1;
	_ =	sdelay $0x1  }
0x164: {  	s24 =	simm.s32 $0x0;
	v1 =	vmax.bf16 v1, v0  }
0x165: {  	[tilespmem:s24+$0x1A2C0] =	vst v1  }
0x166: {  	v1 =	vld [tilespmem:s23+$0x90]  }
0x167: {  	v2 =	vld [tilespmem:s23+$0xFFFFFF90]  }
0x168: {  	v3 =	vld [tilespmem:s23+$0x10]  }
0x169: {  	v49 =	vld [tilespmem:s23+$0xFFFFFF50]  }
0x16a: {  	v50 =	vld [tilespmem:s23+$0xFFFFFED0]  }
0x16b: {  	v51 =	vld [tilespmem:s23+$0x50]  }
0x16c: {  	v52 =	vld [tilespmem:s23+$0xFFFFFFD0]  }
0x16d: {  	v53 =	vld [tilespmem:s23+$0xFFFFFF10];
	_ =	sdelay $0x2  }
0x16e: {  	v54 =	vld [tilespmem:s23+$0x110]  }
0x16f: {  	v10 =	vld [tilespmem:s23+$0xD0];
	v2 =	vadd.bf16 v2, v49;
	v1 =	vadd.bf16 v1, v51  }
0x170: {  	v3 =	vadd.bf16 v3, v52;
	v55 =	vadd.bf16 v53, v50;
	_ =	sdelay $0x1  }
0x171: {  	v2 =	vadd.bf16 v2, v55;
	v1 =	vadd.bf16 v1, v3;
	_ =	sdelay $0x1  }
0x172: {  	v3 =	vadd.bf16 v54, v10;
	v1 =	vadd.bf16 v1, v2;
	_ =	sdelay $0x1  }
0x173: {  	v1 =	vadd.bf16 v3, v1;
	_ =	sdelay $0x1  }
0x174: {  	v1 =	vmax.bf16 v1, v0  }
0x175: {  	[tilespmem:s24+$0x1A2D0] =	vst v1  }
0x176: {  	v1 =	vld [tilespmem:s23+$0xFFFFFFE0]  }
0x177: {  	v2 =	vld [tilespmem:s23+$0xA0]  }
0x178: {  	v3 =	vld [tilespmem:s23+$0x20]  }
0x179: {  	v56 =	vld [tilespmem:s23+$0x60]  }
0x17a: {  	v57 =	vld [tilespmem:s23+$0xFFFFFF20]  }
0x17b: {  	v58 =	vld [tilespmem:s23+$0xFFFFFEE0]  }
0x17c: {  	v59 =	vld [tilespmem:s23+$0xFFFFFF60]  }
0x17d: {  	v60 =	vld [tilespmem:s23+$0xFFFFFFA0];
	_ =	sdelay $0x2  }
0x17e: {  	v61 =	vld [tilespmem:s23+$0x120]  }
0x17f: {  	v62 =	vld [tilespmem:s23+$0xE0];
	v1 =	vadd.bf16 v3, v1;
	v3 =	vadd.bf16 v57, v58  }
0x180: {  	v2 =	vadd.bf16 v2, v56;
	v63 =	vadd.bf16 v60, v59;
	_ =	sdelay $0x1  }
0x181: {  	v1 =	vadd.bf16 v2, v1;
	v2 =	vadd.bf16 v63, v3;
	_ =	sdelay $0x1  }
0x182: {  	v3 =	vadd.bf16 v61, v62;
	v1 =	vadd.bf16 v1, v2;
	_ =	sdelay $0x1  }
0x183: {  	v1 =	vadd.bf16 v3, v1;
	_ =	sdelay $0x1  }
0x184: {  	v1 =	vmax.bf16 v1, v0  }
0x185: {  	s25 =	simm.s32 $0x100;
	s26 =	simm.s32 $0x1400;
	[tilespmem:s24+$0x1A2E0] =	vst v1  }
.LBB2_7:
0x186: {  	p1 =	sne.s32 s25, $0x4F00  }
0x187: {  	v1 =	vld [tilespmem:s23+$0x30];
	s26 =	sadd.s32 $0x280, s26;
	s28 =	smov.u32 s25;
	s25 =	sadd.s32 $0x100, s25  }
0x188: {  	v2 =	vld [tilespmem:s23+$0xB0]  }
0x189: {  	v3 =	vld [tilespmem:s23+$0xFFFFFFF0]  }
0x18a: {  	v4 =	vld [tilespmem:s23+$0x70]  }
0x18b: {  	v5 =	vld [tilespmem:s23+$0xFFFFFEF0]  }
0x18c: {  	v6 =	vld [tilespmem:s23+$0xFFFFFFB0]  }
0x18d: {  	v7 =	vld [tilespmem:s23+$0xFFFFFF30]  }
0x18e: {  	v8 =	vld [tilespmem:s23+$0xFFFFFF70];
	v1 =	vadd.bf16 v1, v3  }
0x18f: {  	v2 =	vadd.bf16 v2, v4  }
0x190: {  	v3 =	vld [tilespmem:s23+$0x130]  }
0x191: {  	v4 =	vld [tilespmem:s23+$0xF0];
	s23 =	smov.u32 s26  }
0x192: {  	v5 =	vadd.bf16 v7, v5  }
0x193: {  	v6 =	vadd.bf16 v6, v8  }
0x194: {  	v1 =	vadd.bf16 v2, v1  }
0x195: {  	v2 =	vadd.bf16 v6, v5  }
0x196: {  	v3 =	vadd.bf16 v3, v4  }
0x197: {  	v1 =	vadd.bf16 v1, v2;
	_ =	sdelay $0x1  }
0x198: {  	v1 =	vadd.bf16 v3, v1;
	_ =	sdelay $0x1  }
0x199: {  	v1 =	vmax.bf16 v1, v0  }
0x19a: {  	[tilespmem:s24+$0x1A2F0] =	vst v1  }
0x19b: {  	v1 =	vld [tilespmem:s26+$0xFFFFFEC0]  }
0x19c: {  	v2 =	vld [tilespmem:s26+$0x80]  }
0x19d: {  	v3 =	vld [tilespmem:s26+$0x40]  }
0x19e: {  	v4 =	vld [tilespmem:s26+$0x0]  }
0x19f: {  	v5 =	vld [tilespmem:s26+$0xFFFFFFC0]  }
0x1a0: {  	v6 =	vld [tilespmem:s26+$0xFFFFFF80]  }
0x1a1: {  	v7 =	vld [tilespmem:s26+$0xFFFFFF40]  }
0x1a2: {  	v8 =	vld [tilespmem:s26+$0xFFFFFF00];
	v2 =	vadd.bf16 v2, v3;
	_ =	sdelay $0x1  }
0x1a3: {  	v3 =	vadd.bf16 v4, v5  }
0x1a4: {  	v4 =	vld [tilespmem:s26+$0x100]  }
0x1a5: {  	v5 =	vld [tilespmem:s26+$0xC0];
	v6 =	vadd.bf16 v6, v7  }
0x1a6: {  	v1 =	vadd.bf16 v8, v1;
	_ =	sdelay $0x1  }
0x1a7: {  	v2 =	vadd.bf16 v2, v3;
	v1 =	vadd.bf16 v6, v1;
	_ =	sdelay $0x1  }
0x1a8: {  	v3 =	vadd.bf16 v4, v5;
	v1 =	vadd.bf16 v2, v1;
	_ =	sdelay $0x1  }
0x1a9: {  	v1 =	vadd.bf16 v3, v1;
	_ =	sdelay $0x1  }
0x1aa: {  	s24 =	sshra.s32 s28, $0x2;
	v1 =	vmax.bf16 v1, v0  }
0x1ab: {  	[tilespmem:s24+$0x1A2C0] =	vst v1  }
0x1ac: {  	v1 =	vld [tilespmem:s26+$0x90]  }
0x1ad: {  	v2 =	vld [tilespmem:s26+$0xFFFFFF90]  }
0x1ae: {  	v3 =	vld [tilespmem:s26+$0x10]  }
0x1af: {  	v4 =	vld [tilespmem:s26+$0xFFFFFF50]  }
0x1b0: {  	v5 =	vld [tilespmem:s26+$0xFFFFFED0]  }
0x1b1: {  	v6 =	vld [tilespmem:s26+$0x50]  }
0x1b2: {  	v7 =	vld [tilespmem:s26+$0xFFFFFFD0]  }
0x1b3: {  	v8 =	vld [tilespmem:s26+$0xFFFFFF10];
	_ =	sdelay $0x1  }
0x1b4: {  	v9 =	vld [tilespmem:s26+$0x110]  }
0x1b5: {  	v2 =	vadd.bf16 v2, v4;
	v10 =	vld [tilespmem:s26+$0xD0];
	v1 =	vadd.bf16 v1, v6  }
0x1b6: {  	v3 =	vadd.bf16 v3, v7  }
0x1b7: {  	v4 =	vadd.bf16 v8, v5;
	_ =	sdelay $0x1  }
0x1b8: {  	v1 =	vadd.bf16 v1, v3;
	v2 =	vadd.bf16 v2, v4  }
0x1b9: {  	v3 =	vadd.bf16 v9, v10  }
0x1ba: {  	v1 =	vadd.bf16 v1, v2;
	_ =	sdelay $0x1  }
0x1bb: {  	v1 =	vadd.bf16 v3, v1;
	_ =	sdelay $0x1  }
0x1bc: {  	v1 =	vmax.bf16 v1, v0  }
0x1bd: {  	[tilespmem:s24+$0x1A2D0] =	vst v1  }
0x1be: {  	v1 =	vld [tilespmem:s26+$0xFFFFFFE0]  }
0x1bf: {  	v2 =	vld [tilespmem:s26+$0xA0]  }
0x1c0: {  	v3 =	vld [tilespmem:s26+$0x20]  }
0x1c1: {  	v4 =	vld [tilespmem:s26+$0x60]  }
0x1c2: {  	v5 =	vld [tilespmem:s26+$0xFFFFFF20]  }
0x1c3: {  	v6 =	vld [tilespmem:s26+$0xFFFFFEE0]  }
0x1c4: {  	v7 =	vld [tilespmem:s26+$0xFFFFFF60]  }
0x1c5: {  	v8 =	vld [tilespmem:s26+$0xFFFFFFA0];
	v1 =	vadd.bf16 v3, v1;
	_ =	sdelay $0x2  }
0x1c6: {  	v2 =	vadd.bf16 v2, v4;
	v3 =	vld [tilespmem:s26+$0x120];
	v5 =	vadd.bf16 v5, v6  }
0x1c7: {  	v4 =	vld [tilespmem:s26+$0xE0]  }
0x1c8: {  	v6 =	vadd.bf16 v8, v7  }
0x1c9: {  	v1 =	vadd.bf16 v2, v1  }
0x1ca: {  	v2 =	vadd.bf16 v6, v5;
	_ =	sdelay $0x1  }
0x1cb: {  	v3 =	vadd.bf16 v3, v4;
	v1 =	vadd.bf16 v1, v2  }
.Ltmp5:
0x1cc: {  	(pc) =	sbr.rel @p1 .LBB2_7-.Ltmp5, $3  }
0x1cd: {  	v1 =	vadd.bf16 v3, v1;
	_ =	sdelay $0x1  }
0x1ce: {  	v1 =	vmax.bf16 v1, v0  }
0x1cf: {  	[tilespmem:s24+$0x1A2E0] =	vst v1  }
0x1d0: {  	v1 =	vld [tilespmem:s23+$0x30]  }
0x1d1: {  	v2 =	vld [tilespmem:s23+$0xB0]  }
0x1d2: {  	v3 =	vld [tilespmem:s23+$0xFFFFFFF0]  }
0x1d3: {  	v4 =	vld [tilespmem:s23+$0x70]  }
0x1d4: {  	v5 =	vld [tilespmem:s23+$0xFFFFFEF0]  }
0x1d5: {  	v6 =	vld [tilespmem:s23+$0xFFFFFFB0]  }
0x1d6: {  	v7 =	vld [tilespmem:s23+$0xFFFFFF30]  }
0x1d7: {  	v8 =	vld [tilespmem:s23+$0xFFFFFF70];
	_ =	sdelay $0x2  }
0x1d8: {  	v9 =	vld [tilespmem:s23+$0x130]  }
0x1d9: {  	v1 =	vadd.bf16 v1, v3;
	v2 =	vadd.bf16 v2, v4;
	v3 =	vld [tilespmem:s23+$0xF0]  }
0x1da: {  	v39 =	vadd.bf16 v7, v5;
	v40 =	vadd.bf16 v6, v8;
	_ =	sdelay $0x1  }
0x1db: {  	v1 =	vadd.bf16 v2, v1;
	v2 =	vadd.bf16 v40, v39;
	_ =	sdelay $0x1  }
0x1dc: {  	v1 =	vadd.bf16 v1, v2;
	v3 =	vadd.bf16 v9, v3;
	_ =	sdelay $0x1  }
0x1dd: {  	v1 =	vadd.bf16 v3, v1;
	_ =	sdelay $0x1  }
0x1de: {  	v1 =	vmax.bf16 v1, v0  }
0x1df: {  	s31 =	simm.s32 $0x0;
	[tilespmem:s24+$0x1A2F0] =	vst v1  }
0x1e0: {  	[hbm4b:s7+s31] =	stream.linear.scatter [tilespmem:s17], [sflag:$0x3], $0x1400, $0x38;
	[tilespmem:$0x1B6C0] =	vst v63  }
0x1e1: {  	_ =	swait.ge [sflag:s12], $0x1400  }
0x1e2: {  	[sflag:s12] =	ssyncset.done $0x0  }
0x1e3: {  	[sflag:s12] =	ssyncadd.s32 $0xFFFFEC00  }
0x1e4: {  	_ =	swait.ge [sflag:s18], $0xC800  }
0x1e5: {  	[sflag:s18] =	ssyncset.done $0x0  }
0x1e6: {  	s23 =	simm.s32 $0xDC00;
	[sflag:s18] =	ssyncadd.s32 $0xFFFF3800  }
0x1e7: {  	[tilespmem:s14], [sflag:$0x1] =	stream.indirect.gather [hbm4b:s3+s13], $0x40, s20, s13, $0xb8;
	[tilespmem:$0x1B6C0] =	vst v63  }
0x1e8: {  	v1 =	vld [tilespmem:s23+$0xFFFFFEC0]  }
0x1e9: {  	v2 =	vld [tilespmem:s23+$0x80]  }
0x1ea: {  	v3 =	vld [tilespmem:s23+$0x40]  }
0x1eb: {  	v41 =	vld [tilespmem:s23+$0x0]  }
0x1ec: {  	v42 =	vld [tilespmem:s23+$0xFFFFFFC0]  }
0x1ed: {  	v43 =	vld [tilespmem:s23+$0xFFFFFF80]  }
0x1ee: {  	v44 =	vld [tilespmem:s23+$0xFFFFFF40]  }
0x1ef: {  	v45 =	vld [tilespmem:s23+$0xFFFFFF00];
	_ =	sdelay $0x2  }
0x1f0: {  	v46 =	vld [tilespmem:s23+$0x100]  }
0x1f1: {  	v47 =	vld [tilespmem:s23+$0xC0];
	v2 =	vadd.bf16 v2, v3;
	v3 =	vadd.bf16 v41, v42  }
0x1f2: {  	v48 =	vadd.bf16 v43, v44;
	v1 =	vadd.bf16 v45, v1;
	_ =	sdelay $0x1  }
0x1f3: {  	v1 =	vadd.bf16 v48, v1;
	v2 =	vadd.bf16 v2, v3;
	_ =	sdelay $0x1  }
0x1f4: {  	v3 =	vadd.bf16 v46, v47;
	v1 =	vadd.bf16 v2, v1;
	_ =	sdelay $0x1  }
0x1f5: {  	v1 =	vadd.bf16 v3, v1;
	_ =	sdelay $0x1  }
0x1f6: {  	s24 =	simm.s32 $0x0;
	v1 =	vmax.bf16 v1, v0  }
0x1f7: {  	[tilespmem:s24+$0x1A2C0] =	vst v1  }
0x1f8: {  	v1 =	vld [tilespmem:s23+$0x90]  }
0x1f9: {  	v2 =	vld [tilespmem:s23+$0xFFFFFF90]  }
0x1fa: {  	v3 =	vld [tilespmem:s23+$0x10]  }
0x1fb: {  	v49 =	vld [tilespmem:s23+$0xFFFFFF50]  }
0x1fc: {  	v50 =	vld [tilespmem:s23+$0xFFFFFED0]  }
0x1fd: {  	v51 =	vld [tilespmem:s23+$0x50]  }
0x1fe: {  	v52 =	vld [tilespmem:s23+$0xFFFFFFD0]  }
0x1ff: {  	v53 =	vld [tilespmem:s23+$0xFFFFFF10];
	_ =	sdelay $0x2  }
0x200: {  	v54 =	vld [tilespmem:s23+$0x110]  }
0x201: {  	v10 =	vld [tilespmem:s23+$0xD0];
	v2 =	vadd.bf16 v2, v49;
	v1 =	vadd.bf16 v1, v51  }
0x202: {  	v3 =	vadd.bf16 v3, v52;
	v55 =	vadd.bf16 v53, v50;
	_ =	sdelay $0x1  }
0x203: {  	v2 =	vadd.bf16 v2, v55;
	v1 =	vadd.bf16 v1, v3;
	_ =	sdelay $0x1  }
0x204: {  	v3 =	vadd.bf16 v54, v10;
	v1 =	vadd.bf16 v1, v2;
	_ =	sdelay $0x1  }
0x205: {  	v1 =	vadd.bf16 v3, v1;
	_ =	sdelay $0x1  }
0x206: {  	v1 =	vmax.bf16 v1, v0  }
0x207: {  	[tilespmem:s24+$0x1A2D0] =	vst v1  }
0x208: {  	v1 =	vld [tilespmem:s23+$0xFFFFFFE0]  }
0x209: {  	v2 =	vld [tilespmem:s23+$0xA0]  }
0x20a: {  	v3 =	vld [tilespmem:s23+$0x20]  }
0x20b: {  	v56 =	vld [tilespmem:s23+$0x60]  }
0x20c: {  	v57 =	vld [tilespmem:s23+$0xFFFFFF20]  }
0x20d: {  	v58 =	vld [tilespmem:s23+$0xFFFFFEE0]  }
0x20e: {  	v59 =	vld [tilespmem:s23+$0xFFFFFF60]  }
0x20f: {  	v60 =	vld [tilespmem:s23+$0xFFFFFFA0];
	_ =	sdelay $0x2  }
0x210: {  	v61 =	vld [tilespmem:s23+$0x120]  }
0x211: {  	v62 =	vld [tilespmem:s23+$0xE0];
	v1 =	vadd.bf16 v3, v1;
	v3 =	vadd.bf16 v57, v58  }
0x212: {  	v2 =	vadd.bf16 v2, v56;
	v63 =	vadd.bf16 v60, v59;
	_ =	sdelay $0x1  }
0x213: {  	v1 =	vadd.bf16 v2, v1;
	v2 =	vadd.bf16 v63, v3;
	_ =	sdelay $0x1  }
0x214: {  	v3 =	vadd.bf16 v61, v62;
	v1 =	vadd.bf16 v1, v2;
	_ =	sdelay $0x1  }
0x215: {  	v1 =	vadd.bf16 v3, v1;
	_ =	sdelay $0x1  }
0x216: {  	v1 =	vmax.bf16 v1, v0  }
0x217: {  	s25 =	simm.s32 $0x100;
	s26 =	simm.s32 $0xDC00;
	[tilespmem:s24+$0x1A2E0] =	vst v1  }
.LBB2_9:
0x218: {  	p1 =	sne.s32 s25, $0x4F00  }
0x219: {  	v1 =	vld [tilespmem:s23+$0x30];
	s26 =	sadd.s32 $0x280, s26;
	s28 =	smov.u32 s25;
	s25 =	sadd.s32 $0x100, s25  }
0x21a: {  	v2 =	vld [tilespmem:s23+$0xB0]  }
0x21b: {  	v3 =	vld [tilespmem:s23+$0xFFFFFFF0]  }
0x21c: {  	v4 =	vld [tilespmem:s23+$0x70]  }
0x21d: {  	v5 =	vld [tilespmem:s23+$0xFFFFFEF0]  }
0x21e: {  	v6 =	vld [tilespmem:s23+$0xFFFFFFB0]  }
0x21f: {  	v7 =	vld [tilespmem:s23+$0xFFFFFF30]  }
0x220: {  	v8 =	vld [tilespmem:s23+$0xFFFFFF70];
	v1 =	vadd.bf16 v1, v3  }
0x221: {  	v2 =	vadd.bf16 v2, v4  }
0x222: {  	v3 =	vld [tilespmem:s23+$0x130]  }
0x223: {  	v4 =	vld [tilespmem:s23+$0xF0];
	s23 =	smov.u32 s26  }
0x224: {  	v5 =	vadd.bf16 v7, v5  }
0x225: {  	v6 =	vadd.bf16 v6, v8  }
0x226: {  	v1 =	vadd.bf16 v2, v1  }
0x227: {  	v2 =	vadd.bf16 v6, v5  }
0x228: {  	v3 =	vadd.bf16 v3, v4  }
0x229: {  	v1 =	vadd.bf16 v1, v2;
	_ =	sdelay $0x1  }
0x22a: {  	v1 =	vadd.bf16 v3, v1;
	_ =	sdelay $0x1  }
0x22b: {  	v1 =	vmax.bf16 v1, v0  }
0x22c: {  	[tilespmem:s24+$0x1A2F0] =	vst v1  }
0x22d: {  	v1 =	vld [tilespmem:s26+$0xFFFFFEC0]  }
0x22e: {  	v2 =	vld [tilespmem:s26+$0x80]  }
0x22f: {  	v3 =	vld [tilespmem:s26+$0x40]  }
0x230: {  	v4 =	vld [tilespmem:s26+$0x0]  }
0x231: {  	v5 =	vld [tilespmem:s26+$0xFFFFFFC0]  }
0x232: {  	v6 =	vld [tilespmem:s26+$0xFFFFFF80]  }
0x233: {  	v7 =	vld [tilespmem:s26+$0xFFFFFF40]  }
0x234: {  	v8 =	vld [tilespmem:s26+$0xFFFFFF00];
	v2 =	vadd.bf16 v2, v3;
	_ =	sdelay $0x1  }
0x235: {  	v3 =	vadd.bf16 v4, v5  }
0x236: {  	v4 =	vld [tilespmem:s26+$0x100]  }
0x237: {  	v5 =	vld [tilespmem:s26+$0xC0];
	v6 =	vadd.bf16 v6, v7  }
0x238: {  	v1 =	vadd.bf16 v8, v1;
	_ =	sdelay $0x1  }
0x239: {  	v2 =	vadd.bf16 v2, v3;
	v1 =	vadd.bf16 v6, v1;
	_ =	sdelay $0x1  }
0x23a: {  	v3 =	vadd.bf16 v4, v5;
	v1 =	vadd.bf16 v2, v1;
	_ =	sdelay $0x1  }
0x23b: {  	v1 =	vadd.bf16 v3, v1;
	_ =	sdelay $0x1  }
0x23c: {  	s24 =	sshra.s32 s28, $0x2;
	v1 =	vmax.bf16 v1, v0  }
0x23d: {  	[tilespmem:s24+$0x1A2C0] =	vst v1  }
0x23e: {  	v1 =	vld [tilespmem:s26+$0x90]  }
0x23f: {  	v2 =	vld [tilespmem:s26+$0xFFFFFF90]  }
0x240: {  	v3 =	vld [tilespmem:s26+$0x10]  }
0x241: {  	v4 =	vld [tilespmem:s26+$0xFFFFFF50]  }
0x242: {  	v5 =	vld [tilespmem:s26+$0xFFFFFED0]  }
0x243: {  	v6 =	vld [tilespmem:s26+$0x50]  }
0x244: {  	v7 =	vld [tilespmem:s26+$0xFFFFFFD0]  }
0x245: {  	v8 =	vld [tilespmem:s26+$0xFFFFFF10];
	_ =	sdelay $0x1  }
0x246: {  	v9 =	vld [tilespmem:s26+$0x110]  }
0x247: {  	v2 =	vadd.bf16 v2, v4;
	v10 =	vld [tilespmem:s26+$0xD0];
	v1 =	vadd.bf16 v1, v6  }
0x248: {  	v3 =	vadd.bf16 v3, v7  }
0x249: {  	v4 =	vadd.bf16 v8, v5;
	_ =	sdelay $0x1  }
0x24a: {  	v1 =	vadd.bf16 v1, v3;
	v2 =	vadd.bf16 v2, v4  }
0x24b: {  	v3 =	vadd.bf16 v9, v10  }
0x24c: {  	v1 =	vadd.bf16 v1, v2;
	_ =	sdelay $0x1  }
0x24d: {  	v1 =	vadd.bf16 v3, v1;
	_ =	sdelay $0x1  }
0x24e: {  	v1 =	vmax.bf16 v1, v0  }
0x24f: {  	[tilespmem:s24+$0x1A2D0] =	vst v1  }
0x250: {  	v1 =	vld [tilespmem:s26+$0xFFFFFFE0]  }
0x251: {  	v2 =	vld [tilespmem:s26+$0xA0]  }
0x252: {  	v3 =	vld [tilespmem:s26+$0x20]  }
0x253: {  	v4 =	vld [tilespmem:s26+$0x60]  }
0x254: {  	v5 =	vld [tilespmem:s26+$0xFFFFFF20]  }
0x255: {  	v6 =	vld [tilespmem:s26+$0xFFFFFEE0]  }
0x256: {  	v7 =	vld [tilespmem:s26+$0xFFFFFF60]  }
0x257: {  	v8 =	vld [tilespmem:s26+$0xFFFFFFA0];
	v1 =	vadd.bf16 v3, v1;
	_ =	sdelay $0x2  }
0x258: {  	v2 =	vadd.bf16 v2, v4;
	v3 =	vld [tilespmem:s26+$0x120];
	v5 =	vadd.bf16 v5, v6  }
0x259: {  	v4 =	vld [tilespmem:s26+$0xE0]  }
0x25a: {  	v6 =	vadd.bf16 v8, v7  }
0x25b: {  	v1 =	vadd.bf16 v2, v1  }
0x25c: {  	v2 =	vadd.bf16 v6, v5;
	_ =	sdelay $0x1  }
0x25d: {  	v3 =	vadd.bf16 v3, v4;
	v1 =	vadd.bf16 v1, v2  }
.Ltmp6:
0x25e: {  	(pc) =	sbr.rel @p1 .LBB2_9-.Ltmp6, $3  }
0x25f: {  	v1 =	vadd.bf16 v3, v1;
	_ =	sdelay $0x1  }
0x260: {  	v1 =	vmax.bf16 v1, v0  }
0x261: {  	[tilespmem:s24+$0x1A2E0] =	vst v1  }
0x262: {  	v1 =	vld [tilespmem:s23+$0x30]  }
0x263: {  	v2 =	vld [tilespmem:s23+$0xB0]  }
0x264: {  	v3 =	vld [tilespmem:s23+$0xFFFFFFF0]  }
0x265: {  	v4 =	vld [tilespmem:s23+$0x70]  }
0x266: {  	v5 =	vld [tilespmem:s23+$0xFFFFFEF0]  }
0x267: {  	v6 =	vld [tilespmem:s23+$0xFFFFFFB0]  }
0x268: {  	v7 =	vld [tilespmem:s23+$0xFFFFFF30]  }
0x269: {  	v8 =	vld [tilespmem:s23+$0xFFFFFF70];
	_ =	sdelay $0x2  }
0x26a: {  	v9 =	vld [tilespmem:s23+$0x130]  }
0x26b: {  	v1 =	vadd.bf16 v1, v3;
	v2 =	vadd.bf16 v2, v4;
	v3 =	vld [tilespmem:s23+$0xF0]  }
0x26c: {  	v39 =	vadd.bf16 v7, v5;
	v40 =	vadd.bf16 v6, v8;
	_ =	sdelay $0x1  }
0x26d: {  	v1 =	vadd.bf16 v2, v1;
	v2 =	vadd.bf16 v40, v39;
	_ =	sdelay $0x1  }
0x26e: {  	v1 =	vadd.bf16 v1, v2;
	v3 =	vadd.bf16 v9, v3;
	_ =	sdelay $0x1  }
0x26f: {  	v1 =	vadd.bf16 v3, v1;
	_ =	sdelay $0x1  }
0x270: {  	v1 =	vmax.bf16 v1, v0  }
0x271: {  	s31 =	simm.s32 $0x0;
	[tilespmem:s24+$0x1A2F0] =	vst v1  }
0x272: {  	[hbm4b:s8+s31] =	stream.linear.scatter [tilespmem:s17], [sflag:$0x3], $0x1400, $0x38;
	[tilespmem:$0x1B6C0] =	vst v63  }
0x273: {  	_ =	swait.ge [sflag:s12], $0x1400  }
0x274: {  	[sflag:s12] =	ssyncset.done $0x0  }
0x275: {  	[sflag:s12] =	ssyncadd.s32 $0xFFFFEC00  }
0x276: {  	_ =	swait.ge [sflag:s15], $0xC800  }
0x277: {  	[sflag:s15] =	ssyncset.done $0x0  }
0x278: {  	s23 =	simm.s32 $0x1400;
	[sflag:s15] =	ssyncadd.s32 $0xFFFF3800  }
0x279: {  	[tilespmem:s16], [sflag:$0x2] =	stream.indirect.gather [hbm4b:s3+s13], $0x40, s21, s13, $0xb8;
	[tilespmem:$0x1B6C0] =	vst v63  }
0x27a: {  	v1 =	vld [tilespmem:s23+$0xFFFFFEC0]  }
0x27b: {  	v2 =	vld [tilespmem:s23+$0x80]  }
0x27c: {  	v3 =	vld [tilespmem:s23+$0x40]  }
0x27d: {  	v41 =	vld [tilespmem:s23+$0x0]  }
0x27e: {  	v42 =	vld [tilespmem:s23+$0xFFFFFFC0]  }
0x27f: {  	v43 =	vld [tilespmem:s23+$0xFFFFFF80]  }
0x280: {  	v44 =	vld [tilespmem:s23+$0xFFFFFF40]  }
0x281: {  	v45 =	vld [tilespmem:s23+$0xFFFFFF00];
	_ =	sdelay $0x2  }
0x282: {  	v46 =	vld [tilespmem:s23+$0x100]  }
0x283: {  	v47 =	vld [tilespmem:s23+$0xC0];
	v2 =	vadd.bf16 v2, v3;
	v3 =	vadd.bf16 v41, v42  }
0x284: {  	v48 =	vadd.bf16 v43, v44;
	v1 =	vadd.bf16 v45, v1;
	_ =	sdelay $0x1  }
0x285: {  	v1 =	vadd.bf16 v48, v1;
	v2 =	vadd.bf16 v2, v3;
	_ =	sdelay $0x1  }
0x286: {  	v3 =	vadd.bf16 v46, v47;
	v1 =	vadd.bf16 v2, v1;
	_ =	sdelay $0x1  }
0x287: {  	v1 =	vadd.bf16 v3, v1;
	_ =	sdelay $0x1  }
0x288: {  	s24 =	simm.s32 $0x0;
	v1 =	vmax.bf16 v1, v0  }
0x289: {  	[tilespmem:s24+$0x1A2C0] =	vst v1  }
0x28a: {  	v1 =	vld [tilespmem:s23+$0x90]  }
0x28b: {  	v2 =	vld [tilespmem:s23+$0xFFFFFF90]  }
0x28c: {  	v3 =	vld [tilespmem:s23+$0x10]  }
0x28d: {  	v49 =	vld [tilespmem:s23+$0xFFFFFF50]  }
0x28e: {  	v50 =	vld [tilespmem:s23+$0xFFFFFED0]  }
0x28f: {  	v51 =	vld [tilespmem:s23+$0x50]  }
0x290: {  	v52 =	vld [tilespmem:s23+$0xFFFFFFD0]  }
0x291: {  	v53 =	vld [tilespmem:s23+$0xFFFFFF10];
	_ =	sdelay $0x2  }
0x292: {  	v54 =	vld [tilespmem:s23+$0x110]  }
0x293: {  	v10 =	vld [tilespmem:s23+$0xD0];
	v2 =	vadd.bf16 v2, v49;
	v1 =	vadd.bf16 v1, v51  }
0x294: {  	v3 =	vadd.bf16 v3, v52;
	v55 =	vadd.bf16 v53, v50;
	_ =	sdelay $0x1  }
0x295: {  	v2 =	vadd.bf16 v2, v55;
	v1 =	vadd.bf16 v1, v3;
	_ =	sdelay $0x1  }
0x296: {  	v3 =	vadd.bf16 v54, v10;
	v1 =	vadd.bf16 v1, v2;
	_ =	sdelay $0x1  }
0x297: {  	v1 =	vadd.bf16 v3, v1;
	_ =	sdelay $0x1  }
0x298: {  	v1 =	vmax.bf16 v1, v0  }
0x299: {  	[tilespmem:s24+$0x1A2D0] =	vst v1  }
0x29a: {  	v1 =	vld [tilespmem:s23+$0xFFFFFFE0]  }
0x29b: {  	v2 =	vld [tilespmem:s23+$0xA0]  }
0x29c: {  	v3 =	vld [tilespmem:s23+$0x20]  }
0x29d: {  	v56 =	vld [tilespmem:s23+$0x60]  }
0x29e: {  	v57 =	vld [tilespmem:s23+$0xFFFFFF20]  }
0x29f: {  	v58 =	vld [tilespmem:s23+$0xFFFFFEE0]  }
0x2a0: {  	v59 =	vld [tilespmem:s23+$0xFFFFFF60]  }
0x2a1: {  	v60 =	vld [tilespmem:s23+$0xFFFFFFA0];
	_ =	sdelay $0x2  }
0x2a2: {  	v61 =	vld [tilespmem:s23+$0x120]  }
0x2a3: {  	v62 =	vld [tilespmem:s23+$0xE0];
	v1 =	vadd.bf16 v3, v1;
	v3 =	vadd.bf16 v57, v58  }
0x2a4: {  	v2 =	vadd.bf16 v2, v56;
	v63 =	vadd.bf16 v60, v59;
	_ =	sdelay $0x1  }
0x2a5: {  	v1 =	vadd.bf16 v2, v1;
	v2 =	vadd.bf16 v63, v3;
	_ =	sdelay $0x1  }
0x2a6: {  	v3 =	vadd.bf16 v61, v62;
	v1 =	vadd.bf16 v1, v2;
	_ =	sdelay $0x1  }
0x2a7: {  	v1 =	vadd.bf16 v3, v1;
	_ =	sdelay $0x1  }
0x2a8: {  	v1 =	vmax.bf16 v1, v0  }
0x2a9: {  	s25 =	simm.s32 $0x100;
	s26 =	simm.s32 $0x1400;
	[tilespmem:s24+$0x1A2E0] =	vst v1  }
.LBB2_11:
0x2aa: {  	p1 =	sne.s32 s25, $0x4F00  }
0x2ab: {  	v1 =	vld [tilespmem:s23+$0x30];
	s26 =	sadd.s32 $0x280, s26;
	s28 =	smov.u32 s25;
	s25 =	sadd.s32 $0x100, s25  }
0x2ac: {  	v2 =	vld [tilespmem:s23+$0xB0]  }
0x2ad: {  	v3 =	vld [tilespmem:s23+$0xFFFFFFF0]  }
0x2ae: {  	v4 =	vld [tilespmem:s23+$0x70]  }
0x2af: {  	v5 =	vld [tilespmem:s23+$0xFFFFFEF0]  }
0x2b0: {  	v6 =	vld [tilespmem:s23+$0xFFFFFFB0]  }
0x2b1: {  	v7 =	vld [tilespmem:s23+$0xFFFFFF30]  }
0x2b2: {  	v8 =	vld [tilespmem:s23+$0xFFFFFF70];
	v1 =	vadd.bf16 v1, v3  }
0x2b3: {  	v2 =	vadd.bf16 v2, v4  }
0x2b4: {  	v3 =	vld [tilespmem:s23+$0x130]  }
0x2b5: {  	v4 =	vld [tilespmem:s23+$0xF0];
	s23 =	smov.u32 s26  }
0x2b6: {  	v5 =	vadd.bf16 v7, v5  }
0x2b7: {  	v6 =	vadd.bf16 v6, v8  }
0x2b8: {  	v1 =	vadd.bf16 v2, v1  }
0x2b9: {  	v2 =	vadd.bf16 v6, v5  }
0x2ba: {  	v3 =	vadd.bf16 v3, v4  }
0x2bb: {  	v1 =	vadd.bf16 v1, v2;
	_ =	sdelay $0x1  }
0x2bc: {  	v1 =	vadd.bf16 v3, v1;
	_ =	sdelay $0x1  }
0x2bd: {  	v1 =	vmax.bf16 v1, v0  }
0x2be: {  	[tilespmem:s24+$0x1A2F0] =	vst v1  }
0x2bf: {  	v1 =	vld [tilespmem:s26+$0xFFFFFEC0]  }
0x2c0: {  	v2 =	vld [tilespmem:s26+$0x80]  }
0x2c1: {  	v3 =	vld [tilespmem:s26+$0x40]  }
0x2c2: {  	v4 =	vld [tilespmem:s26+$0x0]  }
0x2c3: {  	v5 =	vld [tilespmem:s26+$0xFFFFFFC0]  }
0x2c4: {  	v6 =	vld [tilespmem:s26+$0xFFFFFF80]  }
0x2c5: {  	v7 =	vld [tilespmem:s26+$0xFFFFFF40]  }
0x2c6: {  	v8 =	vld [tilespmem:s26+$0xFFFFFF00];
	v2 =	vadd.bf16 v2, v3;
	_ =	sdelay $0x1  }
0x2c7: {  	v3 =	vadd.bf16 v4, v5  }
0x2c8: {  	v4 =	vld [tilespmem:s26+$0x100]  }
0x2c9: {  	v5 =	vld [tilespmem:s26+$0xC0];
	v6 =	vadd.bf16 v6, v7  }
0x2ca: {  	v1 =	vadd.bf16 v8, v1;
	_ =	sdelay $0x1  }
0x2cb: {  	v2 =	vadd.bf16 v2, v3;
	v1 =	vadd.bf16 v6, v1;
	_ =	sdelay $0x1  }
0x2cc: {  	v3 =	vadd.bf16 v4, v5;
	v1 =	vadd.bf16 v2, v1;
	_ =	sdelay $0x1  }
0x2cd: {  	v1 =	vadd.bf16 v3, v1;
	_ =	sdelay $0x1  }
0x2ce: {  	s24 =	sshra.s32 s28, $0x2;
	v1 =	vmax.bf16 v1, v0  }
0x2cf: {  	[tilespmem:s24+$0x1A2C0] =	vst v1  }
0x2d0: {  	v1 =	vld [tilespmem:s26+$0x90]  }
0x2d1: {  	v2 =	vld [tilespmem:s26+$0xFFFFFF90]  }
0x2d2: {  	v3 =	vld [tilespmem:s26+$0x10]  }
0x2d3: {  	v4 =	vld [tilespmem:s26+$0xFFFFFF50]  }
0x2d4: {  	v5 =	vld [tilespmem:s26+$0xFFFFFED0]  }
0x2d5: {  	v6 =	vld [tilespmem:s26+$0x50]  }
0x2d6: {  	v7 =	vld [tilespmem:s26+$0xFFFFFFD0]  }
0x2d7: {  	v8 =	vld [tilespmem:s26+$0xFFFFFF10];
	_ =	sdelay $0x1  }
0x2d8: {  	v9 =	vld [tilespmem:s26+$0x110]  }
0x2d9: {  	v2 =	vadd.bf16 v2, v4;
	v10 =	vld [tilespmem:s26+$0xD0];
	v1 =	vadd.bf16 v1, v6  }
0x2da: {  	v3 =	vadd.bf16 v3, v7  }
0x2db: {  	v4 =	vadd.bf16 v8, v5;
	_ =	sdelay $0x1  }
0x2dc: {  	v1 =	vadd.bf16 v1, v3;
	v2 =	vadd.bf16 v2, v4  }
0x2dd: {  	v3 =	vadd.bf16 v9, v10  }
0x2de: {  	v1 =	vadd.bf16 v1, v2;
	_ =	sdelay $0x1  }
0x2df: {  	v1 =	vadd.bf16 v3, v1;
	_ =	sdelay $0x1  }
0x2e0: {  	v1 =	vmax.bf16 v1, v0  }
0x2e1: {  	[tilespmem:s24+$0x1A2D0] =	vst v1  }
0x2e2: {  	v1 =	vld [tilespmem:s26+$0xFFFFFFE0]  }
0x2e3: {  	v2 =	vld [tilespmem:s26+$0xA0]  }
0x2e4: {  	v3 =	vld [tilespmem:s26+$0x20]  }
0x2e5: {  	v4 =	vld [tilespmem:s26+$0x60]  }
0x2e6: {  	v5 =	vld [tilespmem:s26+$0xFFFFFF20]  }
0x2e7: {  	v6 =	vld [tilespmem:s26+$0xFFFFFEE0]  }
0x2e8: {  	v7 =	vld [tilespmem:s26+$0xFFFFFF60]  }
0x2e9: {  	v8 =	vld [tilespmem:s26+$0xFFFFFFA0];
	v1 =	vadd.bf16 v3, v1;
	_ =	sdelay $0x2  }
0x2ea: {  	v2 =	vadd.bf16 v2, v4;
	v3 =	vld [tilespmem:s26+$0x120];
	v5 =	vadd.bf16 v5, v6  }
0x2eb: {  	v4 =	vld [tilespmem:s26+$0xE0]  }
0x2ec: {  	v6 =	vadd.bf16 v8, v7  }
0x2ed: {  	v1 =	vadd.bf16 v2, v1  }
0x2ee: {  	v2 =	vadd.bf16 v6, v5;
	_ =	sdelay $0x1  }
0x2ef: {  	v3 =	vadd.bf16 v3, v4;
	v1 =	vadd.bf16 v1, v2  }
.Ltmp7:
0x2f0: {  	(pc) =	sbr.rel @p1 .LBB2_11-.Ltmp7, $3  }
0x2f1: {  	v1 =	vadd.bf16 v3, v1;
	_ =	sdelay $0x1  }
0x2f2: {  	v1 =	vmax.bf16 v1, v0  }
0x2f3: {  	[tilespmem:s24+$0x1A2E0] =	vst v1  }
0x2f4: {  	v1 =	vld [tilespmem:s23+$0x30]  }
0x2f5: {  	v2 =	vld [tilespmem:s23+$0xB0]  }
0x2f6: {  	v3 =	vld [tilespmem:s23+$0xFFFFFFF0]  }
0x2f7: {  	v4 =	vld [tilespmem:s23+$0x70]  }
0x2f8: {  	v5 =	vld [tilespmem:s23+$0xFFFFFEF0]  }
0x2f9: {  	v6 =	vld [tilespmem:s23+$0xFFFFFFB0]  }
0x2fa: {  	v7 =	vld [tilespmem:s23+$0xFFFFFF30]  }
0x2fb: {  	v8 =	vld [tilespmem:s23+$0xFFFFFF70];
	_ =	sdelay $0x2  }
0x2fc: {  	v9 =	vld [tilespmem:s23+$0x130]  }
0x2fd: {  	v1 =	vadd.bf16 v1, v3;
	v2 =	vadd.bf16 v2, v4;
	v3 =	vld [tilespmem:s23+$0xF0]  }
0x2fe: {  	v39 =	vadd.bf16 v7, v5;
	v40 =	vadd.bf16 v6, v8;
	_ =	sdelay $0x1  }
0x2ff: {  	v1 =	vadd.bf16 v2, v1;
	v2 =	vadd.bf16 v40, v39;
	_ =	sdelay $0x1  }
0x300: {  	v1 =	vadd.bf16 v1, v2;
	v3 =	vadd.bf16 v9, v3;
	_ =	sdelay $0x1  }
0x301: {  	v1 =	vadd.bf16 v3, v1;
	_ =	sdelay $0x1  }
0x302: {  	v1 =	vmax.bf16 v1, v0  }
0x303: {  	s31 =	simm.s32 $0x0;
	[tilespmem:s24+$0x1A2F0] =	vst v1  }
0x304: {  	[hbm4b:s9+s31] =	stream.linear.scatter [tilespmem:s17], [sflag:$0x3], $0x1400, $0x38;
	[tilespmem:$0x1B6C0] =	vst v63  }
0x305: {  	_ =	swait.ge [sflag:s12], $0x1400  }
0x306: {  	[sflag:s12] =	ssyncset.done $0x0  }
0x307: {  	[sflag:s12] =	ssyncadd.s32 $0xFFFFEC00  }
0x308: {  	_ =	swait.ge [sflag:s18], $0xC800  }
0x309: {  	[sflag:s18] =	ssyncset.done $0x0  }
0x30a: {  	s23 =	simm.s32 $0xDC00;
	[sflag:s18] =	ssyncadd.s32 $0xFFFF3800  }
0x30b: {  	v1 =	vld [tilespmem:s23+$0xFFFFFEC0]  }
0x30c: {  	v2 =	vld [tilespmem:s23+$0x80]  }
0x30d: {  	v3 =	vld [tilespmem:s23+$0x40]  }
0x30e: {  	v41 =	vld [tilespmem:s23+$0x0]  }
0x30f: {  	v42 =	vld [tilespmem:s23+$0xFFFFFFC0]  }
0x310: {  	v43 =	vld [tilespmem:s23+$0xFFFFFF80]  }
0x311: {  	v44 =	vld [tilespmem:s23+$0xFFFFFF40]  }
0x312: {  	v45 =	vld [tilespmem:s23+$0xFFFFFF00];
	_ =	sdelay $0x2  }
0x313: {  	v46 =	vld [tilespmem:s23+$0x100]  }
0x314: {  	v47 =	vld [tilespmem:s23+$0xC0];
	v2 =	vadd.bf16 v2, v3;
	v3 =	vadd.bf16 v41, v42  }
0x315: {  	v48 =	vadd.bf16 v43, v44;
	v1 =	vadd.bf16 v45, v1;
	_ =	sdelay $0x1  }
0x316: {  	v1 =	vadd.bf16 v48, v1;
	v2 =	vadd.bf16 v2, v3;
	_ =	sdelay $0x1  }
0x317: {  	v3 =	vadd.bf16 v46, v47;
	v1 =	vadd.bf16 v2, v1;
	_ =	sdelay $0x1  }
0x318: {  	v1 =	vadd.bf16 v3, v1;
	_ =	sdelay $0x1  }
0x319: {  	s24 =	simm.s32 $0x0;
	v1 =	vmax.bf16 v1, v0  }
0x31a: {  	[tilespmem:s24+$0x1A2C0] =	vst v1  }
0x31b: {  	v1 =	vld [tilespmem:s23+$0x90]  }
0x31c: {  	v2 =	vld [tilespmem:s23+$0xFFFFFF90]  }
0x31d: {  	v3 =	vld [tilespmem:s23+$0x10]  }
0x31e: {  	v49 =	vld [tilespmem:s23+$0xFFFFFF50]  }
0x31f: {  	v50 =	vld [tilespmem:s23+$0xFFFFFED0]  }
0x320: {  	v51 =	vld [tilespmem:s23+$0x50]  }
0x321: {  	v52 =	vld [tilespmem:s23+$0xFFFFFFD0]  }
0x322: {  	v53 =	vld [tilespmem:s23+$0xFFFFFF10];
	_ =	sdelay $0x2  }
0x323: {  	v54 =	vld [tilespmem:s23+$0x110]  }
0x324: {  	v10 =	vld [tilespmem:s23+$0xD0];
	v2 =	vadd.bf16 v2, v49;
	v1 =	vadd.bf16 v1, v51  }
0x325: {  	v3 =	vadd.bf16 v3, v52;
	v55 =	vadd.bf16 v53, v50;
	_ =	sdelay $0x1  }
0x326: {  	v2 =	vadd.bf16 v2, v55;
	v1 =	vadd.bf16 v1, v3;
	_ =	sdelay $0x1  }
0x327: {  	v3 =	vadd.bf16 v54, v10;
	v1 =	vadd.bf16 v1, v2;
	_ =	sdelay $0x1  }
0x328: {  	v1 =	vadd.bf16 v3, v1;
	_ =	sdelay $0x1  }
0x329: {  	v1 =	vmax.bf16 v1, v0  }
0x32a: {  	[tilespmem:s24+$0x1A2D0] =	vst v1  }
0x32b: {  	v1 =	vld [tilespmem:s23+$0xFFFFFFE0]  }
0x32c: {  	v2 =	vld [tilespmem:s23+$0xA0]  }
0x32d: {  	v3 =	vld [tilespmem:s23+$0x20]  }
0x32e: {  	v56 =	vld [tilespmem:s23+$0x60]  }
0x32f: {  	v57 =	vld [tilespmem:s23+$0xFFFFFF20]  }
0x330: {  	v58 =	vld [tilespmem:s23+$0xFFFFFEE0]  }
0x331: {  	v59 =	vld [tilespmem:s23+$0xFFFFFF60]  }
0x332: {  	v60 =	vld [tilespmem:s23+$0xFFFFFFA0];
	_ =	sdelay $0x2  }
0x333: {  	v61 =	vld [tilespmem:s23+$0x120]  }
0x334: {  	v62 =	vld [tilespmem:s23+$0xE0];
	v1 =	vadd.bf16 v3, v1;
	v3 =	vadd.bf16 v57, v58  }
0x335: {  	v2 =	vadd.bf16 v2, v56;
	v63 =	vadd.bf16 v60, v59;
	_ =	sdelay $0x1  }
0x336: {  	v1 =	vadd.bf16 v2, v1;
	v2 =	vadd.bf16 v63, v3;
	_ =	sdelay $0x1  }
0x337: {  	v3 =	vadd.bf16 v61, v62;
	v1 =	vadd.bf16 v1, v2;
	_ =	sdelay $0x1  }
0x338: {  	v1 =	vadd.bf16 v3, v1;
	_ =	sdelay $0x1  }
0x339: {  	v1 =	vmax.bf16 v1, v0  }
0x33a: {  	s25 =	simm.s32 $0x100;
	s26 =	simm.s32 $0xDC00;
	[tilespmem:s24+$0x1A2E0] =	vst v1  }
.LBB2_13:
0x33b: {  	p1 =	sne.s32 s25, $0x4F00  }
0x33c: {  	v1 =	vld [tilespmem:s23+$0x30];
	s26 =	sadd.s32 $0x280, s26;
	s28 =	smov.u32 s25;
	s25 =	sadd.s32 $0x100, s25  }
0x33d: {  	v2 =	vld [tilespmem:s23+$0xB0]  }
0x33e: {  	v3 =	vld [tilespmem:s23+$0xFFFFFFF0]  }
0x33f: {  	v4 =	vld [tilespmem:s23+$0x70]  }
0x340: {  	v5 =	vld [tilespmem:s23+$0xFFFFFEF0]  }
0x341: {  	v6 =	vld [tilespmem:s23+$0xFFFFFFB0]  }
0x342: {  	v7 =	vld [tilespmem:s23+$0xFFFFFF30]  }
0x343: {  	v8 =	vld [tilespmem:s23+$0xFFFFFF70];
	v1 =	vadd.bf16 v1, v3  }
0x344: {  	v2 =	vadd.bf16 v2, v4  }
0x345: {  	v3 =	vld [tilespmem:s23+$0x130]  }
0x346: {  	v4 =	vld [tilespmem:s23+$0xF0];
	s23 =	smov.u32 s26  }
0x347: {  	v5 =	vadd.bf16 v7, v5  }
0x348: {  	v6 =	vadd.bf16 v6, v8  }
0x349: {  	v1 =	vadd.bf16 v2, v1  }
0x34a: {  	v2 =	vadd.bf16 v6, v5  }
0x34b: {  	v3 =	vadd.bf16 v3, v4  }
0x34c: {  	v1 =	vadd.bf16 v1, v2;
	_ =	sdelay $0x1  }
0x34d: {  	v1 =	vadd.bf16 v3, v1;
	_ =	sdelay $0x1  }
0x34e: {  	v1 =	vmax.bf16 v1, v0  }
0x34f: {  	[tilespmem:s24+$0x1A2F0] =	vst v1  }
0x350: {  	v1 =	vld [tilespmem:s26+$0xFFFFFEC0]  }
0x351: {  	v2 =	vld [tilespmem:s26+$0x80]  }
0x352: {  	v3 =	vld [tilespmem:s26+$0x40]  }
0x353: {  	v4 =	vld [tilespmem:s26+$0x0]  }
0x354: {  	v5 =	vld [tilespmem:s26+$0xFFFFFFC0]  }
0x355: {  	v6 =	vld [tilespmem:s26+$0xFFFFFF80]  }
0x356: {  	v7 =	vld [tilespmem:s26+$0xFFFFFF40]  }
0x357: {  	v8 =	vld [tilespmem:s26+$0xFFFFFF00];
	v2 =	vadd.bf16 v2, v3;
	_ =	sdelay $0x1  }
0x358: {  	v3 =	vadd.bf16 v4, v5  }
0x359: {  	v4 =	vld [tilespmem:s26+$0x100]  }
0x35a: {  	v5 =	vld [tilespmem:s26+$0xC0];
	v6 =	vadd.bf16 v6, v7  }
0x35b: {  	v1 =	vadd.bf16 v8, v1;
	_ =	sdelay $0x1  }
0x35c: {  	v2 =	vadd.bf16 v2, v3;
	v1 =	vadd.bf16 v6, v1;
	_ =	sdelay $0x1  }
0x35d: {  	v3 =	vadd.bf16 v4, v5;
	v1 =	vadd.bf16 v2, v1;
	_ =	sdelay $0x1  }
0x35e: {  	v1 =	vadd.bf16 v3, v1;
	_ =	sdelay $0x1  }
0x35f: {  	s24 =	sshra.s32 s28, $0x2;
	v1 =	vmax.bf16 v1, v0  }
0x360: {  	[tilespmem:s24+$0x1A2C0] =	vst v1  }
0x361: {  	v1 =	vld [tilespmem:s26+$0x90]  }
0x362: {  	v2 =	vld [tilespmem:s26+$0xFFFFFF90]  }
0x363: {  	v3 =	vld [tilespmem:s26+$0x10]  }
0x364: {  	v4 =	vld [tilespmem:s26+$0xFFFFFF50]  }
0x365: {  	v5 =	vld [tilespmem:s26+$0xFFFFFED0]  }
0x366: {  	v6 =	vld [tilespmem:s26+$0x50]  }
0x367: {  	v7 =	vld [tilespmem:s26+$0xFFFFFFD0]  }
0x368: {  	v8 =	vld [tilespmem:s26+$0xFFFFFF10];
	_ =	sdelay $0x1  }
0x369: {  	v9 =	vld [tilespmem:s26+$0x110]  }
0x36a: {  	v2 =	vadd.bf16 v2, v4;
	v10 =	vld [tilespmem:s26+$0xD0];
	v1 =	vadd.bf16 v1, v6  }
0x36b: {  	v3 =	vadd.bf16 v3, v7  }
0x36c: {  	v4 =	vadd.bf16 v8, v5;
	_ =	sdelay $0x1  }
0x36d: {  	v1 =	vadd.bf16 v1, v3;
	v2 =	vadd.bf16 v2, v4  }
0x36e: {  	v3 =	vadd.bf16 v9, v10  }
0x36f: {  	v1 =	vadd.bf16 v1, v2;
	_ =	sdelay $0x1  }
0x370: {  	v1 =	vadd.bf16 v3, v1;
	_ =	sdelay $0x1  }
0x371: {  	v1 =	vmax.bf16 v1, v0  }
0x372: {  	[tilespmem:s24+$0x1A2D0] =	vst v1  }
0x373: {  	v1 =	vld [tilespmem:s26+$0xFFFFFFE0]  }
0x374: {  	v2 =	vld [tilespmem:s26+$0xA0]  }
0x375: {  	v3 =	vld [tilespmem:s26+$0x20]  }
0x376: {  	v4 =	vld [tilespmem:s26+$0x60]  }
0x377: {  	v5 =	vld [tilespmem:s26+$0xFFFFFF20]  }
0x378: {  	v6 =	vld [tilespmem:s26+$0xFFFFFEE0]  }
0x379: {  	v7 =	vld [tilespmem:s26+$0xFFFFFF60]  }
0x37a: {  	v8 =	vld [tilespmem:s26+$0xFFFFFFA0];
	v1 =	vadd.bf16 v3, v1;
	_ =	sdelay $0x2  }
0x37b: {  	v2 =	vadd.bf16 v2, v4;
	v3 =	vld [tilespmem:s26+$0x120];
	v5 =	vadd.bf16 v5, v6  }
0x37c: {  	v4 =	vld [tilespmem:s26+$0xE0]  }
0x37d: {  	v6 =	vadd.bf16 v8, v7  }
0x37e: {  	v1 =	vadd.bf16 v2, v1  }
0x37f: {  	v2 =	vadd.bf16 v6, v5;
	_ =	sdelay $0x1  }
0x380: {  	v3 =	vadd.bf16 v3, v4;
	v1 =	vadd.bf16 v1, v2  }
.Ltmp8:
0x381: {  	(pc) =	sbr.rel @p1 .LBB2_13-.Ltmp8, $3  }
0x382: {  	v1 =	vadd.bf16 v3, v1;
	_ =	sdelay $0x1  }
0x383: {  	v1 =	vmax.bf16 v1, v0  }
0x384: {  	[tilespmem:s24+$0x1A2E0] =	vst v1  }
.Ltmp9:
0x385: {  	_ = 	snop;
	(pc) =	sbr.rel .LBB2_14-.Ltmp9, $1  }
0x386: {  	_ =	sdelay $0x3  }
.LBB2_16:
0x387: {  	_ =	sfence.sel $0x180000  }
0x388: {  	[bflag:$0x0] =	sbarrier.arrive $0xFFFF  }
0x389: {  	p0 =	sne.s32 s0, $0x0;
	_ =	strace $0x90000047  }
0x38a: {  	s0 =	sadd.s32 @!p0 $0x100000, s1;
	[bflag:$0x2] =	sbarrier.arrive $0xFFFF  }
0x38b: {  	[sflag:s0] =	ssyncadd.tile.s32 @!p0 $0x1;
	_ =	shalt  }
.Lfunc_end2:
_tile_overlayer_lowered:
.L_overlay_start_2:
0x38c: {  	(tag) =	ssettag $0x2  }
0x38d: {  	s0 =	rddreg [dreg:$0x0];
	s2 =	stileid.u32  }
0x38e: {  	s1 =	rddreg [dreg:$0x1];
	p0 =	sne.s32 s2, $0x0  }
0x38f: {  	s3 =	rddreg [dreg:$0x2];
	[bflag:$0x3] =	sbarrier.arrive $0xFFFF;
	s2 =	simm.s32 @!p0 $0x1C03  }
0x390: {  	[timem:s3], [sflag:s2] =	dma.local @!p0 [hbm:s0], s1  }
0x391: {  	s0 =	simm.s32 @!p0 $0x3  }
0x392: {  	_ =	swait.ge @!p0 [sflag:s0], s1  }
0x393: {  	s1 =	ssub.s32 @!p0 $0x0, s1;
	[sflag:s0] =	ssyncset.done @!p0 $0x0  }
0x394: {  	[sflag:s0] =	ssyncadd.s32 @!p0 s1  }
0x395: {  	[bflag:$0x3] =	sbarrier.arrive $0xFFFF  }
0x396: {  	_ =	shalt  }

</sc_bundles>
